<compile_context>
chip_gen: v7x
topology: tpu7x:2x2x1
jax: 0.10.2.dev20260603
libtpu: 0.0.44.dev20260713+nightly
codegen_flags: <defaults>
</compile_context>

<pallas_src>
import functools

import jax
import jax.numpy as jnp
from jax import lax
from jax.experimental import pallas as pl
from jax.experimental.pallas import tpu as pltpu
from jax.experimental.pallas import tpu_sc as plsc

N = 10000
E = 320000
D = 128

NC = 2
NS = 16
NW = NC * NS
CHUNK = 128
NCHUNK = 80
PHB = 40
EPAD = NW * NCHUNK * CHUNK
NPAD = 10112
ZROWS = 32
ROWS_PT = NPAD // NS
ZFULL = ROWS_PT // ZROWS
ZREM = ROWS_PT % ZROWS

_MESH = plsc.VectorSubcoreMesh(
    core_axis_name="c", subcore_axis_name="s", num_cores=NC, num_subcores=NS
)


def _zero_fill(zbuf, width):
    def body(i, _):
        for j in range(width // 16):
            zbuf[i, pl.ds(j * 16, 16)] = jnp.zeros((16,), jnp.float32)
        return 0
    lax.fori_loop(0, ZROWS, body, 0, unroll=False)


def _zero_acc(s, acc, zbuf, semz):
    zb = s * ROWS_PT
    def zacc(k, _):
        pltpu.async_copy(zbuf, acc.at[pl.ds(zb + k * ZROWS, ZROWS)], semz)
        return 0
    lax.fori_loop(0, ZFULL, zacc, 0, unroll=False)
    if ZREM:
        pltpu.async_copy(zbuf.at[pl.ds(0, ZREM)],
                         acc.at[pl.ds(zb + ZFULL * ZROWS, ZREM)], semz)
    def zdrain(k, _):
        pltpu.make_async_copy(zbuf, acc.at[pl.ds(zb, ZROWS)], semz).wait()
        return 0
    lax.fori_loop(0, ZFULL, zdrain, 0, unroll=False)
    if ZREM:
        pltpu.make_async_copy(zbuf.at[pl.ds(0, ZREM)],
                              acc.at[pl.ds(zb, ZREM)], semz).wait()


def _spmm_body(g_hbm, col_hbm, row_hbm, out_hbm,
               colv, rowv, buf, acc, zbuf, semg, semz):
    c = lax.axis_index("c")
    s = lax.axis_index("s")
    wid = s * NC + c
    ebase = wid * NCHUNK * CHUNK

    _zero_fill(zbuf, D)
    _zero_acc(s, acc, zbuf, semz)
    plsc.subcore_barrier()

    def step(j, _):
        off = ebase + j * CHUNK
        pltpu.sync_copy(col_hbm.at[pl.ds(off, CHUNK)], colv)
        pltpu.sync_copy(row_hbm.at[pl.ds(off, CHUNK)], rowv)
        pltpu.async_copy(g_hbm.at[colv], buf, semg).wait()
        pltpu.sync_copy(buf, acc.at[rowv], add=True)
        return 0
    lax.fori_loop(0, NCHUNK, step, 0, unroll=False)
    plsc.subcore_barrier()

    ob = s * ROWS_PT
    pltpu.sync_copy(acc.at[pl.ds(ob, ROWS_PT)],
                    out_hbm.at[pl.ds(c * NPAD + ob, ROWS_PT)])


_spmm_call = pl.kernel(
    _spmm_body,
    out_type=jax.ShapeDtypeStruct((NC * NPAD, D), jnp.float32),
    mesh=_MESH,
    scratch_types=[
        pltpu.VMEM((CHUNK,), jnp.int32),
        pltpu.VMEM((CHUNK,), jnp.int32),
        pltpu.VMEM((CHUNK, D), jnp.float32),
        pltpu.VMEM_SHARED((NPAD, D), jnp.float32),
        pltpu.VMEM((ZROWS, D), jnp.float32),
        pltpu.SemaphoreType.DMA,
        pltpu.SemaphoreType.DMA,
    ],
)


def _deg_body(row_hbm, out_hbm, rowv, ones, acc, zbuf, semi, semz):
    c = lax.axis_index("c")
    s = lax.axis_index("s")
    wid = s * NC + c

    ihr = pltpu.async_copy(row_hbm.at[pl.ds(wid * NCHUNK, NCHUNK)], rowv, semi)

    _zero_fill(zbuf, D)
    def orow(i, _):
        for j in range(D // 16):
            ones[i, pl.ds(j * 16, 16)] = jnp.ones((16,), jnp.float32)
        return 0
    lax.fori_loop(0, CHUNK, orow, 0, unroll=False)

    _zero_acc(s, acc, zbuf, semz)
    ihr.wait()
    plsc.subcore_barrier()

    def step(j, _):
        pltpu.sync_copy(ones, acc.at[rowv.at[j]], add=True)
        return 0
    lax.fori_loop(0, NCHUNK, step, 0, unroll=False)
    plsc.subcore_barrier()

    ob = s * ROWS_PT
    pltpu.sync_copy(acc.at[pl.ds(ob, ROWS_PT)],
                    out_hbm.at[pl.ds(c * NPAD + ob, ROWS_PT)])


_deg_call = pl.kernel(
    _deg_body,
    out_type=jax.ShapeDtypeStruct((NC * NPAD, D), jnp.float32),
    mesh=_MESH,
    scratch_types=[
        pltpu.VMEM((NCHUNK, CHUNK), jnp.int32),
        pltpu.VMEM((CHUNK, D), jnp.float32),
        pltpu.VMEM_SHARED((NPAD, D), jnp.float32),
        pltpu.VMEM((ZROWS, D), jnp.float32),
        pltpu.SemaphoreType.DMA,
        pltpu.SemaphoreType.DMA,
    ],
)



BLK = 1000
GRID = N // BLK

_row_spec = pl.BlockSpec((BLK, D), lambda i: (i, 0))
_col_spec = pl.BlockSpec((BLK, 1), lambda i: (i, 0))
_w_spec = pl.BlockSpec((D, D), lambda i: (0, 0))
_b_spec = pl.BlockSpec((1, D), lambda i: (0, 0))
_a_spec = pl.BlockSpec((1, 1), lambda i: (0, 0))


def _pre_body(dp0, dp1, x, dis_o, inv_o, g0_o):
    deg = dp0[:, 0:1] + dp1[:, 0:1]
    pos = deg > 0.5
    dsafe = jnp.maximum(deg, 1.0)
    dis = jnp.where(pos, lax.rsqrt(dsafe), 0.0)
    dis_o[...] = dis
    inv_o[...] = dis / dsafe
    g0_o[...] = x[...] * dis


_pre_call = pl.pallas_call(
    _pre_body,
    grid=(GRID,),
    in_specs=[_row_spec, _row_spec, _row_spec],
    out_specs=[_col_spec, _col_spec, _row_spec],
    out_shape=[
        jax.ShapeDtypeStruct((N, 1), jnp.float32),
        jax.ShapeDtypeStruct((N, 1), jnp.float32),
        jax.ShapeDtypeStruct((N, D), jnp.float32),
    ],
)


def _gcn_body(p0, p1, x, dis, wg, alpha, h_o, g_o):
    agg = (p0[...] + p1[...]) * dis[...]
    h = x[...] + alpha[0, 0] * jnp.dot(agg, wg[...], preferred_element_type=jnp.float32)
    h_o[...] = h
    g_o[...] = h * dis[...]


_gcn_call = pl.pallas_call(
    _gcn_body,
    grid=(GRID,),
    in_specs=[_row_spec, _row_spec, _row_spec, _col_spec, _w_spec, _a_spec],
    out_specs=[_row_spec, _row_spec],
    out_shape=[
        jax.ShapeDtypeStruct((N, D), jnp.float32),
        jax.ShapeDtypeStruct((N, D), jnp.float32),
    ],
)


def _sage_body(p0, p1, h_prev, dis, inv, w, r, b, h_o, g_o=None):
    mean = (p0[...] + p1[...]) * inv[...]
    o = (jnp.dot(mean, w[...], preferred_element_type=jnp.float32)
         + jnp.dot(h_prev[...], r[...], preferred_element_type=jnp.float32)
         + b[...])
    if g_o is not None:
        o = jnp.maximum(o, 0.0)
        g_o[...] = o * dis[...]
    h_o[...] = o


_sage_specs = [_row_spec, _row_spec, _row_spec, _col_spec, _col_spec,
               _w_spec, _w_spec, _b_spec]

_sage_relu_call = pl.pallas_call(
    _sage_body,
    grid=(GRID,),
    in_specs=_sage_specs,
    out_specs=[_row_spec, _row_spec],
    out_shape=[
        jax.ShapeDtypeStruct((N, D), jnp.float32),
        jax.ShapeDtypeStruct((N, D), jnp.float32),
    ],
)

_sage_final_call = pl.pallas_call(
    functools.partial(_sage_body, g_o=None),
    grid=(GRID,),
    in_specs=_sage_specs,
    out_specs=_row_spec,
    out_shape=jax.ShapeDtypeStruct((N, D), jnp.float32),
)


def kernel(x, W_gcn, alpha, w1, r1, b1, w2, r2, b2, w3, r3, b3, edge_index):
    row = edge_index[0]
    col = edge_index[1]
    pad = EPAD - E
    padrows = (N + jnp.arange(pad, dtype=jnp.int32) % (NPAD - N))
    rowp = jnp.concatenate([row, padrows])
    rowp2d = rowp.reshape(EPAD // CHUNK, CHUNK)
    colp = jnp.concatenate([col, jnp.zeros((pad,), jnp.int32)])

    dpart = _deg_call(rowp2d)
    dis, inv, g0 = _pre_call(dpart[:N], dpart[NPAD:NPAD + N], x)

    p = _spmm_call(g0, colp, rowp)
    h0, g1 = _gcn_call(p[:N], p[NPAD:NPAD + N], x, dis, W_gcn, alpha.reshape(1, 1))

    p = _spmm_call(g1, colp, rowp)
    h1, g2 = _sage_relu_call(p[:N], p[NPAD:NPAD + N], h0, dis, inv,
                             w1, r1, b1.reshape(1, D))

    p = _spmm_call(g2, colp, rowp)
    h2, g3 = _sage_relu_call(p[:N], p[NPAD:NPAD + N], h1, dis, inv,
                             w2, r2, b2.reshape(1, D))

    p = _spmm_call(g3, colp, rowp)
    return _sage_final_call(p[:N], p[NPAD:NPAD + N], h2, dis, inv,
                            w3, r3, b3.reshape(1, D))

# --- scband reference (transcript-rebuilt; emitter-appended) ---
"""Pipeline reference for scband-sage-re-80041010528552 (READ-ONLY COPY).

The authoritative reference and input builder live on the scoring server;
editing this copy changes nothing except your own understanding.
"""

import jax, jax.numpy as jnp
import numpy as np

N = 10000
E = 320000
D = 128

def _glorot(k, shape):
    s = float(np.sqrt(6.0 / (shape[0] + shape[1])))
    return jax.random.uniform(k, shape, jnp.float32, -s, s)

def setup_inputs(seed: int = 0) -> dict:
    key = jax.random.key(seed)
    ks = jax.random.split(key, 12)
    x = jax.random.normal(ks[0], (N, D), dtype=jnp.float32)
    edge_index = jax.random.randint(ks[1], (2, E), 0, N, dtype=jnp.int32)
    W_gcn = _glorot(ks[2], (D, D))
    alpha = jnp.array([0.1], dtype=jnp.float32)
    w1 = _glorot(ks[3], (D, D)); r1 = _glorot(ks[4], (D, D)); b1 = jnp.zeros((D,), jnp.float32)
    w2 = _glorot(ks[5], (D, D)); r2 = _glorot(ks[6], (D, D)); b2 = jnp.zeros((D,), jnp.float32)
    w3 = _glorot(ks[7], (D, D)); r3 = _glorot(ks[8], (D, D)); b3 = jnp.zeros((D,), jnp.float32)
    return {"x": x, "W_gcn": W_gcn, "alpha": alpha,
            "w1": w1, "r1": r1, "b1": b1,
            "w2": w2, "r2": r2, "b2": b2,
            "w3": w3, "r3": r3, "b3": b3,
            "edge_index": edge_index}

def reference(x, W_gcn, alpha, w1, r1, b1, w2, r2, b2, w3, r3, b3, edge_index):
    row = edge_index[0]
    col = edge_index[1]
    ones = jnp.ones((E,), jnp.float32)
    # deg = adj.sum(dim=1); adj is 0/1 so row-wise edge counts
    deg = jax.ops.segment_sum(ones, row, num_segments=N)
    deg_inv_sqrt = jnp.where(deg > 0, deg ** -0.5, 0.0)
    # adj = D^{-1/2} A D^{-1/2}: per-edge normalized value
    norm = deg_inv_sqrt[row] * deg_inv_sqrt[col]
    cnt = jnp.clip(deg, 1.0, None)

    def gcn(h):
        # adj @ h @ W  (l_GCN.forward: no bias added)
        msg = norm[:, None] * h[col]
        agg = jax.ops.segment_sum(msg, row, num_segments=N)
        return agg @ W_gcn

    def sage(h, w, r, b):
        # adj_0.matmul(h, reduce='mean') @ w + h @ r + b
        msg = norm[:, None] * h[col]
        s = jax.ops.segment_sum(msg, row, num_segments=N)
        mean = s / cnt[:, None]
        return mean @ w + h @ r + b

    h = x + alpha * gcn(x)
    h = jax.nn.relu(sage(h, w1, r1, b1))
    h = jax.nn.relu(sage(h, w2, r2, b2))
    return sage(h, w3, r3, b3)

if __name__ == "__main__":
    import jax
    _d = setup_inputs()
    print(jax.jit(kernel)(*tuple(_d.values())))

</pallas_src>

<mosaic_0001>
#map = affine_map<(d0, d1) -> (0, 0)>
#map1 = affine_map<(d0, d1) -> (0)>
module attributes {stable_mosaic.version = 14 : i64} {
  func.func @_spmm_body(%arg0: i32, %arg1: i32, %arg2: memref<10000x128xf32, #tpu.memory_space<hbm>>, %arg3: memref<327680xi32, #tpu.memory_space<hbm>>, %arg4: memref<327680xi32, #tpu.memory_space<hbm>>, %arg5: memref<20224x128xf32, #tpu.memory_space<hbm>>, %arg6: memref<128xi32, #tpu.memory_space<vmem>>, %arg7: memref<128xi32, #tpu.memory_space<vmem>>, %arg8: memref<128x128xf32, #tpu.memory_space<vmem>>, %arg9: memref<10112x128xf32, #tpu.memory_space<vmem_shared>>, %arg10: memref<32x128xf32, #tpu.memory_space<vmem>>, %arg11: memref<!tpu.dma_semaphore, #tpu.memory_space<semaphore_mem>>, %arg12: memref<!tpu.dma_semaphore, #tpu.memory_space<semaphore_mem>>) attributes {dimension_semantics = [#tpu.dimension_semantics<core_parallel>, #tpu.dimension_semantics<subcore_parallel>], iteration_bounds = array<i64: 2, 16>, scalar_prefetch = 0 : i64, scratch_operands = 7 : i64, tpu.core_type = #tpu.core_type<sc_vector_subcore>, window_params = [{transform_indices = #map}, {transform_indices = #map1}, {transform_indices = #map1}, {transform_indices = #map}]} {
    %mul3A = arith.constant 2 : i32
    %mul3A_0 = arith.muli %arg1, %mul3A : i32
    %add3A = arith.addi %mul3A_0, %arg0 : i32
    %mul3A_1 = arith.constant 80 : i32
    %mul3A_2 = arith.muli %add3A, %mul3A_1 : i32
    %mul3A_3 = arith.constant 128 : i32
    %mul3A_4 = arith.muli %mul3A_2, %mul3A_3 : i32
    %scan3A = arith.constant 0 : i32
    %scan3A_5 = arith.constant 0 : i32
    %scan3A_6 = arith.constant 32 : i32
    %scan3A_7 = arith.addi %scan3A_5, %scan3A_6 : i32
    %scan3A_8 = arith.constant 1 : i32
    %scan3A_9 = scf.for %scan3A_60 = %scan3A_5 to %scan3A_7 step %scan3A_8 iter_args(%scan3A_61 = %scan3A) -> (i32)  : i32 {
      %broadcast_in_dim3A = arith.constant 0.000000e+00 : f32
      %broadcast_in_dim3A_62 = vector.broadcast %broadcast_in_dim3A : f32 to vector<16xf32>
      %swap3A = arith.index_cast %scan3A_60 : i32 to index
      %swap3A_63 = arith.constant 0 : index
      %swap3A_64 = tpu.vector_load %arg10[%swap3A, %swap3A_63] {strides = array<i32>} : memref<32x128xf32, #tpu.memory_space<vmem>>, vector<1x16xf32>,
      %swap3A_65 = vector.shape_cast %swap3A_64 : vector<1x16xf32> to vector<16xf32>
      %swap3A_66 = vector.shape_cast %broadcast_in_dim3A_62 : vector<16xf32> to vector<1x16xf32>
      tpu.vector_store %arg10[%swap3A, %swap3A_63], %swap3A_66 {strides = array<i32>} : memref<32x128xf32, #tpu.memory_space<vmem>>, vector<1x16xf32>,
      %broadcast_in_dim3A_67 = arith.constant 0.000000e+00 : f32
      %broadcast_in_dim3A_68 = vector.broadcast %broadcast_in_dim3A_67 : f32 to vector<16xf32>
      %swap3A_69 = arith.index_cast %scan3A_60 : i32 to index
      %swap3A_70 = arith.constant 16 : index
      %swap3A_71 = tpu.vector_load %arg10[%swap3A_69, %swap3A_70] {strides = array<i32>} : memref<32x128xf32, #tpu.memory_space<vmem>>, vector<1x16xf32>,
      %swap3A_72 = vector.shape_cast %swap3A_71 : vector<1x16xf32> to vector<16xf32>
      %swap3A_73 = vector.shape_cast %broadcast_in_dim3A_68 : vector<16xf32> to vector<1x16xf32>
      tpu.vector_store %arg10[%swap3A_69, %swap3A_70], %swap3A_73 {strides = array<i32>} : memref<32x128xf32, #tpu.memory_space<vmem>>, vector<1x16xf32>,
      %broadcast_in_dim3A_74 = arith.constant 0.000000e+00 : f32
      %broadcast_in_dim3A_75 = vector.broadcast %broadcast_in_dim3A_74 : f32 to vector<16xf32>
      %swap3A_76 = arith.index_cast %scan3A_60 : i32 to index
      %swap3A_77 = arith.constant 32 : index
      %swap3A_78 = tpu.vector_load %arg10[%swap3A_76, %swap3A_77] {strides = array<i32>} : memref<32x128xf32, #tpu.memory_space<vmem>>, vector<1x16xf32>,
      %swap3A_79 = vector.shape_cast %swap3A_78 : vector<1x16xf32> to vector<16xf32>
      %swap3A_80 = vector.shape_cast %broadcast_in_dim3A_75 : vector<16xf32> to vector<1x16xf32>
      tpu.vector_store %arg10[%swap3A_76, %swap3A_77], %swap3A_80 {strides = array<i32>} : memref<32x128xf32, #tpu.memory_space<vmem>>, vector<1x16xf32>,
      %broadcast_in_dim3A_81 = arith.constant 0.000000e+00 : f32
      %broadcast_in_dim3A_82 = vector.broadcast %broadcast_in_dim3A_81 : f32 to vector<16xf32>
      %swap3A_83 = arith.index_cast %scan3A_60 : i32 to index
      %swap3A_84 = arith.constant 48 : index
      %swap3A_85 = tpu.vector_load %arg10[%swap3A_83, %swap3A_84] {strides = array<i32>} : memref<32x128xf32, #tpu.memory_space<vmem>>, vector<1x16xf32>,
      %swap3A_86 = vector.shape_cast %swap3A_85 : vector<1x16xf32> to vector<16xf32>
      %swap3A_87 = vector.shape_cast %broadcast_in_dim3A_82 : vector<16xf32> to vector<1x16xf32>
      tpu.vector_store %arg10[%swap3A_83, %swap3A_84], %swap3A_87 {strides = array<i32>} : memref<32x128xf32, #tpu.memory_space<vmem>>, vector<1x16xf32>,
      %broadcast_in_dim3A_88 = arith.constant 0.000000e+00 : f32
      %broadcast_in_dim3A_89 = vector.broadcast %broadcast_in_dim3A_88 : f32 to vector<16xf32>
      %swap3A_90 = arith.index_cast %scan3A_60 : i32 to index
      %swap3A_91 = arith.constant 64 : index
      %swap3A_92 = tpu.vector_load %arg10[%swap3A_90, %swap3A_91] {strides = array<i32>} : memref<32x128xf32, #tpu.memory_space<vmem>>, vector<1x16xf32>,
      %swap3A_93 = vector.shape_cast %swap3A_92 : vector<1x16xf32> to vector<16xf32>
      %swap3A_94 = vector.shape_cast %broadcast_in_dim3A_89 : vector<16xf32> to vector<1x16xf32>
      tpu.vector_store %arg10[%swap3A_90, %swap3A_91], %swap3A_94 {strides = array<i32>} : memref<32x128xf32, #tpu.memory_space<vmem>>, vector<1x16xf32>,
      %broadcast_in_dim3A_95 = arith.constant 0.000000e+00 : f32
      %broadcast_in_dim3A_96 = vector.broadcast %broadcast_in_dim3A_95 : f32 to vector<16xf32>
      %swap3A_97 = arith.index_cast %scan3A_60 : i32 to index
      %swap3A_98 = arith.constant 80 : index
      %swap3A_99 = tpu.vector_load %arg10[%swap3A_97, %swap3A_98] {strides = array<i32>} : memref<32x128xf32, #tpu.memory_space<vmem>>, vector<1x16xf32>,
      %swap3A_100 = vector.shape_cast %swap3A_99 : vector<1x16xf32> to vector<16xf32>
      %swap3A_101 = vector.shape_cast %broadcast_in_dim3A_96 : vector<16xf32> to vector<1x16xf32>
      tpu.vector_store %arg10[%swap3A_97, %swap3A_98], %swap3A_101 {strides = array<i32>} : memref<32x128xf32, #tpu.memory_space<vmem>>, vector<1x16xf32>,
      %broadcast_in_dim3A_102 = arith.constant 0.000000e+00 : f32
      %broadcast_in_dim3A_103 = vector.broadcast %broadcast_in_dim3A_102 : f32 to vector<16xf32>
      %swap3A_104 = arith.index_cast %scan3A_60 : i32 to index
      %swap3A_105 = arith.constant 96 : index
      %swap3A_106 = tpu.vector_load %arg10[%swap3A_104, %swap3A_105] {strides = array<i32>} : memref<32x128xf32, #tpu.memory_space<vmem>>, vector<1x16xf32>,
      %swap3A_107 = vector.shape_cast %swap3A_106 : vector<1x16xf32> to vector<16xf32>
      %swap3A_108 = vector.shape_cast %broadcast_in_dim3A_103 : vector<16xf32> to vector<1x16xf32>
      tpu.vector_store %arg10[%swap3A_104, %swap3A_105], %swap3A_108 {strides = array<i32>} : memref<32x128xf32, #tpu.memory_space<vmem>>, vector<1x16xf32>,
      %broadcast_in_dim3A_109 = arith.constant 0.000000e+00 : f32
      %broadcast_in_dim3A_110 = vector.broadcast %broadcast_in_dim3A_109 : f32 to vector<16xf32>
      %swap3A_111 = arith.index_cast %scan3A_60 : i32 to index
      %swap3A_112 = arith.constant 112 : index
      %swap3A_113 = tpu.vector_load %arg10[%swap3A_111, %swap3A_112] {strides = array<i32>} : memref<32x128xf32, #tpu.memory_space<vmem>>, vector<1x16xf32>,
      %swap3A_114 = vector.shape_cast %swap3A_113 : vector<1x16xf32> to vector<16xf32>
      %swap3A_115 = vector.shape_cast %broadcast_in_dim3A_110 : vector<16xf32> to vector<1x16xf32>
      tpu.vector_store %arg10[%swap3A_111, %swap3A_112], %swap3A_115 {strides = array<i32>} : memref<32x128xf32, #tpu.memory_space<vmem>>, vector<1x16xf32>,
      %scan3A_116 = arith.constant 0 : i32
      scf.yield %scan3A_116 : i32
    }
    %scan3A_10 = arith.constant 32 : i32
    %mul3A_11 = arith.constant 632 : i32
    %mul3A_12 = arith.muli %arg1, %mul3A_11 : i32
    %scan3A_13 = arith.constant 0 : i32
    %scan3A_14 = arith.constant 0 : i32
    %scan3A_15 = arith.constant 19 : i32
    %scan3A_16 = arith.addi %scan3A_14, %scan3A_15 : i32
    %scan3A_17 = arith.constant 1 : i32
    %scan3A_18 = scf.for %scan3A_60 = %scan3A_14 to %scan3A_16 step %scan3A_17 iter_args(%scan3A_61 = %scan3A_13) -> (i32)  : i32 {
      %mul3A_62 = arith.constant 32 : i32
      %mul3A_63 = arith.muli %scan3A_60, %mul3A_62 : i32
      %add3A_64 = arith.addi %mul3A_12, %mul3A_63 : i32
      %dma_start3A_65 = arith.constant 0 : i32
      %dma_start3A_66 = tpu.memref_slice %arg9[%add3A_64, %dma_start3A_65] : memref<10112x128xf32, #tpu.memory_space<vmem_shared>> -> memref<32x128xf32, #tpu.memory_space<vmem_shared>>
      %dma_start3A_67 = arith.constant 0 : i32
      %dma_start3A_68 = tpu.memref_slice %arg9[%add3A_64, %dma_start3A_67] : memref<10112x128xf32, #tpu.memory_space<vmem_shared>> -> memref<32x128xf32, #tpu.memory_space<vmem_shared>>
      tpu.enqueue_dma source(%arg10 : memref<32x128xf32, #tpu.memory_space<vmem>>) target(%dma_start3A_68 : memref<32x128xf32, #tpu.memory_space<vmem_shared>>) target_semaphore(%arg12 : memref<!tpu.dma_semaphore, #tpu.memory_space<semaphore_mem>>)
      %scan3A_69 = arith.constant 0 : i32
      scf.yield %scan3A_69 : i32
    }
    %scan3A_19 = arith.constant 19 : i32
    %add3A_20 = arith.constant 608 : i32
    %add3A_21 = arith.addi %mul3A_12, %add3A_20 : i32
    %dma_start3A = arith.constant 0 : i32
    %dma_start3A_22 = arith.constant 0 : i32
    %dma_start3A_23 = tpu.memref_slice %arg10[%dma_start3A, %dma_start3A_22] : memref<32x128xf32, #tpu.memory_space<vmem>> -> memref<24x128xf32, #tpu.memory_space<vmem>>
    %dma_start3A_24 = arith.constant 0 : i32
    %dma_start3A_25 = tpu.memref_slice %arg9[%add3A_21, %dma_start3A_24] : memref<10112x128xf32, #tpu.memory_space<vmem_shared>> -> memref<24x128xf32, #tpu.memory_space<vmem_shared>>
    %dma_start3A_26 = arith.constant 0 : i32
    %dma_start3A_27 = tpu.memref_slice %arg9[%add3A_21, %dma_start3A_26] : memref<10112x128xf32, #tpu.memory_space<vmem_shared>> -> memref<24x128xf32, #tpu.memory_space<vmem_shared>>
    %dma_start3A_28 = arith.constant 0 : i32
    %dma_start3A_29 = arith.constant 0 : i32
    %dma_start3A_30 = tpu.memref_slice %arg10[%dma_start3A_28, %dma_start3A_29] : memref<32x128xf32, #tpu.memory_space<vmem>> -> memref<24x128xf32, #tpu.memory_space<vmem>>
    tpu.enqueue_dma source(%dma_start3A_30 : memref<24x128xf32, #tpu.memory_space<vmem>>) target(%dma_start3A_27 : memref<24x128xf32, #tpu.memory_space<vmem_shared>>) target_semaphore(%arg12 : memref<!tpu.dma_semaphore, #tpu.memory_space<semaphore_mem>>)
    %scan3A_31 = arith.constant 0 : i32
    %scan3A_32 = arith.constant 0 : i32
    %scan3A_33 = arith.constant 19 : i32
    %scan3A_34 = arith.addi %scan3A_32, %scan3A_33 : i32
    %scan3A_35 = arith.constant 1 : i32
    %scan3A_36 = scf.for %scan3A_60 = %scan3A_32 to %scan3A_34 step %scan3A_35 iter_args(%scan3A_61 = %scan3A_31) -> (i32)  : i32 {
      %dma_wait3A_62 = arith.constant 0 : i32
      %dma_wait3A_63 = tpu.memref_slice %arg9[%mul3A_12, %dma_wait3A_62] : memref<10112x128xf32, #tpu.memory_space<vmem_shared>> -> memref<32x128xf32, #tpu.memory_space<vmem_shared>>
      %dma_wait3A_64 = arith.constant 0 : i32
      %dma_wait3A_65 = tpu.memref_slice %arg9[%mul3A_12, %dma_wait3A_64] : memref<10112x128xf32, #tpu.memory_space<vmem_shared>> -> memref<32x128xf32, #tpu.memory_space<vmem_shared>>
      tpu.wait_dma2 semaphore(%arg12 : memref<!tpu.dma_semaphore, #tpu.memory_space<semaphore_mem>>) src(%arg10 : memref<32x128xf32, #tpu.memory_space<vmem>>) dst(%dma_wait3A_65 : memref<32x128xf32, #tpu.memory_space<vmem_shared>>)
      %scan3A_66 = arith.constant 0 : i32
      scf.yield %scan3A_66 : i32
    }
    %scan3A_37 = arith.constant 19 : i32
    %dma_wait3A = arith.constant 0 : i32
    %dma_wait3A_38 = arith.constant 0 : i32
    %dma_wait3A_39 = tpu.memref_slice %arg10[%dma_wait3A, %dma_wait3A_38] : memref<32x128xf32, #tpu.memory_space<vmem>> -> memref<24x128xf32, #tpu.memory_space<vmem>>
    %dma_wait3A_40 = arith.constant 0 : i32
    %dma_wait3A_41 = tpu.memref_slice %arg9[%mul3A_12, %dma_wait3A_40] : memref<10112x128xf32, #tpu.memory_space<vmem_shared>> -> memref<24x128xf32, #tpu.memory_space<vmem_shared>>
    %dma_wait3A_42 = arith.constant 0 : i32
    %dma_wait3A_43 = tpu.memref_slice %arg9[%mul3A_12, %dma_wait3A_42] : memref<10112x128xf32, #tpu.memory_space<vmem_shared>> -> memref<24x128xf32, #tpu.memory_space<vmem_shared>>
    %dma_wait3A_44 = arith.constant 0 : i32
    %dma_wait3A_45 = arith.constant 0 : i32
    %dma_wait3A_46 = tpu.memref_slice %arg10[%dma_wait3A_44, %dma_wait3A_45] : memref<32x128xf32, #tpu.memory_space<vmem>> -> memref<24x128xf32, #tpu.memory_space<vmem>>
    tpu.wait_dma2 semaphore(%arg12 : memref<!tpu.dma_semaphore, #tpu.memory_space<semaphore_mem>>) src(%dma_wait3A_46 : memref<24x128xf32, #tpu.memory_space<vmem>>) dst(%dma_wait3A_43 : memref<24x128xf32, #tpu.memory_space<vmem_shared>>)
    %barrier3A = arith.constant 0 : index
    tpu.barrier barrier_id(%barrier3A)
    %scan3A_47 = arith.constant 0 : i32
    %scan3A_48 = arith.constant 0 : i32
    %scan3A_49 = arith.constant 80 : i32
    %scan3A_50 = arith.addi %scan3A_48, %scan3A_49 : i32
    %scan3A_51 = arith.constant 1 : i32
    %scan3A_52 = scf.for %scan3A_60 = %scan3A_48 to %scan3A_50 step %scan3A_51 iter_args(%scan3A_61 = %scan3A_47) -> (i32)  : i32 {
      %mul3A_62 = arith.constant 128 : i32
      %mul3A_63 = arith.muli %scan3A_60, %mul3A_62 : i32
      %add3A_64 = arith.addi %mul3A_4, %mul3A_63 : i32
      "tpu.region"() ({
        %run_scoped3A = tpu.sem_alloc : memref<!tpu.dma_semaphore, #tpu.memory_space<semaphore_mem>>
        %dma_start3A_72 = tpu.memref_slice %arg3[%add3A_64] : memref<327680xi32, #tpu.memory_space<hbm>> -> memref<128xi32, #tpu.memory_space<hbm>>
        %dma_start3A_73 = tpu.memref_slice %arg3[%add3A_64] : memref<327680xi32, #tpu.memory_space<hbm>> -> memref<128xi32, #tpu.memory_space<hbm>>
        tpu.enqueue_dma source(%dma_start3A_73 : memref<128xi32, #tpu.memory_space<hbm>>) target(%arg6 : memref<128xi32, #tpu.memory_space<vmem>>) target_semaphore(%run_scoped3A : memref<!tpu.dma_semaphore, #tpu.memory_space<semaphore_mem>>)
        %dma_wait3A_74 = tpu.memref_slice %arg3[%add3A_64] : memref<327680xi32, #tpu.memory_space<hbm>> -> memref<128xi32, #tpu.memory_space<hbm>>
        %dma_wait3A_75 = tpu.memref_slice %arg3[%add3A_64] : memref<327680xi32, #tpu.memory_space<hbm>> -> memref<128xi32, #tpu.memory_space<hbm>>
        tpu.wait_dma2 semaphore(%run_scoped3A : memref<!tpu.dma_semaphore, #tpu.memory_space<semaphore_mem>>) src(%dma_wait3A_75 : memref<128xi32, #tpu.memory_space<hbm>>) dst(%arg6 : memref<128xi32, #tpu.memory_space<vmem>>)
        tpu.yield
      }) : () -> ()
      "tpu.region"() ({
        %run_scoped3A = tpu.sem_alloc : memref<!tpu.dma_semaphore, #tpu.memory_space<semaphore_mem>>
        %dma_start3A_72 = tpu.memref_slice %arg4[%add3A_64] : memref<327680xi32, #tpu.memory_space<hbm>> -> memref<128xi32, #tpu.memory_space<hbm>>
        %dma_start3A_73 = tpu.memref_slice %arg4[%add3A_64] : memref<327680xi32, #tpu.memory_space<hbm>> -> memref<128xi32, #tpu.memory_space<hbm>>
        tpu.enqueue_dma source(%dma_start3A_73 : memref<128xi32, #tpu.memory_space<hbm>>) target(%arg7 : memref<128xi32, #tpu.memory_space<vmem>>) target_semaphore(%run_scoped3A : memref<!tpu.dma_semaphore, #tpu.memory_space<semaphore_mem>>)
        %dma_wait3A_74 = tpu.memref_slice %arg4[%add3A_64] : memref<327680xi32, #tpu.memory_space<hbm>> -> memref<128xi32, #tpu.memory_space<hbm>>
        %dma_wait3A_75 = tpu.memref_slice %arg4[%add3A_64] : memref<327680xi32, #tpu.memory_space<hbm>> -> memref<128xi32, #tpu.memory_space<hbm>>
        tpu.wait_dma2 semaphore(%run_scoped3A : memref<!tpu.dma_semaphore, #tpu.memory_space<semaphore_mem>>) src(%dma_wait3A_75 : memref<128xi32, #tpu.memory_space<hbm>>) dst(%arg7 : memref<128xi32, #tpu.memory_space<vmem>>)
        tpu.yield
      }) : () -> ()
      %dma_start3A_65 = arith.constant 0 : i32
      %dma_start3A_66 = arith.constant 0 : i32
      %dma_start3A_67 = tpu.memref_slice %arg2[%dma_start3A_65, %dma_start3A_66] : memref<10000x128xf32, #tpu.memory_space<hbm>> -> memref<10000x128xf32, #tpu.memory_space<hbm>>
      tpu.enqueue_indirect_dma source(%dma_start3A_67 : memref<10000x128xf32, #tpu.memory_space<hbm>>) target(%arg8 : memref<128x128xf32, #tpu.memory_space<vmem>>) offsets(%arg6 : memref<128xi32, #tpu.memory_space<vmem>>) semaphore(%arg11 : memref<!tpu.dma_semaphore, #tpu.memory_space<semaphore_mem>>)
      %dma_wait3A_68 = arith.constant 0 : i32
      %dma_wait3A_69 = arith.constant 0 : i32
      %dma_wait3A_70 = tpu.memref_slice %arg2[%dma_wait3A_68, %dma_wait3A_69] : memref<10000x128xf32, #tpu.memory_space<hbm>> -> memref<10000x128xf32, #tpu.memory_space<hbm>>
      tpu.wait_indirect_dma semaphore(%arg11 : memref<!tpu.dma_semaphore, #tpu.memory_space<semaphore_mem>>) src(%dma_wait3A_70 : memref<10000x128xf32, #tpu.memory_space<hbm>>) dst(%arg8 : memref<128x128xf32, #tpu.memory_space<vmem>>)
      "tpu.region"() ({
        %run_scoped3A = tpu.sem_alloc : memref<!tpu.dma_semaphore, #tpu.memory_space<semaphore_mem>>
        %dma_start3A_72 = arith.constant 0 : i32
        %dma_start3A_73 = arith.constant 0 : i32
        %dma_start3A_74 = tpu.memref_slice %arg9[%dma_start3A_72, %dma_start3A_73] : memref<10112x128xf32, #tpu.memory_space<vmem_shared>> -> memref<10112x128xf32, #tpu.memory_space<vmem_shared>>
        tpu.enqueue_indirect_dma source(%arg8 : memref<128x128xf32, #tpu.memory_space<vmem>>) target(%dma_start3A_74 : memref<10112x128xf32, #tpu.memory_space<vmem_shared>>) offsets(%arg7 : memref<128xi32, #tpu.memory_space<vmem>>) semaphore(%run_scoped3A : memref<!tpu.dma_semaphore, #tpu.memory_space<semaphore_mem>>) {add = true}
        %dma_wait3A_75 = arith.constant 0 : i32
        %dma_wait3A_76 = arith.constant 0 : i32
        %dma_wait3A_77 = tpu.memref_slice %arg9[%dma_wait3A_75, %dma_wait3A_76] : memref<10112x128xf32, #tpu.memory_space<vmem_shared>> -> memref<10112x128xf32, #tpu.memory_space<vmem_shared>>
        tpu.wait_indirect_dma semaphore(%run_scoped3A : memref<!tpu.dma_semaphore, #tpu.memory_space<semaphore_mem>>) src(%arg8 : memref<128x128xf32, #tpu.memory_space<vmem>>) dst(%dma_wait3A_77 : memref<10112x128xf32, #tpu.memory_space<vmem_shared>>)
        tpu.yield
      }) : () -> ()
      %scan3A_71 = arith.constant 0 : i32
      scf.yield %scan3A_71 : i32
    }
    %scan3A_53 = arith.constant 80 : i32
    %barrier3A_54 = arith.constant 0 : index
    tpu.barrier barrier_id(%barrier3A_54)
    %mul3A_55 = arith.constant 632 : i32
    %mul3A_56 = arith.muli %arg1, %mul3A_55 : i32
    %mul3A_57 = arith.constant 10112 : i32
    %mul3A_58 = arith.muli %arg0, %mul3A_57 : i32
    %add3A_59 = arith.addi %mul3A_58, %mul3A_56 : i32
    "tpu.region"() ({
      %run_scoped3A = tpu.sem_alloc : memref<!tpu.dma_semaphore, #tpu.memory_space<semaphore_mem>>
      %dma_start3A_60 = arith.constant 0 : i32
      %dma_start3A_61 = tpu.memref_slice %arg5[%add3A_59, %dma_start3A_60] : memref<20224x128xf32, #tpu.memory_space<hbm>> -> memref<632x128xf32, #tpu.memory_space<hbm>>
      %dma_start3A_62 = arith.constant 0 : i32
      %dma_start3A_63 = tpu.memref_slice %arg9[%mul3A_56, %dma_start3A_62] : memref<10112x128xf32, #tpu.memory_space<vmem_shared>> -> memref<632x128xf32, #tpu.memory_space<vmem_shared>>
      tpu.enqueue_dma source(%dma_start3A_63 : memref<632x128xf32, #tpu.memory_space<vmem_shared>>) target(%dma_start3A_61 : memref<632x128xf32, #tpu.memory_space<hbm>>) target_semaphore(%run_scoped3A : memref<!tpu.dma_semaphore, #tpu.memory_space<semaphore_mem>>)
      %dma_wait3A_64 = arith.constant 0 : i32
      %dma_wait3A_65 = tpu.memref_slice %arg5[%add3A_59, %dma_wait3A_64] : memref<20224x128xf32, #tpu.memory_space<hbm>> -> memref<632x128xf32, #tpu.memory_space<hbm>>
      %dma_wait3A_66 = arith.constant 0 : i32
      %dma_wait3A_67 = tpu.memref_slice %arg9[%mul3A_56, %dma_wait3A_66] : memref<10112x128xf32, #tpu.memory_space<vmem_shared>> -> memref<632x128xf32, #tpu.memory_space<vmem_shared>>
      tpu.wait_dma2 semaphore(%run_scoped3A : memref<!tpu.dma_semaphore, #tpu.memory_space<semaphore_mem>>) src(%dma_wait3A_67 : memref<632x128xf32, #tpu.memory_space<vmem_shared>>) dst(%dma_wait3A_65 : memref<632x128xf32, #tpu.memory_space<hbm>>)
      tpu.yield
    }) : () -> ()
    return
  }
}

#map = affine_map<(d0, d1) -> (0, 0)>
module attributes {stable_mosaic.version = 14 : i64} {
  func.func @_deg_body(%arg0: i32, %arg1: i32, %arg2: memref<2560x128xi32, #tpu.memory_space<hbm>>, %arg3: memref<20224x128xf32, #tpu.memory_space<hbm>>, %arg4: memref<80x128xi32, #tpu.memory_space<vmem>>, %arg5: memref<128x128xf32, #tpu.memory_space<vmem>>, %arg6: memref<10112x128xf32, #tpu.memory_space<vmem_shared>>, %arg7: memref<32x128xf32, #tpu.memory_space<vmem>>, %arg8: memref<!tpu.dma_semaphore, #tpu.memory_space<semaphore_mem>>, %arg9: memref<!tpu.dma_semaphore, #tpu.memory_space<semaphore_mem>>) attributes {dimension_semantics = [#tpu.dimension_semantics<core_parallel>, #tpu.dimension_semantics<subcore_parallel>], iteration_bounds = array<i64: 2, 16>, scalar_prefetch = 0 : i64, scratch_operands = 6 : i64, tpu.core_type = #tpu.core_type<sc_vector_subcore>, window_params = [{transform_indices = #map}, {transform_indices = #map}]} {
    %mul3A = arith.constant 2 : i32
    %mul3A_0 = arith.muli %arg1, %mul3A : i32
    %add3A = arith.addi %mul3A_0, %arg0 : i32
    %mul3A_1 = arith.constant 80 : i32
    %mul3A_2 = arith.muli %add3A, %mul3A_1 : i32
    %dma_start3A = arith.constant 0 : i32
    %dma_start3A_3 = tpu.memref_slice %arg2[%mul3A_2, %dma_start3A] : memref<2560x128xi32, #tpu.memory_space<hbm>> -> memref<80x128xi32, #tpu.memory_space<hbm>>
    %dma_start3A_4 = arith.constant 0 : i32
    %dma_start3A_5 = tpu.memref_slice %arg2[%mul3A_2, %dma_start3A_4] : memref<2560x128xi32, #tpu.memory_space<hbm>> -> memref<80x128xi32, #tpu.memory_space<hbm>>
    tpu.enqueue_dma source(%dma_start3A_5 : memref<80x128xi32, #tpu.memory_space<hbm>>) target(%arg4 : memref<80x128xi32, #tpu.memory_space<vmem>>) target_semaphore(%arg8 : memref<!tpu.dma_semaphore, #tpu.memory_space<semaphore_mem>>)
    %scan3A = arith.constant 0 : i32
    %scan3A_6 = arith.constant 0 : i32
    %scan3A_7 = arith.constant 32 : i32
    %scan3A_8 = arith.addi %scan3A_6, %scan3A_7 : i32
    %scan3A_9 = arith.constant 1 : i32
    %scan3A_10 = scf.for %scan3A_73 = %scan3A_6 to %scan3A_8 step %scan3A_9 iter_args(%scan3A_74 = %scan3A) -> (i32)  : i32 {
      %broadcast_in_dim3A = arith.constant 0.000000e+00 : f32
      %broadcast_in_dim3A_75 = vector.broadcast %broadcast_in_dim3A : f32 to vector<16xf32>
      %swap3A = arith.index_cast %scan3A_73 : i32 to index
      %swap3A_76 = arith.constant 0 : index
      %swap3A_77 = tpu.vector_load %arg7[%swap3A, %swap3A_76] {strides = array<i32>} : memref<32x128xf32, #tpu.memory_space<vmem>>, vector<1x16xf32>,
      %swap3A_78 = vector.shape_cast %swap3A_77 : vector<1x16xf32> to vector<16xf32>
      %swap3A_79 = vector.shape_cast %broadcast_in_dim3A_75 : vector<16xf32> to vector<1x16xf32>
      tpu.vector_store %arg7[%swap3A, %swap3A_76], %swap3A_79 {strides = array<i32>} : memref<32x128xf32, #tpu.memory_space<vmem>>, vector<1x16xf32>,
      %broadcast_in_dim3A_80 = arith.constant 0.000000e+00 : f32
      %broadcast_in_dim3A_81 = vector.broadcast %broadcast_in_dim3A_80 : f32 to vector<16xf32>
      %swap3A_82 = arith.index_cast %scan3A_73 : i32 to index
      %swap3A_83 = arith.constant 16 : index
      %swap3A_84 = tpu.vector_load %arg7[%swap3A_82, %swap3A_83] {strides = array<i32>} : memref<32x128xf32, #tpu.memory_space<vmem>>, vector<1x16xf32>,
      %swap3A_85 = vector.shape_cast %swap3A_84 : vector<1x16xf32> to vector<16xf32>
      %swap3A_86 = vector.shape_cast %broadcast_in_dim3A_81 : vector<16xf32> to vector<1x16xf32>
      tpu.vector_store %arg7[%swap3A_82, %swap3A_83], %swap3A_86 {strides = array<i32>} : memref<32x128xf32, #tpu.memory_space<vmem>>, vector<1x16xf32>,
      %broadcast_in_dim3A_87 = arith.constant 0.000000e+00 : f32
      %broadcast_in_dim3A_88 = vector.broadcast %broadcast_in_dim3A_87 : f32 to vector<16xf32>
      %swap3A_89 = arith.index_cast %scan3A_73 : i32 to index
      %swap3A_90 = arith.constant 32 : index
      %swap3A_91 = tpu.vector_load %arg7[%swap3A_89, %swap3A_90] {strides = array<i32>} : memref<32x128xf32, #tpu.memory_space<vmem>>, vector<1x16xf32>,
      %swap3A_92 = vector.shape_cast %swap3A_91 : vector<1x16xf32> to vector<16xf32>
      %swap3A_93 = vector.shape_cast %broadcast_in_dim3A_88 : vector<16xf32> to vector<1x16xf32>
      tpu.vector_store %arg7[%swap3A_89, %swap3A_90], %swap3A_93 {strides = array<i32>} : memref<32x128xf32, #tpu.memory_space<vmem>>, vector<1x16xf32>,
      %broadcast_in_dim3A_94 = arith.constant 0.000000e+00 : f32
      %broadcast_in_dim3A_95 = vector.broadcast %broadcast_in_dim3A_94 : f32 to vector<16xf32>
      %swap3A_96 = arith.index_cast %scan3A_73 : i32 to index
      %swap3A_97 = arith.constant 48 : index
      %swap3A_98 = tpu.vector_load %arg7[%swap3A_96, %swap3A_97] {strides = array<i32>} : memref<32x128xf32, #tpu.memory_space<vmem>>, vector<1x16xf32>,
      %swap3A_99 = vector.shape_cast %swap3A_98 : vector<1x16xf32> to vector<16xf32>
      %swap3A_100 = vector.shape_cast %broadcast_in_dim3A_95 : vector<16xf32> to vector<1x16xf32>
      tpu.vector_store %arg7[%swap3A_96, %swap3A_97], %swap3A_100 {strides = array<i32>} : memref<32x128xf32, #tpu.memory_space<vmem>>, vector<1x16xf32>,
      %broadcast_in_dim3A_101 = arith.constant 0.000000e+00 : f32
      %broadcast_in_dim3A_102 = vector.broadcast %broadcast_in_dim3A_101 : f32 to vector<16xf32>
      %swap3A_103 = arith.index_cast %scan3A_73 : i32 to index
      %swap3A_104 = arith.constant 64 : index
      %swap3A_105 = tpu.vector_load %arg7[%swap3A_103, %swap3A_104] {strides = array<i32>} : memref<32x128xf32, #tpu.memory_space<vmem>>, vector<1x16xf32>,
      %swap3A_106 = vector.shape_cast %swap3A_105 : vector<1x16xf32> to vector<16xf32>
      %swap3A_107 = vector.shape_cast %broadcast_in_dim3A_102 : vector<16xf32> to vector<1x16xf32>
      tpu.vector_store %arg7[%swap3A_103, %swap3A_104], %swap3A_107 {strides = array<i32>} : memref<32x128xf32, #tpu.memory_space<vmem>>, vector<1x16xf32>,
      %broadcast_in_dim3A_108 = arith.constant 0.000000e+00 : f32
      %broadcast_in_dim3A_109 = vector.broadcast %broadcast_in_dim3A_108 : f32 to vector<16xf32>
      %swap3A_110 = arith.index_cast %scan3A_73 : i32 to index
      %swap3A_111 = arith.constant 80 : index
      %swap3A_112 = tpu.vector_load %arg7[%swap3A_110, %swap3A_111] {strides = array<i32>} : memref<32x128xf32, #tpu.memory_space<vmem>>, vector<1x16xf32>,
      %swap3A_113 = vector.shape_cast %swap3A_112 : vector<1x16xf32> to vector<16xf32>
      %swap3A_114 = vector.shape_cast %broadcast_in_dim3A_109 : vector<16xf32> to vector<1x16xf32>
      tpu.vector_store %arg7[%swap3A_110, %swap3A_111], %swap3A_114 {strides = array<i32>} : memref<32x128xf32, #tpu.memory_space<vmem>>, vector<1x16xf32>,
      %broadcast_in_dim3A_115 = arith.constant 0.000000e+00 : f32
      %broadcast_in_dim3A_116 = vector.broadcast %broadcast_in_dim3A_115 : f32 to vector<16xf32>
      %swap3A_117 = arith.index_cast %scan3A_73 : i32 to index
      %swap3A_118 = arith.constant 96 : index
      %swap3A_119 = tpu.vector_load %arg7[%swap3A_117, %swap3A_118] {strides = array<i32>} : memref<32x128xf32, #tpu.memory_space<vmem>>, vector<1x16xf32>,
      %swap3A_120 = vector.shape_cast %swap3A_119 : vector<1x16xf32> to vector<16xf32>
      %swap3A_121 = vector.shape_cast %broadcast_in_dim3A_116 : vector<16xf32> to vector<1x16xf32>
      tpu.vector_store %arg7[%swap3A_117, %swap3A_118], %swap3A_121 {strides = array<i32>} : memref<32x128xf32, #tpu.memory_space<vmem>>, vector<1x16xf32>,
      %broadcast_in_dim3A_122 = arith.constant 0.000000e+00 : f32
      %broadcast_in_dim3A_123 = vector.broadcast %broadcast_in_dim3A_122 : f32 to vector<16xf32>
      %swap3A_124 = arith.index_cast %scan3A_73 : i32 to index
      %swap3A_125 = arith.constant 112 : index
      %swap3A_126 = tpu.vector_load %arg7[%swap3A_124, %swap3A_125] {strides = array<i32>} : memref<32x128xf32, #tpu.memory_space<vmem>>, vector<1x16xf32>,
      %swap3A_127 = vector.shape_cast %swap3A_126 : vector<1x16xf32> to vector<16xf32>
      %swap3A_128 = vector.shape_cast %broadcast_in_dim3A_123 : vector<16xf32> to vector<1x16xf32>
      tpu.vector_store %arg7[%swap3A_124, %swap3A_125], %swap3A_128 {strides = array<i32>} : memref<32x128xf32, #tpu.memory_space<vmem>>, vector<1x16xf32>,
      %scan3A_129 = arith.constant 0 : i32
      scf.yield %scan3A_129 : i32
    }
    %scan3A_11 = arith.constant 32 : i32
    %scan3A_12 = arith.constant 0 : i32
    %scan3A_13 = arith.constant 0 : i32
    %scan3A_14 = arith.constant 128 : i32
    %scan3A_15 = arith.addi %scan3A_13, %scan3A_14 : i32
    %scan3A_16 = arith.constant 1 : i32
    %scan3A_17 = scf.for %scan3A_73 = %scan3A_13 to %scan3A_15 step %scan3A_16 iter_args(%scan3A_74 = %scan3A_12) -> (i32)  : i32 {
      %broadcast_in_dim3A = arith.constant 1.000000e+00 : f32
      %broadcast_in_dim3A_75 = vector.broadcast %broadcast_in_dim3A : f32 to vector<16xf32>
      %swap3A = arith.index_cast %scan3A_73 : i32 to index
      %swap3A_76 = arith.constant 0 : index
      %swap3A_77 = tpu.vector_load %arg5[%swap3A, %swap3A_76] {strides = array<i32>} : memref<128x128xf32, #tpu.memory_space<vmem>>, vector<1x16xf32>,
      %swap3A_78 = vector.shape_cast %swap3A_77 : vector<1x16xf32> to vector<16xf32>
      %swap3A_79 = vector.shape_cast %broadcast_in_dim3A_75 : vector<16xf32> to vector<1x16xf32>
      tpu.vector_store %arg5[%swap3A, %swap3A_76], %swap3A_79 {strides = array<i32>} : memref<128x128xf32, #tpu.memory_space<vmem>>, vector<1x16xf32>,
      %broadcast_in_dim3A_80 = arith.constant 1.000000e+00 : f32
      %broadcast_in_dim3A_81 = vector.broadcast %broadcast_in_dim3A_80 : f32 to vector<16xf32>
      %swap3A_82 = arith.index_cast %scan3A_73 : i32 to index
      %swap3A_83 = arith.constant 16 : index
      %swap3A_84 = tpu.vector_load %arg5[%swap3A_82, %swap3A_83] {strides = array<i32>} : memref<128x128xf32, #tpu.memory_space<vmem>>, vector<1x16xf32>,
      %swap3A_85 = vector.shape_cast %swap3A_84 : vector<1x16xf32> to vector<16xf32>
      %swap3A_86 = vector.shape_cast %broadcast_in_dim3A_81 : vector<16xf32> to vector<1x16xf32>
      tpu.vector_store %arg5[%swap3A_82, %swap3A_83], %swap3A_86 {strides = array<i32>} : memref<128x128xf32, #tpu.memory_space<vmem>>, vector<1x16xf32>,
      %broadcast_in_dim3A_87 = arith.constant 1.000000e+00 : f32
      %broadcast_in_dim3A_88 = vector.broadcast %broadcast_in_dim3A_87 : f32 to vector<16xf32>
      %swap3A_89 = arith.index_cast %scan3A_73 : i32 to index
      %swap3A_90 = arith.constant 32 : index
      %swap3A_91 = tpu.vector_load %arg5[%swap3A_89, %swap3A_90] {strides = array<i32>} : memref<128x128xf32, #tpu.memory_space<vmem>>, vector<1x16xf32>,
      %swap3A_92 = vector.shape_cast %swap3A_91 : vector<1x16xf32> to vector<16xf32>
      %swap3A_93 = vector.shape_cast %broadcast_in_dim3A_88 : vector<16xf32> to vector<1x16xf32>
      tpu.vector_store %arg5[%swap3A_89, %swap3A_90], %swap3A_93 {strides = array<i32>} : memref<128x128xf32, #tpu.memory_space<vmem>>, vector<1x16xf32>,
      %broadcast_in_dim3A_94 = arith.constant 1.000000e+00 : f32
      %broadcast_in_dim3A_95 = vector.broadcast %broadcast_in_dim3A_94 : f32 to vector<16xf32>
      %swap3A_96 = arith.index_cast %scan3A_73 : i32 to index
      %swap3A_97 = arith.constant 48 : index
      %swap3A_98 = tpu.vector_load %arg5[%swap3A_96, %swap3A_97] {strides = array<i32>} : memref<128x128xf32, #tpu.memory_space<vmem>>, vector<1x16xf32>,
      %swap3A_99 = vector.shape_cast %swap3A_98 : vector<1x16xf32> to vector<16xf32>
      %swap3A_100 = vector.shape_cast %broadcast_in_dim3A_95 : vector<16xf32> to vector<1x16xf32>
      tpu.vector_store %arg5[%swap3A_96, %swap3A_97], %swap3A_100 {strides = array<i32>} : memref<128x128xf32, #tpu.memory_space<vmem>>, vector<1x16xf32>,
      %broadcast_in_dim3A_101 = arith.constant 1.000000e+00 : f32
      %broadcast_in_dim3A_102 = vector.broadcast %broadcast_in_dim3A_101 : f32 to vector<16xf32>
      %swap3A_103 = arith.index_cast %scan3A_73 : i32 to index
      %swap3A_104 = arith.constant 64 : index
      %swap3A_105 = tpu.vector_load %arg5[%swap3A_103, %swap3A_104] {strides = array<i32>} : memref<128x128xf32, #tpu.memory_space<vmem>>, vector<1x16xf32>,
      %swap3A_106 = vector.shape_cast %swap3A_105 : vector<1x16xf32> to vector<16xf32>
      %swap3A_107 = vector.shape_cast %broadcast_in_dim3A_102 : vector<16xf32> to vector<1x16xf32>
      tpu.vector_store %arg5[%swap3A_103, %swap3A_104], %swap3A_107 {strides = array<i32>} : memref<128x128xf32, #tpu.memory_space<vmem>>, vector<1x16xf32>,
      %broadcast_in_dim3A_108 = arith.constant 1.000000e+00 : f32
      %broadcast_in_dim3A_109 = vector.broadcast %broadcast_in_dim3A_108 : f32 to vector<16xf32>
      %swap3A_110 = arith.index_cast %scan3A_73 : i32 to index
      %swap3A_111 = arith.constant 80 : index
      %swap3A_112 = tpu.vector_load %arg5[%swap3A_110, %swap3A_111] {strides = array<i32>} : memref<128x128xf32, #tpu.memory_space<vmem>>, vector<1x16xf32>,
      %swap3A_113 = vector.shape_cast %swap3A_112 : vector<1x16xf32> to vector<16xf32>
      %swap3A_114 = vector.shape_cast %broadcast_in_dim3A_109 : vector<16xf32> to vector<1x16xf32>
      tpu.vector_store %arg5[%swap3A_110, %swap3A_111], %swap3A_114 {strides = array<i32>} : memref<128x128xf32, #tpu.memory_space<vmem>>, vector<1x16xf32>,
      %broadcast_in_dim3A_115 = arith.constant 1.000000e+00 : f32
      %broadcast_in_dim3A_116 = vector.broadcast %broadcast_in_dim3A_115 : f32 to vector<16xf32>
      %swap3A_117 = arith.index_cast %scan3A_73 : i32 to index
      %swap3A_118 = arith.constant 96 : index
      %swap3A_119 = tpu.vector_load %arg5[%swap3A_117, %swap3A_118] {strides = array<i32>} : memref<128x128xf32, #tpu.memory_space<vmem>>, vector<1x16xf32>,
      %swap3A_120 = vector.shape_cast %swap3A_119 : vector<1x16xf32> to vector<16xf32>
      %swap3A_121 = vector.shape_cast %broadcast_in_dim3A_116 : vector<16xf32> to vector<1x16xf32>
      tpu.vector_store %arg5[%swap3A_117, %swap3A_118], %swap3A_121 {strides = array<i32>} : memref<128x128xf32, #tpu.memory_space<vmem>>, vector<1x16xf32>,
      %broadcast_in_dim3A_122 = arith.constant 1.000000e+00 : f32
      %broadcast_in_dim3A_123 = vector.broadcast %broadcast_in_dim3A_122 : f32 to vector<16xf32>
      %swap3A_124 = arith.index_cast %scan3A_73 : i32 to index
      %swap3A_125 = arith.constant 112 : index
      %swap3A_126 = tpu.vector_load %arg5[%swap3A_124, %swap3A_125] {strides = array<i32>} : memref<128x128xf32, #tpu.memory_space<vmem>>, vector<1x16xf32>,
      %swap3A_127 = vector.shape_cast %swap3A_126 : vector<1x16xf32> to vector<16xf32>
      %swap3A_128 = vector.shape_cast %broadcast_in_dim3A_123 : vector<16xf32> to vector<1x16xf32>
      tpu.vector_store %arg5[%swap3A_124, %swap3A_125], %swap3A_128 {strides = array<i32>} : memref<128x128xf32, #tpu.memory_space<vmem>>, vector<1x16xf32>,
      %scan3A_129 = arith.constant 0 : i32
      scf.yield %scan3A_129 : i32
    }
    %scan3A_18 = arith.constant 128 : i32
    %mul3A_19 = arith.constant 632 : i32
    %mul3A_20 = arith.muli %arg1, %mul3A_19 : i32
    %scan3A_21 = arith.constant 0 : i32
    %scan3A_22 = arith.constant 0 : i32
    %scan3A_23 = arith.constant 19 : i32
    %scan3A_24 = arith.addi %scan3A_22, %scan3A_23 : i32
    %scan3A_25 = arith.constant 1 : i32
    %scan3A_26 = scf.for %scan3A_73 = %scan3A_22 to %scan3A_24 step %scan3A_25 iter_args(%scan3A_74 = %scan3A_21) -> (i32)  : i32 {
      %mul3A_75 = arith.constant 32 : i32
      %mul3A_76 = arith.muli %scan3A_73, %mul3A_75 : i32
      %add3A_77 = arith.addi %mul3A_20, %mul3A_76 : i32
      %dma_start3A_78 = arith.constant 0 : i32
      %dma_start3A_79 = tpu.memref_slice %arg6[%add3A_77, %dma_start3A_78] : memref<10112x128xf32, #tpu.memory_space<vmem_shared>> -> memref<32x128xf32, #tpu.memory_space<vmem_shared>>
      %dma_start3A_80 = arith.constant 0 : i32
      %dma_start3A_81 = tpu.memref_slice %arg6[%add3A_77, %dma_start3A_80] : memref<10112x128xf32, #tpu.memory_space<vmem_shared>> -> memref<32x128xf32, #tpu.memory_space<vmem_shared>>
      tpu.enqueue_dma source(%arg7 : memref<32x128xf32, #tpu.memory_space<vmem>>) target(%dma_start3A_81 : memref<32x128xf32, #tpu.memory_space<vmem_shared>>) target_semaphore(%arg9 : memref<!tpu.dma_semaphore, #tpu.memory_space<semaphore_mem>>)
      %scan3A_82 = arith.constant 0 : i32
      scf.yield %scan3A_82 : i32
    }
    %scan3A_27 = arith.constant 19 : i32
    %add3A_28 = arith.constant 608 : i32
    %add3A_29 = arith.addi %mul3A_20, %add3A_28 : i32
    %dma_start3A_30 = arith.constant 0 : i32
    %dma_start3A_31 = arith.constant 0 : i32
    %dma_start3A_32 = tpu.memref_slice %arg7[%dma_start3A_30, %dma_start3A_31] : memref<32x128xf32, #tpu.memory_space<vmem>> -> memref<24x128xf32, #tpu.memory_space<vmem>>
    %dma_start3A_33 = arith.constant 0 : i32
    %dma_start3A_34 = tpu.memref_slice %arg6[%add3A_29, %dma_start3A_33] : memref<10112x128xf32, #tpu.memory_space<vmem_shared>> -> memref<24x128xf32, #tpu.memory_space<vmem_shared>>
    %dma_start3A_35 = arith.constant 0 : i32
    %dma_start3A_36 = tpu.memref_slice %arg6[%add3A_29, %dma_start3A_35] : memref<10112x128xf32, #tpu.memory_space<vmem_shared>> -> memref<24x128xf32, #tpu.memory_space<vmem_shared>>
    %dma_start3A_37 = arith.constant 0 : i32
    %dma_start3A_38 = arith.constant 0 : i32
    %dma_start3A_39 = tpu.memref_slice %arg7[%dma_start3A_37, %dma_start3A_38] : memref<32x128xf32, #tpu.memory_space<vmem>> -> memref<24x128xf32, #tpu.memory_space<vmem>>
    tpu.enqueue_dma source(%dma_start3A_39 : memref<24x128xf32, #tpu.memory_space<vmem>>) target(%dma_start3A_36 : memref<24x128xf32, #tpu.memory_space<vmem_shared>>) target_semaphore(%arg9 : memref<!tpu.dma_semaphore, #tpu.memory_space<semaphore_mem>>)
    %scan3A_40 = arith.constant 0 : i32
    %scan3A_41 = arith.constant 0 : i32
    %scan3A_42 = arith.constant 19 : i32
    %scan3A_43 = arith.addi %scan3A_41, %scan3A_42 : i32
    %scan3A_44 = arith.constant 1 : i32
    %scan3A_45 = scf.for %scan3A_73 = %scan3A_41 to %scan3A_43 step %scan3A_44 iter_args(%scan3A_74 = %scan3A_40) -> (i32)  : i32 {
      %dma_wait3A_75 = arith.constant 0 : i32
      %dma_wait3A_76 = tpu.memref_slice %arg6[%mul3A_20, %dma_wait3A_75] : memref<10112x128xf32, #tpu.memory_space<vmem_shared>> -> memref<32x128xf32, #tpu.memory_space<vmem_shared>>
      %dma_wait3A_77 = arith.constant 0 : i32
      %dma_wait3A_78 = tpu.memref_slice %arg6[%mul3A_20, %dma_wait3A_77] : memref<10112x128xf32, #tpu.memory_space<vmem_shared>> -> memref<32x128xf32, #tpu.memory_space<vmem_shared>>
      tpu.wait_dma2 semaphore(%arg9 : memref<!tpu.dma_semaphore, #tpu.memory_space<semaphore_mem>>) src(%arg7 : memref<32x128xf32, #tpu.memory_space<vmem>>) dst(%dma_wait3A_78 : memref<32x128xf32, #tpu.memory_space<vmem_shared>>)
      %scan3A_79 = arith.constant 0 : i32
      scf.yield %scan3A_79 : i32
    }
    %scan3A_46 = arith.constant 19 : i32
    %dma_wait3A = arith.constant 0 : i32
    %dma_wait3A_47 = arith.constant 0 : i32
    %dma_wait3A_48 = tpu.memref_slice %arg7[%dma_wait3A, %dma_wait3A_47] : memref<32x128xf32, #tpu.memory_space<vmem>> -> memref<24x128xf32, #tpu.memory_space<vmem>>
    %dma_wait3A_49 = arith.constant 0 : i32
    %dma_wait3A_50 = tpu.memref_slice %arg6[%mul3A_20, %dma_wait3A_49] : memref<10112x128xf32, #tpu.memory_space<vmem_shared>> -> memref<24x128xf32, #tpu.memory_space<vmem_shared>>
    %dma_wait3A_51 = arith.constant 0 : i32
    %dma_wait3A_52 = tpu.memref_slice %arg6[%mul3A_20, %dma_wait3A_51] : memref<10112x128xf32, #tpu.memory_space<vmem_shared>> -> memref<24x128xf32, #tpu.memory_space<vmem_shared>>
    %dma_wait3A_53 = arith.constant 0 : i32
    %dma_wait3A_54 = arith.constant 0 : i32
    %dma_wait3A_55 = tpu.memref_slice %arg7[%dma_wait3A_53, %dma_wait3A_54] : memref<32x128xf32, #tpu.memory_space<vmem>> -> memref<24x128xf32, #tpu.memory_space<vmem>>
    tpu.wait_dma2 semaphore(%arg9 : memref<!tpu.dma_semaphore, #tpu.memory_space<semaphore_mem>>) src(%dma_wait3A_55 : memref<24x128xf32, #tpu.memory_space<vmem>>) dst(%dma_wait3A_52 : memref<24x128xf32, #tpu.memory_space<vmem_shared>>)
    %dma_wait3A_56 = arith.constant 0 : i32
    %dma_wait3A_57 = tpu.memref_slice %arg2[%mul3A_2, %dma_wait3A_56] : memref<2560x128xi32, #tpu.memory_space<hbm>> -> memref<80x128xi32, #tpu.memory_space<hbm>>
    %dma_wait3A_58 = arith.constant 0 : i32
    %dma_wait3A_59 = tpu.memref_slice %arg2[%mul3A_2, %dma_wait3A_58] : memref<2560x128xi32, #tpu.memory_space<hbm>> -> memref<80x128xi32, #tpu.memory_space<hbm>>
    tpu.wait_dma2 semaphore(%arg8 : memref<!tpu.dma_semaphore, #tpu.memory_space<semaphore_mem>>) src(%dma_wait3A_59 : memref<80x128xi32, #tpu.memory_space<hbm>>) dst(%arg4 : memref<80x128xi32, #tpu.memory_space<vmem>>)
    %barrier3A = arith.constant 0 : index
    tpu.barrier barrier_id(%barrier3A)
    %scan3A_60 = arith.constant 0 : i32
    %scan3A_61 = arith.constant 0 : i32
    %scan3A_62 = arith.constant 80 : i32
    %scan3A_63 = arith.addi %scan3A_61, %scan3A_62 : i32
    %scan3A_64 = arith.constant 1 : i32
    %scan3A_65 = scf.for %scan3A_73 = %scan3A_61 to %scan3A_63 step %scan3A_64 iter_args(%scan3A_74 = %scan3A_60) -> (i32)  : i32 {
      "tpu.region"() ({
        %run_scoped3A = tpu.sem_alloc : memref<!tpu.dma_semaphore, #tpu.memory_space<semaphore_mem>>
        %dma_start3A_76 = arith.constant 0 : i32
        %dma_start3A_77 = tpu.memref_slice %arg4[%scan3A_73, %dma_start3A_76] : memref<80x128xi32, #tpu.memory_space<vmem>> -> memref<1x128xi32, #tpu.memory_space<vmem>>
        %dma_start3A_78 = tpu.memref_squeeze %dma_start3A_77 : memref<1x128xi32, #tpu.memory_space<vmem>> -> memref<128xi32, #tpu.memory_space<vmem>>
        %dma_start3A_79 = arith.constant 0 : i32
        %dma_start3A_80 = arith.constant 0 : i32
        %dma_start3A_81 = tpu.memref_slice %arg6[%dma_start3A_79, %dma_start3A_80] : memref<10112x128xf32, #tpu.memory_space<vmem_shared>> -> memref<10112x128xf32, #tpu.memory_space<vmem_shared>>
        tpu.enqueue_indirect_dma source(%arg5 : memref<128x128xf32, #tpu.memory_space<vmem>>) target(%dma_start3A_81 : memref<10112x128xf32, #tpu.memory_space<vmem_shared>>) offsets(%dma_start3A_78 : memref<128xi32, #tpu.memory_space<vmem>>) semaphore(%run_scoped3A : memref<!tpu.dma_semaphore, #tpu.memory_space<semaphore_mem>>) {add = true}
        %dma_wait3A_82 = arith.constant 0 : i32
        %dma_wait3A_83 = tpu.memref_slice %arg4[%scan3A_73, %dma_wait3A_82] : memref<80x128xi32, #tpu.memory_space<vmem>> -> memref<1x128xi32, #tpu.memory_space<vmem>>
        %dma_wait3A_84 = tpu.memref_squeeze %dma_wait3A_83 : memref<1x128xi32, #tpu.memory_space<vmem>> -> memref<128xi32, #tpu.memory_space<vmem>>
        %dma_wait3A_85 = arith.constant 0 : i32
        %dma_wait3A_86 = arith.constant 0 : i32
        %dma_wait3A_87 = tpu.memref_slice %arg6[%dma_wait3A_85, %dma_wait3A_86] : memref<10112x128xf32, #tpu.memory_space<vmem_shared>> -> memref<10112x128xf32, #tpu.memory_space<vmem_shared>>
        tpu.wait_indirect_dma semaphore(%run_scoped3A : memref<!tpu.dma_semaphore, #tpu.memory_space<semaphore_mem>>) src(%arg5 : memref<128x128xf32, #tpu.memory_space<vmem>>) dst(%dma_wait3A_87 : memref<10112x128xf32, #tpu.memory_space<vmem_shared>>)
        tpu.yield
      }) : () -> ()
      %scan3A_75 = arith.constant 0 : i32
      scf.yield %scan3A_75 : i32
    }
    %scan3A_66 = arith.constant 80 : i32
    %barrier3A_67 = arith.constant 0 : index
    tpu.barrier barrier_id(%barrier3A_67)
    %mul3A_68 = arith.constant 632 : i32
    %mul3A_69 = arith.muli %arg1, %mul3A_68 : i32
    %mul3A_70 = arith.constant 10112 : i32
    %mul3A_71 = arith.muli %arg0, %mul3A_70 : i32
    %add3A_72 = arith.addi %mul3A_71, %mul3A_69 : i32
    "tpu.region"() ({
      %run_scoped3A = tpu.sem_alloc : memref<!tpu.dma_semaphore, #tpu.memory_space<semaphore_mem>>
      %dma_start3A_73 = arith.constant 0 : i32
      %dma_start3A_74 = tpu.memref_slice %arg3[%add3A_72, %dma_start3A_73] : memref<20224x128xf32, #tpu.memory_space<hbm>> -> memref<632x128xf32, #tpu.memory_space<hbm>>
      %dma_start3A_75 = arith.constant 0 : i32
      %dma_start3A_76 = tpu.memref_slice %arg6[%mul3A_69, %dma_start3A_75] : memref<10112x128xf32, #tpu.memory_space<vmem_shared>> -> memref<632x128xf32, #tpu.memory_space<vmem_shared>>
      tpu.enqueue_dma source(%dma_start3A_76 : memref<632x128xf32, #tpu.memory_space<vmem_shared>>) target(%dma_start3A_74 : memref<632x128xf32, #tpu.memory_space<hbm>>) target_semaphore(%run_scoped3A : memref<!tpu.dma_semaphore, #tpu.memory_space<semaphore_mem>>)
      %dma_wait3A_77 = arith.constant 0 : i32
      %dma_wait3A_78 = tpu.memref_slice %arg3[%add3A_72, %dma_wait3A_77] : memref<20224x128xf32, #tpu.memory_space<hbm>> -> memref<632x128xf32, #tpu.memory_space<hbm>>
      %dma_wait3A_79 = arith.constant 0 : i32
      %dma_wait3A_80 = tpu.memref_slice %arg6[%mul3A_69, %dma_wait3A_79] : memref<10112x128xf32, #tpu.memory_space<vmem_shared>> -> memref<632x128xf32, #tpu.memory_space<vmem_shared>>
      tpu.wait_dma2 semaphore(%run_scoped3A : memref<!tpu.dma_semaphore, #tpu.memory_space<semaphore_mem>>) src(%dma_wait3A_80 : memref<632x128xf32, #tpu.memory_space<vmem_shared>>) dst(%dma_wait3A_78 : memref<632x128xf32, #tpu.memory_space<hbm>>)
      tpu.yield
    }) : () -> ()
    return
  }
}

#map = affine_map<(d0, d1) -> (0, 0)>
#map1 = affine_map<(d0, d1) -> (0)>
module attributes {stable_mosaic.version = 14 : i64} {
  func.func @_spmm_body(%arg0: i32, %arg1: i32, %arg2: memref<10000x128xf32, #tpu.memory_space<hbm>>, %arg3: memref<327680xi32, #tpu.memory_space<hbm>>, %arg4: memref<327680xi32, #tpu.memory_space<hbm>>, %arg5: memref<20224x128xf32, #tpu.memory_space<hbm>>, %arg6: memref<128xi32, #tpu.memory_space<vmem>>, %arg7: memref<128xi32, #tpu.memory_space<vmem>>, %arg8: memref<128x128xf32, #tpu.memory_space<vmem>>, %arg9: memref<10112x128xf32, #tpu.memory_space<vmem_shared>>, %arg10: memref<32x128xf32, #tpu.memory_space<vmem>>, %arg11: memref<!tpu.dma_semaphore, #tpu.memory_space<semaphore_mem>>, %arg12: memref<!tpu.dma_semaphore, #tpu.memory_space<semaphore_mem>>) attributes {dimension_semantics = [#tpu.dimension_semantics<core_parallel>, #tpu.dimension_semantics<subcore_parallel>], iteration_bounds = array<i64: 2, 16>, scalar_prefetch = 0 : i64, scratch_operands = 7 : i64, tpu.core_type = #tpu.core_type<sc_vector_subcore>, window_params = [{transform_indices = #map}, {transform_indices = #map1}, {transform_indices = #map1}, {transform_indices = #map}]} {
    %mul3A = arith.constant 2 : i32
    %mul3A_0 = arith.muli %arg1, %mul3A : i32
    %add3A = arith.addi %mul3A_0, %arg0 : i32
    %mul3A_1 = arith.constant 80 : i32
    %mul3A_2 = arith.muli %add3A, %mul3A_1 : i32
    %mul3A_3 = arith.constant 128 : i32
    %mul3A_4 = arith.muli %mul3A_2, %mul3A_3 : i32
    %scan3A = arith.constant 0 : i32
    %scan3A_5 = arith.constant 0 : i32
    %scan3A_6 = arith.constant 32 : i32
    %scan3A_7 = arith.addi %scan3A_5, %scan3A_6 : i32
    %scan3A_8 = arith.constant 1 : i32
    %scan3A_9 = scf.for %scan3A_60 = %scan3A_5 to %scan3A_7 step %scan3A_8 iter_args(%scan3A_61 = %scan3A) -> (i32)  : i32 {
      %broadcast_in_dim3A = arith.constant 0.000000e+00 : f32
      %broadcast_in_dim3A_62 = vector.broadcast %broadcast_in_dim3A : f32 to vector<16xf32>
      %swap3A = arith.index_cast %scan3A_60 : i32 to index
      %swap3A_63 = arith.constant 0 : index
      %swap3A_64 = tpu.vector_load %arg10[%swap3A, %swap3A_63] {strides = array<i32>} : memref<32x128xf32, #tpu.memory_space<vmem>>, vector<1x16xf32>,
      %swap3A_65 = vector.shape_cast %swap3A_64 : vector<1x16xf32> to vector<16xf32>
      %swap3A_66 = vector.shape_cast %broadcast_in_dim3A_62 : vector<16xf32> to vector<1x16xf32>
      tpu.vector_store %arg10[%swap3A, %swap3A_63], %swap3A_66 {strides = array<i32>} : memref<32x128xf32, #tpu.memory_space<vmem>>, vector<1x16xf32>,
      %broadcast_in_dim3A_67 = arith.constant 0.000000e+00 : f32
      %broadcast_in_dim3A_68 = vector.broadcast %broadcast_in_dim3A_67 : f32 to vector<16xf32>
      %swap3A_69 = arith.index_cast %scan3A_60 : i32 to index
      %swap3A_70 = arith.constant 16 : index
      %swap3A_71 = tpu.vector_load %arg10[%swap3A_69, %swap3A_70] {strides = array<i32>} : memref<32x128xf32, #tpu.memory_space<vmem>>, vector<1x16xf32>,
      %swap3A_72 = vector.shape_cast %swap3A_71 : vector<1x16xf32> to vector<16xf32>
      %swap3A_73 = vector.shape_cast %broadcast_in_dim3A_68 : vector<16xf32> to vector<1x16xf32>
      tpu.vector_store %arg10[%swap3A_69, %swap3A_70], %swap3A_73 {strides = array<i32>} : memref<32x128xf32, #tpu.memory_space<vmem>>, vector<1x16xf32>,
      %broadcast_in_dim3A_74 = arith.constant 0.000000e+00 : f32
      %broadcast_in_dim3A_75 = vector.broadcast %broadcast_in_dim3A_74 : f32 to vector<16xf32>
      %swap3A_76 = arith.index_cast %scan3A_60 : i32 to index
      %swap3A_77 = arith.constant 32 : index
      %swap3A_78 = tpu.vector_load %arg10[%swap3A_76, %swap3A_77] {strides = array<i32>} : memref<32x128xf32, #tpu.memory_space<vmem>>, vector<1x16xf32>,
      %swap3A_79 = vector.shape_cast %swap3A_78 : vector<1x16xf32> to vector<16xf32>
      %swap3A_80 = vector.shape_cast %broadcast_in_dim3A_75 : vector<16xf32> to vector<1x16xf32>
      tpu.vector_store %arg10[%swap3A_76, %swap3A_77], %swap3A_80 {strides = array<i32>} : memref<32x128xf32, #tpu.memory_space<vmem>>, vector<1x16xf32>,
      %broadcast_in_dim3A_81 = arith.constant 0.000000e+00 : f32
      %broadcast_in_dim3A_82 = vector.broadcast %broadcast_in_dim3A_81 : f32 to vector<16xf32>
      %swap3A_83 = arith.index_cast %scan3A_60 : i32 to index
      %swap3A_84 = arith.constant 48 : index
      %swap3A_85 = tpu.vector_load %arg10[%swap3A_83, %swap3A_84] {strides = array<i32>} : memref<32x128xf32, #tpu.memory_space<vmem>>, vector<1x16xf32>,
      %swap3A_86 = vector.shape_cast %swap3A_85 : vector<1x16xf32> to vector<16xf32>
      %swap3A_87 = vector.shape_cast %broadcast_in_dim3A_82 : vector<16xf32> to vector<1x16xf32>
      tpu.vector_store %arg10[%swap3A_83, %swap3A_84], %swap3A_87 {strides = array<i32>} : memref<32x128xf32, #tpu.memory_space<vmem>>, vector<1x16xf32>,
      %broadcast_in_dim3A_88 = arith.constant 0.000000e+00 : f32
      %broadcast_in_dim3A_89 = vector.broadcast %broadcast_in_dim3A_88 : f32 to vector<16xf32>
      %swap3A_90 = arith.index_cast %scan3A_60 : i32 to index
      %swap3A_91 = arith.constant 64 : index
      %swap3A_92 = tpu.vector_load %arg10[%swap3A_90, %swap3A_91] {strides = array<i32>} : memref<32x128xf32, #tpu.memory_space<vmem>>, vector<1x16xf32>,
      %swap3A_93 = vector.shape_cast %swap3A_92 : vector<1x16xf32> to vector<16xf32>
      %swap3A_94 = vector.shape_cast %broadcast_in_dim3A_89 : vector<16xf32> to vector<1x16xf32>
      tpu.vector_store %arg10[%swap3A_90, %swap3A_91], %swap3A_94 {strides = array<i32>} : memref<32x128xf32, #tpu.memory_space<vmem>>, vector<1x16xf32>,
      %broadcast_in_dim3A_95 = arith.constant 0.000000e+00 : f32
      %broadcast_in_dim3A_96 = vector.broadcast %broadcast_in_dim3A_95 : f32 to vector<16xf32>
      %swap3A_97 = arith.index_cast %scan3A_60 : i32 to index
      %swap3A_98 = arith.constant 80 : index
      %swap3A_99 = tpu.vector_load %arg10[%swap3A_97, %swap3A_98] {strides = array<i32>} : memref<32x128xf32, #tpu.memory_space<vmem>>, vector<1x16xf32>,
      %swap3A_100 = vector.shape_cast %swap3A_99 : vector<1x16xf32> to vector<16xf32>
      %swap3A_101 = vector.shape_cast %broadcast_in_dim3A_96 : vector<16xf32> to vector<1x16xf32>
      tpu.vector_store %arg10[%swap3A_97, %swap3A_98], %swap3A_101 {strides = array<i32>} : memref<32x128xf32, #tpu.memory_space<vmem>>, vector<1x16xf32>,
      %broadcast_in_dim3A_102 = arith.constant 0.000000e+00 : f32
      %broadcast_in_dim3A_103 = vector.broadcast %broadcast_in_dim3A_102 : f32 to vector<16xf32>
      %swap3A_104 = arith.index_cast %scan3A_60 : i32 to index
      %swap3A_105 = arith.constant 96 : index
      %swap3A_106 = tpu.vector_load %arg10[%swap3A_104, %swap3A_105] {strides = array<i32>} : memref<32x128xf32, #tpu.memory_space<vmem>>, vector<1x16xf32>,
      %swap3A_107 = vector.shape_cast %swap3A_106 : vector<1x16xf32> to vector<16xf32>
      %swap3A_108 = vector.shape_cast %broadcast_in_dim3A_103 : vector<16xf32> to vector<1x16xf32>
      tpu.vector_store %arg10[%swap3A_104, %swap3A_105], %swap3A_108 {strides = array<i32>} : memref<32x128xf32, #tpu.memory_space<vmem>>, vector<1x16xf32>,
      %broadcast_in_dim3A_109 = arith.constant 0.000000e+00 : f32
      %broadcast_in_dim3A_110 = vector.broadcast %broadcast_in_dim3A_109 : f32 to vector<16xf32>
      %swap3A_111 = arith.index_cast %scan3A_60 : i32 to index
      %swap3A_112 = arith.constant 112 : index
      %swap3A_113 = tpu.vector_load %arg10[%swap3A_111, %swap3A_112] {strides = array<i32>} : memref<32x128xf32, #tpu.memory_space<vmem>>, vector<1x16xf32>,
      %swap3A_114 = vector.shape_cast %swap3A_113 : vector<1x16xf32> to vector<16xf32>
      %swap3A_115 = vector.shape_cast %broadcast_in_dim3A_110 : vector<16xf32> to vector<1x16xf32>
      tpu.vector_store %arg10[%swap3A_111, %swap3A_112], %swap3A_115 {strides = array<i32>} : memref<32x128xf32, #tpu.memory_space<vmem>>, vector<1x16xf32>,
      %scan3A_116 = arith.constant 0 : i32
      scf.yield %scan3A_116 : i32
    }
    %scan3A_10 = arith.constant 32 : i32
    %mul3A_11 = arith.constant 632 : i32
    %mul3A_12 = arith.muli %arg1, %mul3A_11 : i32
    %scan3A_13 = arith.constant 0 : i32
    %scan3A_14 = arith.constant 0 : i32
    %scan3A_15 = arith.constant 19 : i32
    %scan3A_16 = arith.addi %scan3A_14, %scan3A_15 : i32
    %scan3A_17 = arith.constant 1 : i32
    %scan3A_18 = scf.for %scan3A_60 = %scan3A_14 to %scan3A_16 step %scan3A_17 iter_args(%scan3A_61 = %scan3A_13) -> (i32)  : i32 {
      %mul3A_62 = arith.constant 32 : i32
      %mul3A_63 = arith.muli %scan3A_60, %mul3A_62 : i32
      %add3A_64 = arith.addi %mul3A_12, %mul3A_63 : i32
      %dma_start3A_65 = arith.constant 0 : i32
      %dma_start3A_66 = tpu.memref_slice %arg9[%add3A_64, %dma_start3A_65] : memref<10112x128xf32, #tpu.memory_space<vmem_shared>> -> memref<32x128xf32, #tpu.memory_space<vmem_shared>>
      %dma_start3A_67 = arith.constant 0 : i32
      %dma_start3A_68 = tpu.memref_slice %arg9[%add3A_64, %dma_start3A_67] : memref<10112x128xf32, #tpu.memory_space<vmem_shared>> -> memref<32x128xf32, #tpu.memory_space<vmem_shared>>
      tpu.enqueue_dma source(%arg10 : memref<32x128xf32, #tpu.memory_space<vmem>>) target(%dma_start3A_68 : memref<32x128xf32, #tpu.memory_space<vmem_shared>>) target_semaphore(%arg12 : memref<!tpu.dma_semaphore, #tpu.memory_space<semaphore_mem>>)
      %scan3A_69 = arith.constant 0 : i32
      scf.yield %scan3A_69 : i32
    }
    %scan3A_19 = arith.constant 19 : i32
    %add3A_20 = arith.constant 608 : i32
    %add3A_21 = arith.addi %mul3A_12, %add3A_20 : i32
    %dma_start3A = arith.constant 0 : i32
    %dma_start3A_22 = arith.constant 0 : i32
    %dma_start3A_23 = tpu.memref_slice %arg10[%dma_start3A, %dma_start3A_22] : memref<32x128xf32, #tpu.memory_space<vmem>> -> memref<24x128xf32, #tpu.memory_space<vmem>>
    %dma_start3A_24 = arith.constant 0 : i32
    %dma_start3A_25 = tpu.memref_slice %arg9[%add3A_21, %dma_start3A_24] : memref<10112x128xf32, #tpu.memory_space<vmem_shared>> -> memref<24x128xf32, #tpu.memory_space<vmem_shared>>
    %dma_start3A_26 = arith.constant 0 : i32
    %dma_start3A_27 = tpu.memref_slice %arg9[%add3A_21, %dma_start3A_26] : memref<10112x128xf32, #tpu.memory_space<vmem_shared>> -> memref<24x128xf32, #tpu.memory_space<vmem_shared>>
    %dma_start3A_28 = arith.constant 0 : i32
    %dma_start3A_29 = arith.constant 0 : i32
    %dma_start3A_30 = tpu.memref_slice %arg10[%dma_start3A_28, %dma_start3A_29] : memref<32x128xf32, #tpu.memory_space<vmem>> -> memref<24x128xf32, #tpu.memory_space<vmem>>
    tpu.enqueue_dma source(%dma_start3A_30 : memref<24x128xf32, #tpu.memory_space<vmem>>) target(%dma_start3A_27 : memref<24x128xf32, #tpu.memory_space<vmem_shared>>) target_semaphore(%arg12 : memref<!tpu.dma_semaphore, #tpu.memory_space<semaphore_mem>>)
    %scan3A_31 = arith.constant 0 : i32
    %scan3A_32 = arith.constant 0 : i32
    %scan3A_33 = arith.constant 19 : i32
    %scan3A_34 = arith.addi %scan3A_32, %scan3A_33 : i32
    %scan3A_35 = arith.constant 1 : i32
    %scan3A_36 = scf.for %scan3A_60 = %scan3A_32 to %scan3A_34 step %scan3A_35 iter_args(%scan3A_61 = %scan3A_31) -> (i32)  : i32 {
      %dma_wait3A_62 = arith.constant 0 : i32
      %dma_wait3A_63 = tpu.memref_slice %arg9[%mul3A_12, %dma_wait3A_62] : memref<10112x128xf32, #tpu.memory_space<vmem_shared>> -> memref<32x128xf32, #tpu.memory_space<vmem_shared>>
      %dma_wait3A_64 = arith.constant 0 : i32
      %dma_wait3A_65 = tpu.memref_slice %arg9[%mul3A_12, %dma_wait3A_64] : memref<10112x128xf32, #tpu.memory_space<vmem_shared>> -> memref<32x128xf32, #tpu.memory_space<vmem_shared>>
      tpu.wait_dma2 semaphore(%arg12 : memref<!tpu.dma_semaphore, #tpu.memory_space<semaphore_mem>>) src(%arg10 : memref<32x128xf32, #tpu.memory_space<vmem>>) dst(%dma_wait3A_65 : memref<32x128xf32, #tpu.memory_space<vmem_shared>>)
      %scan3A_66 = arith.constant 0 : i32
      scf.yield %scan3A_66 : i32
    }
    %scan3A_37 = arith.constant 19 : i32
    %dma_wait3A = arith.constant 0 : i32
    %dma_wait3A_38 = arith.constant 0 : i32
    %dma_wait3A_39 = tpu.memref_slice %arg10[%dma_wait3A, %dma_wait3A_38] : memref<32x128xf32, #tpu.memory_space<vmem>> -> memref<24x128xf32, #tpu.memory_space<vmem>>
    %dma_wait3A_40 = arith.constant 0 : i32
    %dma_wait3A_41 = tpu.memref_slice %arg9[%mul3A_12, %dma_wait3A_40] : memref<10112x128xf32, #tpu.memory_space<vmem_shared>> -> memref<24x128xf32, #tpu.memory_space<vmem_shared>>
    %dma_wait3A_42 = arith.constant 0 : i32
    %dma_wait3A_43 = tpu.memref_slice %arg9[%mul3A_12, %dma_wait3A_42] : memref<10112x128xf32, #tpu.memory_space<vmem_shared>> -> memref<24x128xf32, #tpu.memory_space<vmem_shared>>
    %dma_wait3A_44 = arith.constant 0 : i32
    %dma_wait3A_45 = arith.constant 0 : i32
    %dma_wait3A_46 = tpu.memref_slice %arg10[%dma_wait3A_44, %dma_wait3A_45] : memref<32x128xf32, #tpu.memory_space<vmem>> -> memref<24x128xf32, #tpu.memory_space<vmem>>
    tpu.wait_dma2 semaphore(%arg12 : memref<!tpu.dma_semaphore, #tpu.memory_space<semaphore_mem>>) src(%dma_wait3A_46 : memref<24x128xf32, #tpu.memory_space<vmem>>) dst(%dma_wait3A_43 : memref<24x128xf32, #tpu.memory_space<vmem_shared>>)
    %barrier3A = arith.constant 0 : index
    tpu.barrier barrier_id(%barrier3A)
    %scan3A_47 = arith.constant 0 : i32
    %scan3A_48 = arith.constant 0 : i32
    %scan3A_49 = arith.constant 80 : i32
    %scan3A_50 = arith.addi %scan3A_48, %scan3A_49 : i32
    %scan3A_51 = arith.constant 1 : i32
    %scan3A_52 = scf.for %scan3A_60 = %scan3A_48 to %scan3A_50 step %scan3A_51 iter_args(%scan3A_61 = %scan3A_47) -> (i32)  : i32 {
      %mul3A_62 = arith.constant 128 : i32
      %mul3A_63 = arith.muli %scan3A_60, %mul3A_62 : i32
      %add3A_64 = arith.addi %mul3A_4, %mul3A_63 : i32
      "tpu.region"() ({
        %run_scoped3A = tpu.sem_alloc : memref<!tpu.dma_semaphore, #tpu.memory_space<semaphore_mem>>
        %dma_start3A_72 = tpu.memref_slice %arg3[%add3A_64] : memref<327680xi32, #tpu.memory_space<hbm>> -> memref<128xi32, #tpu.memory_space<hbm>>
        %dma_start3A_73 = tpu.memref_slice %arg3[%add3A_64] : memref<327680xi32, #tpu.memory_space<hbm>> -> memref<128xi32, #tpu.memory_space<hbm>>
        tpu.enqueue_dma source(%dma_start3A_73 : memref<128xi32, #tpu.memory_space<hbm>>) target(%arg6 : memref<128xi32, #tpu.memory_space<vmem>>) target_semaphore(%run_scoped3A : memref<!tpu.dma_semaphore, #tpu.memory_space<semaphore_mem>>)
        %dma_wait3A_74 = tpu.memref_slice %arg3[%add3A_64] : memref<327680xi32, #tpu.memory_space<hbm>> -> memref<128xi32, #tpu.memory_space<hbm>>
        %dma_wait3A_75 = tpu.memref_slice %arg3[%add3A_64] : memref<327680xi32, #tpu.memory_space<hbm>> -> memref<128xi32, #tpu.memory_space<hbm>>
        tpu.wait_dma2 semaphore(%run_scoped3A : memref<!tpu.dma_semaphore, #tpu.memory_space<semaphore_mem>>) src(%dma_wait3A_75 : memref<128xi32, #tpu.memory_space<hbm>>) dst(%arg6 : memref<128xi32, #tpu.memory_space<vmem>>)
        tpu.yield
      }) : () -> ()
      "tpu.region"() ({
        %run_scoped3A = tpu.sem_alloc : memref<!tpu.dma_semaphore, #tpu.memory_space<semaphore_mem>>
        %dma_start3A_72 = tpu.memref_slice %arg4[%add3A_64] : memref<327680xi32, #tpu.memory_space<hbm>> -> memref<128xi32, #tpu.memory_space<hbm>>
        %dma_start3A_73 = tpu.memref_slice %arg4[%add3A_64] : memref<327680xi32, #tpu.memory_space<hbm>> -> memref<128xi32, #tpu.memory_space<hbm>>
        tpu.enqueue_dma source(%dma_start3A_73 : memref<128xi32, #tpu.memory_space<hbm>>) target(%arg7 : memref<128xi32, #tpu.memory_space<vmem>>) target_semaphore(%run_scoped3A : memref<!tpu.dma_semaphore, #tpu.memory_space<semaphore_mem>>)
        %dma_wait3A_74 = tpu.memref_slice %arg4[%add3A_64] : memref<327680xi32, #tpu.memory_space<hbm>> -> memref<128xi32, #tpu.memory_space<hbm>>
        %dma_wait3A_75 = tpu.memref_slice %arg4[%add3A_64] : memref<327680xi32, #tpu.memory_space<hbm>> -> memref<128xi32, #tpu.memory_space<hbm>>
        tpu.wait_dma2 semaphore(%run_scoped3A : memref<!tpu.dma_semaphore, #tpu.memory_space<semaphore_mem>>) src(%dma_wait3A_75 : memref<128xi32, #tpu.memory_space<hbm>>) dst(%arg7 : memref<128xi32, #tpu.memory_space<vmem>>)
        tpu.yield
      }) : () -> ()
      %dma_start3A_65 = arith.constant 0 : i32
      %dma_start3A_66 = arith.constant 0 : i32
      %dma_start3A_67 = tpu.memref_slice %arg2[%dma_start3A_65, %dma_start3A_66] : memref<10000x128xf32, #tpu.memory_space<hbm>> -> memref<10000x128xf32, #tpu.memory_space<hbm>>
      tpu.enqueue_indirect_dma source(%dma_start3A_67 : memref<10000x128xf32, #tpu.memory_space<hbm>>) target(%arg8 : memref<128x128xf32, #tpu.memory_space<vmem>>) offsets(%arg6 : memref<128xi32, #tpu.memory_space<vmem>>) semaphore(%arg11 : memref<!tpu.dma_semaphore, #tpu.memory_space<semaphore_mem>>)
      %dma_wait3A_68 = arith.constant 0 : i32
      %dma_wait3A_69 = arith.constant 0 : i32
      %dma_wait3A_70 = tpu.memref_slice %arg2[%dma_wait3A_68, %dma_wait3A_69] : memref<10000x128xf32, #tpu.memory_space<hbm>> -> memref<10000x128xf32, #tpu.memory_space<hbm>>
      tpu.wait_indirect_dma semaphore(%arg11 : memref<!tpu.dma_semaphore, #tpu.memory_space<semaphore_mem>>) src(%dma_wait3A_70 : memref<10000x128xf32, #tpu.memory_space<hbm>>) dst(%arg8 : memref<128x128xf32, #tpu.memory_space<vmem>>)
      "tpu.region"() ({
        %run_scoped3A = tpu.sem_alloc : memref<!tpu.dma_semaphore, #tpu.memory_space<semaphore_mem>>
        %dma_start3A_72 = arith.constant 0 : i32
        %dma_start3A_73 = arith.constant 0 : i32
        %dma_start3A_74 = tpu.memref_slice %arg9[%dma_start3A_72, %dma_start3A_73] : memref<10112x128xf32, #tpu.memory_space<vmem_shared>> -> memref<10112x128xf32, #tpu.memory_space<vmem_shared>>
        tpu.enqueue_indirect_dma source(%arg8 : memref<128x128xf32, #tpu.memory_space<vmem>>) target(%dma_start3A_74 : memref<10112x128xf32, #tpu.memory_space<vmem_shared>>) offsets(%arg7 : memref<128xi32, #tpu.memory_space<vmem>>) semaphore(%run_scoped3A : memref<!tpu.dma_semaphore, #tpu.memory_space<semaphore_mem>>) {add = true}
        %dma_wait3A_75 = arith.constant 0 : i32
        %dma_wait3A_76 = arith.constant 0 : i32
        %dma_wait3A_77 = tpu.memref_slice %arg9[%dma_wait3A_75, %dma_wait3A_76] : memref<10112x128xf32, #tpu.memory_space<vmem_shared>> -> memref<10112x128xf32, #tpu.memory_space<vmem_shared>>
        tpu.wait_indirect_dma semaphore(%run_scoped3A : memref<!tpu.dma_semaphore, #tpu.memory_space<semaphore_mem>>) src(%arg8 : memref<128x128xf32, #tpu.memory_space<vmem>>) dst(%dma_wait3A_77 : memref<10112x128xf32, #tpu.memory_space<vmem_shared>>)
        tpu.yield
      }) : () -> ()
      %scan3A_71 = arith.constant 0 : i32
      scf.yield %scan3A_71 : i32
    }
    %scan3A_53 = arith.constant 80 : i32
    %barrier3A_54 = arith.constant 0 : index
    tpu.barrier barrier_id(%barrier3A_54)
    %mul3A_55 = arith.constant 632 : i32
    %mul3A_56 = arith.muli %arg1, %mul3A_55 : i32
    %mul3A_57 = arith.constant 10112 : i32
    %mul3A_58 = arith.muli %arg0, %mul3A_57 : i32
    %add3A_59 = arith.addi %mul3A_58, %mul3A_56 : i32
    "tpu.region"() ({
      %run_scoped3A = tpu.sem_alloc : memref<!tpu.dma_semaphore, #tpu.memory_space<semaphore_mem>>
      %dma_start3A_60 = arith.constant 0 : i32
      %dma_start3A_61 = tpu.memref_slice %arg5[%add3A_59, %dma_start3A_60] : memref<20224x128xf32, #tpu.memory_space<hbm>> -> memref<632x128xf32, #tpu.memory_space<hbm>>
      %dma_start3A_62 = arith.constant 0 : i32
      %dma_start3A_63 = tpu.memref_slice %arg9[%mul3A_56, %dma_start3A_62] : memref<10112x128xf32, #tpu.memory_space<vmem_shared>> -> memref<632x128xf32, #tpu.memory_space<vmem_shared>>
      tpu.enqueue_dma source(%dma_start3A_63 : memref<632x128xf32, #tpu.memory_space<vmem_shared>>) target(%dma_start3A_61 : memref<632x128xf32, #tpu.memory_space<hbm>>) target_semaphore(%run_scoped3A : memref<!tpu.dma_semaphore, #tpu.memory_space<semaphore_mem>>)
      %dma_wait3A_64 = arith.constant 0 : i32
      %dma_wait3A_65 = tpu.memref_slice %arg5[%add3A_59, %dma_wait3A_64] : memref<20224x128xf32, #tpu.memory_space<hbm>> -> memref<632x128xf32, #tpu.memory_space<hbm>>
      %dma_wait3A_66 = arith.constant 0 : i32
      %dma_wait3A_67 = tpu.memref_slice %arg9[%mul3A_56, %dma_wait3A_66] : memref<10112x128xf32, #tpu.memory_space<vmem_shared>> -> memref<632x128xf32, #tpu.memory_space<vmem_shared>>
      tpu.wait_dma2 semaphore(%run_scoped3A : memref<!tpu.dma_semaphore, #tpu.memory_space<semaphore_mem>>) src(%dma_wait3A_67 : memref<632x128xf32, #tpu.memory_space<vmem_shared>>) dst(%dma_wait3A_65 : memref<632x128xf32, #tpu.memory_space<hbm>>)
      tpu.yield
    }) : () -> ()
    return
  }
}

#map = affine_map<(d0, d1) -> (0, 0)>
#map1 = affine_map<(d0, d1) -> (0)>
module attributes {stable_mosaic.version = 14 : i64} {
  func.func @_spmm_body(%arg0: i32, %arg1: i32, %arg2: memref<10000x128xf32, #tpu.memory_space<hbm>>, %arg3: memref<327680xi32, #tpu.memory_space<hbm>>, %arg4: memref<327680xi32, #tpu.memory_space<hbm>>, %arg5: memref<20224x128xf32, #tpu.memory_space<hbm>>, %arg6: memref<128xi32, #tpu.memory_space<vmem>>, %arg7: memref<128xi32, #tpu.memory_space<vmem>>, %arg8: memref<128x128xf32, #tpu.memory_space<vmem>>, %arg9: memref<10112x128xf32, #tpu.memory_space<vmem_shared>>, %arg10: memref<32x128xf32, #tpu.memory_space<vmem>>, %arg11: memref<!tpu.dma_semaphore, #tpu.memory_space<semaphore_mem>>, %arg12: memref<!tpu.dma_semaphore, #tpu.memory_space<semaphore_mem>>) attributes {dimension_semantics = [#tpu.dimension_semantics<core_parallel>, #tpu.dimension_semantics<subcore_parallel>], iteration_bounds = array<i64: 2, 16>, scalar_prefetch = 0 : i64, scratch_operands = 7 : i64, tpu.core_type = #tpu.core_type<sc_vector_subcore>, window_params = [{transform_indices = #map}, {transform_indices = #map1}, {transform_indices = #map1}, {transform_indices = #map}]} {
    %mul3A = arith.constant 2 : i32
    %mul3A_0 = arith.muli %arg1, %mul3A : i32
    %add3A = arith.addi %mul3A_0, %arg0 : i32
    %mul3A_1 = arith.constant 80 : i32
    %mul3A_2 = arith.muli %add3A, %mul3A_1 : i32
    %mul3A_3 = arith.constant 128 : i32
    %mul3A_4 = arith.muli %mul3A_2, %mul3A_3 : i32
    %scan3A = arith.constant 0 : i32
    %scan3A_5 = arith.constant 0 : i32
    %scan3A_6 = arith.constant 32 : i32
    %scan3A_7 = arith.addi %scan3A_5, %scan3A_6 : i32
    %scan3A_8 = arith.constant 1 : i32
    %scan3A_9 = scf.for %scan3A_60 = %scan3A_5 to %scan3A_7 step %scan3A_8 iter_args(%scan3A_61 = %scan3A) -> (i32)  : i32 {
      %broadcast_in_dim3A = arith.constant 0.000000e+00 : f32
      %broadcast_in_dim3A_62 = vector.broadcast %broadcast_in_dim3A : f32 to vector<16xf32>
      %swap3A = arith.index_cast %scan3A_60 : i32 to index
      %swap3A_63 = arith.constant 0 : index
      %swap3A_64 = tpu.vector_load %arg10[%swap3A, %swap3A_63] {strides = array<i32>} : memref<32x128xf32, #tpu.memory_space<vmem>>, vector<1x16xf32>,
      %swap3A_65 = vector.shape_cast %swap3A_64 : vector<1x16xf32> to vector<16xf32>
      %swap3A_66 = vector.shape_cast %broadcast_in_dim3A_62 : vector<16xf32> to vector<1x16xf32>
      tpu.vector_store %arg10[%swap3A, %swap3A_63], %swap3A_66 {strides = array<i32>} : memref<32x128xf32, #tpu.memory_space<vmem>>, vector<1x16xf32>,
      %broadcast_in_dim3A_67 = arith.constant 0.000000e+00 : f32
      %broadcast_in_dim3A_68 = vector.broadcast %broadcast_in_dim3A_67 : f32 to vector<16xf32>
      %swap3A_69 = arith.index_cast %scan3A_60 : i32 to index
      %swap3A_70 = arith.constant 16 : index
      %swap3A_71 = tpu.vector_load %arg10[%swap3A_69, %swap3A_70] {strides = array<i32>} : memref<32x128xf32, #tpu.memory_space<vmem>>, vector<1x16xf32>,
      %swap3A_72 = vector.shape_cast %swap3A_71 : vector<1x16xf32> to vector<16xf32>
      %swap3A_73 = vector.shape_cast %broadcast_in_dim3A_68 : vector<16xf32> to vector<1x16xf32>
      tpu.vector_store %arg10[%swap3A_69, %swap3A_70], %swap3A_73 {strides = array<i32>} : memref<32x128xf32, #tpu.memory_space<vmem>>, vector<1x16xf32>,
      %broadcast_in_dim3A_74 = arith.constant 0.000000e+00 : f32
      %broadcast_in_dim3A_75 = vector.broadcast %broadcast_in_dim3A_74 : f32 to vector<16xf32>
      %swap3A_76 = arith.index_cast %scan3A_60 : i32 to index
      %swap3A_77 = arith.constant 32 : index
      %swap3A_78 = tpu.vector_load %arg10[%swap3A_76, %swap3A_77] {strides = array<i32>} : memref<32x128xf32, #tpu.memory_space<vmem>>, vector<1x16xf32>,
      %swap3A_79 = vector.shape_cast %swap3A_78 : vector<1x16xf32> to vector<16xf32>
      %swap3A_80 = vector.shape_cast %broadcast_in_dim3A_75 : vector<16xf32> to vector<1x16xf32>
      tpu.vector_store %arg10[%swap3A_76, %swap3A_77], %swap3A_80 {strides = array<i32>} : memref<32x128xf32, #tpu.memory_space<vmem>>, vector<1x16xf32>,
      %broadcast_in_dim3A_81 = arith.constant 0.000000e+00 : f32
      %broadcast_in_dim3A_82 = vector.broadcast %broadcast_in_dim3A_81 : f32 to vector<16xf32>
      %swap3A_83 = arith.index_cast %scan3A_60 : i32 to index
      %swap3A_84 = arith.constant 48 : index
      %swap3A_85 = tpu.vector_load %arg10[%swap3A_83, %swap3A_84] {strides = array<i32>} : memref<32x128xf32, #tpu.memory_space<vmem>>, vector<1x16xf32>,
      %swap3A_86 = vector.shape_cast %swap3A_85 : vector<1x16xf32> to vector<16xf32>
      %swap3A_87 = vector.shape_cast %broadcast_in_dim3A_82 : vector<16xf32> to vector<1x16xf32>
      tpu.vector_store %arg10[%swap3A_83, %swap3A_84], %swap3A_87 {strides = array<i32>} : memref<32x128xf32, #tpu.memory_space<vmem>>, vector<1x16xf32>,
      %broadcast_in_dim3A_88 = arith.constant 0.000000e+00 : f32
      %broadcast_in_dim3A_89 = vector.broadcast %broadcast_in_dim3A_88 : f32 to vector<16xf32>
      %swap3A_90 = arith.index_cast %scan3A_60 : i32 to index
      %swap3A_91 = arith.constant 64 : index
      %swap3A_92 = tpu.vector_load %arg10[%swap3A_90, %swap3A_91] {strides = array<i32>} : memref<32x128xf32, #tpu.memory_space<vmem>>, vector<1x16xf32>,
      %swap3A_93 = vector.shape_cast %swap3A_92 : vector<1x16xf32> to vector<16xf32>
      %swap3A_94 = vector.shape_cast %broadcast_in_dim3A_89 : vector<16xf32> to vector<1x16xf32>
      tpu.vector_store %arg10[%swap3A_90, %swap3A_91], %swap3A_94 {strides = array<i32>} : memref<32x128xf32, #tpu.memory_space<vmem>>, vector<1x16xf32>,
      %broadcast_in_dim3A_95 = arith.constant 0.000000e+00 : f32
      %broadcast_in_dim3A_96 = vector.broadcast %broadcast_in_dim3A_95 : f32 to vector<16xf32>
      %swap3A_97 = arith.index_cast %scan3A_60 : i32 to index
      %swap3A_98 = arith.constant 80 : index
      %swap3A_99 = tpu.vector_load %arg10[%swap3A_97, %swap3A_98] {strides = array<i32>} : memref<32x128xf32, #tpu.memory_space<vmem>>, vector<1x16xf32>,
      %swap3A_100 = vector.shape_cast %swap3A_99 : vector<1x16xf32> to vector<16xf32>
      %swap3A_101 = vector.shape_cast %broadcast_in_dim3A_96 : vector<16xf32> to vector<1x16xf32>
      tpu.vector_store %arg10[%swap3A_97, %swap3A_98], %swap3A_101 {strides = array<i32>} : memref<32x128xf32, #tpu.memory_space<vmem>>, vector<1x16xf32>,
      %broadcast_in_dim3A_102 = arith.constant 0.000000e+00 : f32
      %broadcast_in_dim3A_103 = vector.broadcast %broadcast_in_dim3A_102 : f32 to vector<16xf32>
      %swap3A_104 = arith.index_cast %scan3A_60 : i32 to index
      %swap3A_105 = arith.constant 96 : index
      %swap3A_106 = tpu.vector_load %arg10[%swap3A_104, %swap3A_105] {strides = array<i32>} : memref<32x128xf32, #tpu.memory_space<vmem>>, vector<1x16xf32>,
      %swap3A_107 = vector.shape_cast %swap3A_106 : vector<1x16xf32> to vector<16xf32>
      %swap3A_108 = vector.shape_cast %broadcast_in_dim3A_103 : vector<16xf32> to vector<1x16xf32>
      tpu.vector_store %arg10[%swap3A_104, %swap3A_105], %swap3A_108 {strides = array<i32>} : memref<32x128xf32, #tpu.memory_space<vmem>>, vector<1x16xf32>,
      %broadcast_in_dim3A_109 = arith.constant 0.000000e+00 : f32
      %broadcast_in_dim3A_110 = vector.broadcast %broadcast_in_dim3A_109 : f32 to vector<16xf32>
      %swap3A_111 = arith.index_cast %scan3A_60 : i32 to index
      %swap3A_112 = arith.constant 112 : index
      %swap3A_113 = tpu.vector_load %arg10[%swap3A_111, %swap3A_112] {strides = array<i32>} : memref<32x128xf32, #tpu.memory_space<vmem>>, vector<1x16xf32>,
      %swap3A_114 = vector.shape_cast %swap3A_113 : vector<1x16xf32> to vector<16xf32>
      %swap3A_115 = vector.shape_cast %broadcast_in_dim3A_110 : vector<16xf32> to vector<1x16xf32>
      tpu.vector_store %arg10[%swap3A_111, %swap3A_112], %swap3A_115 {strides = array<i32>} : memref<32x128xf32, #tpu.memory_space<vmem>>, vector<1x16xf32>,
      %scan3A_116 = arith.constant 0 : i32
      scf.yield %scan3A_116 : i32
    }
    %scan3A_10 = arith.constant 32 : i32
    %mul3A_11 = arith.constant 632 : i32
    %mul3A_12 = arith.muli %arg1, %mul3A_11 : i32
    %scan3A_13 = arith.constant 0 : i32
    %scan3A_14 = arith.constant 0 : i32
    %scan3A_15 = arith.constant 19 : i32
    %scan3A_16 = arith.addi %scan3A_14, %scan3A_15 : i32
    %scan3A_17 = arith.constant 1 : i32
    %scan3A_18 = scf.for %scan3A_60 = %scan3A_14 to %scan3A_16 step %scan3A_17 iter_args(%scan3A_61 = %scan3A_13) -> (i32)  : i32 {
      %mul3A_62 = arith.constant 32 : i32
      %mul3A_63 = arith.muli %scan3A_60, %mul3A_62 : i32
      %add3A_64 = arith.addi %mul3A_12, %mul3A_63 : i32
      %dma_start3A_65 = arith.constant 0 : i32
      %dma_start3A_66 = tpu.memref_slice %arg9[%add3A_64, %dma_start3A_65] : memref<10112x128xf32, #tpu.memory_space<vmem_shared>> -> memref<32x128xf32, #tpu.memory_space<vmem_shared>>
      %dma_start3A_67 = arith.constant 0 : i32
      %dma_start3A_68 = tpu.memref_slice %arg9[%add3A_64, %dma_start3A_67] : memref<10112x128xf32, #tpu.memory_space<vmem_shared>> -> memref<32x128xf32, #tpu.memory_space<vmem_shared>>
      tpu.enqueue_dma source(%arg10 : memref<32x128xf32, #tpu.memory_space<vmem>>) target(%dma_start3A_68 : memref<32x128xf32, #tpu.memory_space<vmem_shared>>) target_semaphore(%arg12 : memref<!tpu.dma_semaphore, #tpu.memory_space<semaphore_mem>>)
      %scan3A_69 = arith.constant 0 : i32
      scf.yield %scan3A_69 : i32
    }
    %scan3A_19 = arith.constant 19 : i32
    %add3A_20 = arith.constant 608 : i32
    %add3A_21 = arith.addi %mul3A_12, %add3A_20 : i32
    %dma_start3A = arith.constant 0 : i32
    %dma_start3A_22 = arith.constant 0 : i32
    %dma_start3A_23 = tpu.memref_slice %arg10[%dma_start3A, %dma_start3A_22] : memref<32x128xf32, #tpu.memory_space<vmem>> -> memref<24x128xf32, #tpu.memory_space<vmem>>
    %dma_start3A_24 = arith.constant 0 : i32
    %dma_start3A_25 = tpu.memref_slice %arg9[%add3A_21, %dma_start3A_24] : memref<10112x128xf32, #tpu.memory_space<vmem_shared>> -> memref<24x128xf32, #tpu.memory_space<vmem_shared>>
    %dma_start3A_26 = arith.constant 0 : i32
    %dma_start3A_27 = tpu.memref_slice %arg9[%add3A_21, %dma_start3A_26] : memref<10112x128xf32, #tpu.memory_space<vmem_shared>> -> memref<24x128xf32, #tpu.memory_space<vmem_shared>>
    %dma_start3A_28 = arith.constant 0 : i32
    %dma_start3A_29 = arith.constant 0 : i32
    %dma_start3A_30 = tpu.memref_slice %arg10[%dma_start3A_28, %dma_start3A_29] : memref<32x128xf32, #tpu.memory_space<vmem>> -> memref<24x128xf32, #tpu.memory_space<vmem>>
    tpu.enqueue_dma source(%dma_start3A_30 : memref<24x128xf32, #tpu.memory_space<vmem>>) target(%dma_start3A_27 : memref<24x128xf32, #tpu.memory_space<vmem_shared>>) target_semaphore(%arg12 : memref<!tpu.dma_semaphore, #tpu.memory_space<semaphore_mem>>)
    %scan3A_31 = arith.constant 0 : i32
    %scan3A_32 = arith.constant 0 : i32
    %scan3A_33 = arith.constant 19 : i32
    %scan3A_34 = arith.addi %scan3A_32, %scan3A_33 : i32
    %scan3A_35 = arith.constant 1 : i32
    %scan3A_36 = scf.for %scan3A_60 = %scan3A_32 to %scan3A_34 step %scan3A_35 iter_args(%scan3A_61 = %scan3A_31) -> (i32)  : i32 {
      %dma_wait3A_62 = arith.constant 0 : i32
      %dma_wait3A_63 = tpu.memref_slice %arg9[%mul3A_12, %dma_wait3A_62] : memref<10112x128xf32, #tpu.memory_space<vmem_shared>> -> memref<32x128xf32, #tpu.memory_space<vmem_shared>>
      %dma_wait3A_64 = arith.constant 0 : i32
      %dma_wait3A_65 = tpu.memref_slice %arg9[%mul3A_12, %dma_wait3A_64] : memref<10112x128xf32, #tpu.memory_space<vmem_shared>> -> memref<32x128xf32, #tpu.memory_space<vmem_shared>>
      tpu.wait_dma2 semaphore(%arg12 : memref<!tpu.dma_semaphore, #tpu.memory_space<semaphore_mem>>) src(%arg10 : memref<32x128xf32, #tpu.memory_space<vmem>>) dst(%dma_wait3A_65 : memref<32x128xf32, #tpu.memory_space<vmem_shared>>)
      %scan3A_66 = arith.constant 0 : i32
      scf.yield %scan3A_66 : i32
    }
    %scan3A_37 = arith.constant 19 : i32
    %dma_wait3A = arith.constant 0 : i32
    %dma_wait3A_38 = arith.constant 0 : i32
    %dma_wait3A_39 = tpu.memref_slice %arg10[%dma_wait3A, %dma_wait3A_38] : memref<32x128xf32, #tpu.memory_space<vmem>> -> memref<24x128xf32, #tpu.memory_space<vmem>>
    %dma_wait3A_40 = arith.constant 0 : i32
    %dma_wait3A_41 = tpu.memref_slice %arg9[%mul3A_12, %dma_wait3A_40] : memref<10112x128xf32, #tpu.memory_space<vmem_shared>> -> memref<24x128xf32, #tpu.memory_space<vmem_shared>>
    %dma_wait3A_42 = arith.constant 0 : i32
    %dma_wait3A_43 = tpu.memref_slice %arg9[%mul3A_12, %dma_wait3A_42] : memref<10112x128xf32, #tpu.memory_space<vmem_shared>> -> memref<24x128xf32, #tpu.memory_space<vmem_shared>>
    %dma_wait3A_44 = arith.constant 0 : i32
    %dma_wait3A_45 = arith.constant 0 : i32
    %dma_wait3A_46 = tpu.memref_slice %arg10[%dma_wait3A_44, %dma_wait3A_45] : memref<32x128xf32, #tpu.memory_space<vmem>> -> memref<24x128xf32, #tpu.memory_space<vmem>>
    tpu.wait_dma2 semaphore(%arg12 : memref<!tpu.dma_semaphore, #tpu.memory_space<semaphore_mem>>) src(%dma_wait3A_46 : memref<24x128xf32, #tpu.memory_space<vmem>>) dst(%dma_wait3A_43 : memref<24x128xf32, #tpu.memory_space<vmem_shared>>)
    %barrier3A = arith.constant 0 : index
    tpu.barrier barrier_id(%barrier3A)
    %scan3A_47 = arith.constant 0 : i32
    %scan3A_48 = arith.constant 0 : i32
    %scan3A_49 = arith.constant 80 : i32
    %scan3A_50 = arith.addi %scan3A_48, %scan3A_49 : i32
    %scan3A_51 = arith.constant 1 : i32
    %scan3A_52 = scf.for %scan3A_60 = %scan3A_48 to %scan3A_50 step %scan3A_51 iter_args(%scan3A_61 = %scan3A_47) -> (i32)  : i32 {
      %mul3A_62 = arith.constant 128 : i32
      %mul3A_63 = arith.muli %scan3A_60, %mul3A_62 : i32
      %add3A_64 = arith.addi %mul3A_4, %mul3A_63 : i32
      "tpu.region"() ({
        %run_scoped3A = tpu.sem_alloc : memref<!tpu.dma_semaphore, #tpu.memory_space<semaphore_mem>>
        %dma_start3A_72 = tpu.memref_slice %arg3[%add3A_64] : memref<327680xi32, #tpu.memory_space<hbm>> -> memref<128xi32, #tpu.memory_space<hbm>>
        %dma_start3A_73 = tpu.memref_slice %arg3[%add3A_64] : memref<327680xi32, #tpu.memory_space<hbm>> -> memref<128xi32, #tpu.memory_space<hbm>>
        tpu.enqueue_dma source(%dma_start3A_73 : memref<128xi32, #tpu.memory_space<hbm>>) target(%arg6 : memref<128xi32, #tpu.memory_space<vmem>>) target_semaphore(%run_scoped3A : memref<!tpu.dma_semaphore, #tpu.memory_space<semaphore_mem>>)
        %dma_wait3A_74 = tpu.memref_slice %arg3[%add3A_64] : memref<327680xi32, #tpu.memory_space<hbm>> -> memref<128xi32, #tpu.memory_space<hbm>>
        %dma_wait3A_75 = tpu.memref_slice %arg3[%add3A_64] : memref<327680xi32, #tpu.memory_space<hbm>> -> memref<128xi32, #tpu.memory_space<hbm>>
        tpu.wait_dma2 semaphore(%run_scoped3A : memref<!tpu.dma_semaphore, #tpu.memory_space<semaphore_mem>>) src(%dma_wait3A_75 : memref<128xi32, #tpu.memory_space<hbm>>) dst(%arg6 : memref<128xi32, #tpu.memory_space<vmem>>)
        tpu.yield
      }) : () -> ()
      "tpu.region"() ({
        %run_scoped3A = tpu.sem_alloc : memref<!tpu.dma_semaphore, #tpu.memory_space<semaphore_mem>>
        %dma_start3A_72 = tpu.memref_slice %arg4[%add3A_64] : memref<327680xi32, #tpu.memory_space<hbm>> -> memref<128xi32, #tpu.memory_space<hbm>>
        %dma_start3A_73 = tpu.memref_slice %arg4[%add3A_64] : memref<327680xi32, #tpu.memory_space<hbm>> -> memref<128xi32, #tpu.memory_space<hbm>>
        tpu.enqueue_dma source(%dma_start3A_73 : memref<128xi32, #tpu.memory_space<hbm>>) target(%arg7 : memref<128xi32, #tpu.memory_space<vmem>>) target_semaphore(%run_scoped3A : memref<!tpu.dma_semaphore, #tpu.memory_space<semaphore_mem>>)
        %dma_wait3A_74 = tpu.memref_slice %arg4[%add3A_64] : memref<327680xi32, #tpu.memory_space<hbm>> -> memref<128xi32, #tpu.memory_space<hbm>>
        %dma_wait3A_75 = tpu.memref_slice %arg4[%add3A_64] : memref<327680xi32, #tpu.memory_space<hbm>> -> memref<128xi32, #tpu.memory_space<hbm>>
        tpu.wait_dma2 semaphore(%run_scoped3A : memref<!tpu.dma_semaphore, #tpu.memory_space<semaphore_mem>>) src(%dma_wait3A_75 : memref<128xi32, #tpu.memory_space<hbm>>) dst(%arg7 : memref<128xi32, #tpu.memory_space<vmem>>)
        tpu.yield
      }) : () -> ()
      %dma_start3A_65 = arith.constant 0 : i32
      %dma_start3A_66 = arith.constant 0 : i32
      %dma_start3A_67 = tpu.memref_slice %arg2[%dma_start3A_65, %dma_start3A_66] : memref<10000x128xf32, #tpu.memory_space<hbm>> -> memref<10000x128xf32, #tpu.memory_space<hbm>>
      tpu.enqueue_indirect_dma source(%dma_start3A_67 : memref<10000x128xf32, #tpu.memory_space<hbm>>) target(%arg8 : memref<128x128xf32, #tpu.memory_space<vmem>>) offsets(%arg6 : memref<128xi32, #tpu.memory_space<vmem>>) semaphore(%arg11 : memref<!tpu.dma_semaphore, #tpu.memory_space<semaphore_mem>>)
      %dma_wait3A_68 = arith.constant 0 : i32
      %dma_wait3A_69 = arith.constant 0 : i32
      %dma_wait3A_70 = tpu.memref_slice %arg2[%dma_wait3A_68, %dma_wait3A_69] : memref<10000x128xf32, #tpu.memory_space<hbm>> -> memref<10000x128xf32, #tpu.memory_space<hbm>>
      tpu.wait_indirect_dma semaphore(%arg11 : memref<!tpu.dma_semaphore, #tpu.memory_space<semaphore_mem>>) src(%dma_wait3A_70 : memref<10000x128xf32, #tpu.memory_space<hbm>>) dst(%arg8 : memref<128x128xf32, #tpu.memory_space<vmem>>)
      "tpu.region"() ({
        %run_scoped3A = tpu.sem_alloc : memref<!tpu.dma_semaphore, #tpu.memory_space<semaphore_mem>>
        %dma_start3A_72 = arith.constant 0 : i32
        %dma_start3A_73 = arith.constant 0 : i32
        %dma_start3A_74 = tpu.memref_slice %arg9[%dma_start3A_72, %dma_start3A_73] : memref<10112x128xf32, #tpu.memory_space<vmem_shared>> -> memref<10112x128xf32, #tpu.memory_space<vmem_shared>>
        tpu.enqueue_indirect_dma source(%arg8 : memref<128x128xf32, #tpu.memory_space<vmem>>) target(%dma_start3A_74 : memref<10112x128xf32, #tpu.memory_space<vmem_shared>>) offsets(%arg7 : memref<128xi32, #tpu.memory_space<vmem>>) semaphore(%run_scoped3A : memref<!tpu.dma_semaphore, #tpu.memory_space<semaphore_mem>>) {add = true}
        %dma_wait3A_75 = arith.constant 0 : i32
        %dma_wait3A_76 = arith.constant 0 : i32
        %dma_wait3A_77 = tpu.memref_slice %arg9[%dma_wait3A_75, %dma_wait3A_76] : memref<10112x128xf32, #tpu.memory_space<vmem_shared>> -> memref<10112x128xf32, #tpu.memory_space<vmem_shared>>
        tpu.wait_indirect_dma semaphore(%run_scoped3A : memref<!tpu.dma_semaphore, #tpu.memory_space<semaphore_mem>>) src(%arg8 : memref<128x128xf32, #tpu.memory_space<vmem>>) dst(%dma_wait3A_77 : memref<10112x128xf32, #tpu.memory_space<vmem_shared>>)
        tpu.yield
      }) : () -> ()
      %scan3A_71 = arith.constant 0 : i32
      scf.yield %scan3A_71 : i32
    }
    %scan3A_53 = arith.constant 80 : i32
    %barrier3A_54 = arith.constant 0 : index
    tpu.barrier barrier_id(%barrier3A_54)
    %mul3A_55 = arith.constant 632 : i32
    %mul3A_56 = arith.muli %arg1, %mul3A_55 : i32
    %mul3A_57 = arith.constant 10112 : i32
    %mul3A_58 = arith.muli %arg0, %mul3A_57 : i32
    %add3A_59 = arith.addi %mul3A_58, %mul3A_56 : i32
    "tpu.region"() ({
      %run_scoped3A = tpu.sem_alloc : memref<!tpu.dma_semaphore, #tpu.memory_space<semaphore_mem>>
      %dma_start3A_60 = arith.constant 0 : i32
      %dma_start3A_61 = tpu.memref_slice %arg5[%add3A_59, %dma_start3A_60] : memref<20224x128xf32, #tpu.memory_space<hbm>> -> memref<632x128xf32, #tpu.memory_space<hbm>>
      %dma_start3A_62 = arith.constant 0 : i32
      %dma_start3A_63 = tpu.memref_slice %arg9[%mul3A_56, %dma_start3A_62] : memref<10112x128xf32, #tpu.memory_space<vmem_shared>> -> memref<632x128xf32, #tpu.memory_space<vmem_shared>>
      tpu.enqueue_dma source(%dma_start3A_63 : memref<632x128xf32, #tpu.memory_space<vmem_shared>>) target(%dma_start3A_61 : memref<632x128xf32, #tpu.memory_space<hbm>>) target_semaphore(%run_scoped3A : memref<!tpu.dma_semaphore, #tpu.memory_space<semaphore_mem>>)
      %dma_wait3A_64 = arith.constant 0 : i32
      %dma_wait3A_65 = tpu.memref_slice %arg5[%add3A_59, %dma_wait3A_64] : memref<20224x128xf32, #tpu.memory_space<hbm>> -> memref<632x128xf32, #tpu.memory_space<hbm>>
      %dma_wait3A_66 = arith.constant 0 : i32
      %dma_wait3A_67 = tpu.memref_slice %arg9[%mul3A_56, %dma_wait3A_66] : memref<10112x128xf32, #tpu.memory_space<vmem_shared>> -> memref<632x128xf32, #tpu.memory_space<vmem_shared>>
      tpu.wait_dma2 semaphore(%run_scoped3A : memref<!tpu.dma_semaphore, #tpu.memory_space<semaphore_mem>>) src(%dma_wait3A_67 : memref<632x128xf32, #tpu.memory_space<vmem_shared>>) dst(%dma_wait3A_65 : memref<632x128xf32, #tpu.memory_space<hbm>>)
      tpu.yield
    }) : () -> ()
    return
  }
}

#map = affine_map<(d0, d1) -> (0, 0)>
#map1 = affine_map<(d0, d1) -> (0)>
module attributes {stable_mosaic.version = 14 : i64} {
  func.func @_spmm_body(%arg0: i32, %arg1: i32, %arg2: memref<10000x128xf32, #tpu.memory_space<hbm>>, %arg3: memref<327680xi32, #tpu.memory_space<hbm>>, %arg4: memref<327680xi32, #tpu.memory_space<hbm>>, %arg5: memref<20224x128xf32, #tpu.memory_space<hbm>>, %arg6: memref<128xi32, #tpu.memory_space<vmem>>, %arg7: memref<128xi32, #tpu.memory_space<vmem>>, %arg8: memref<128x128xf32, #tpu.memory_space<vmem>>, %arg9: memref<10112x128xf32, #tpu.memory_space<vmem_shared>>, %arg10: memref<32x128xf32, #tpu.memory_space<vmem>>, %arg11: memref<!tpu.dma_semaphore, #tpu.memory_space<semaphore_mem>>, %arg12: memref<!tpu.dma_semaphore, #tpu.memory_space<semaphore_mem>>) attributes {dimension_semantics = [#tpu.dimension_semantics<core_parallel>, #tpu.dimension_semantics<subcore_parallel>], iteration_bounds = array<i64: 2, 16>, scalar_prefetch = 0 : i64, scratch_operands = 7 : i64, tpu.core_type = #tpu.core_type<sc_vector_subcore>, window_params = [{transform_indices = #map}, {transform_indices = #map1}, {transform_indices = #map1}, {transform_indices = #map}]} {
    %mul3A = arith.constant 2 : i32
    %mul3A_0 = arith.muli %arg1, %mul3A : i32
    %add3A = arith.addi %mul3A_0, %arg0 : i32
    %mul3A_1 = arith.constant 80 : i32
    %mul3A_2 = arith.muli %add3A, %mul3A_1 : i32
    %mul3A_3 = arith.constant 128 : i32
    %mul3A_4 = arith.muli %mul3A_2, %mul3A_3 : i32
    %scan3A = arith.constant 0 : i32
    %scan3A_5 = arith.constant 0 : i32
    %scan3A_6 = arith.constant 32 : i32
    %scan3A_7 = arith.addi %scan3A_5, %scan3A_6 : i32
    %scan3A_8 = arith.constant 1 : i32
    %scan3A_9 = scf.for %scan3A_60 = %scan3A_5 to %scan3A_7 step %scan3A_8 iter_args(%scan3A_61 = %scan3A) -> (i32)  : i32 {
      %broadcast_in_dim3A = arith.constant 0.000000e+00 : f32
      %broadcast_in_dim3A_62 = vector.broadcast %broadcast_in_dim3A : f32 to vector<16xf32>
      %swap3A = arith.index_cast %scan3A_60 : i32 to index
      %swap3A_63 = arith.constant 0 : index
      %swap3A_64 = tpu.vector_load %arg10[%swap3A, %swap3A_63] {strides = array<i32>} : memref<32x128xf32, #tpu.memory_space<vmem>>, vector<1x16xf32>,
      %swap3A_65 = vector.shape_cast %swap3A_64 : vector<1x16xf32> to vector<16xf32>
      %swap3A_66 = vector.shape_cast %broadcast_in_dim3A_62 : vector<16xf32> to vector<1x16xf32>
      tpu.vector_store %arg10[%swap3A, %swap3A_63], %swap3A_66 {strides = array<i32>} : memref<32x128xf32, #tpu.memory_space<vmem>>, vector<1x16xf32>,
      %broadcast_in_dim3A_67 = arith.constant 0.000000e+00 : f32
      %broadcast_in_dim3A_68 = vector.broadcast %broadcast_in_dim3A_67 : f32 to vector<16xf32>
      %swap3A_69 = arith.index_cast %scan3A_60 : i32 to index
      %swap3A_70 = arith.constant 16 : index
      %swap3A_71 = tpu.vector_load %arg10[%swap3A_69, %swap3A_70] {strides = array<i32>} : memref<32x128xf32, #tpu.memory_space<vmem>>, vector<1x16xf32>,
      %swap3A_72 = vector.shape_cast %swap3A_71 : vector<1x16xf32> to vector<16xf32>
      %swap3A_73 = vector.shape_cast %broadcast_in_dim3A_68 : vector<16xf32> to vector<1x16xf32>
      tpu.vector_store %arg10[%swap3A_69, %swap3A_70], %swap3A_73 {strides = array<i32>} : memref<32x128xf32, #tpu.memory_space<vmem>>, vector<1x16xf32>,
      %broadcast_in_dim3A_74 = arith.constant 0.000000e+00 : f32
      %broadcast_in_dim3A_75 = vector.broadcast %broadcast_in_dim3A_74 : f32 to vector<16xf32>
      %swap3A_76 = arith.index_cast %scan3A_60 : i32 to index
      %swap3A_77 = arith.constant 32 : index
      %swap3A_78 = tpu.vector_load %arg10[%swap3A_76, %swap3A_77] {strides = array<i32>} : memref<32x128xf32, #tpu.memory_space<vmem>>, vector<1x16xf32>,
      %swap3A_79 = vector.shape_cast %swap3A_78 : vector<1x16xf32> to vector<16xf32>
      %swap3A_80 = vector.shape_cast %broadcast_in_dim3A_75 : vector<16xf32> to vector<1x16xf32>
      tpu.vector_store %arg10[%swap3A_76, %swap3A_77], %swap3A_80 {strides = array<i32>} : memref<32x128xf32, #tpu.memory_space<vmem>>, vector<1x16xf32>,
      %broadcast_in_dim3A_81 = arith.constant 0.000000e+00 : f32
      %broadcast_in_dim3A_82 = vector.broadcast %broadcast_in_dim3A_81 : f32 to vector<16xf32>
      %swap3A_83 = arith.index_cast %scan3A_60 : i32 to index
      %swap3A_84 = arith.constant 48 : index
      %swap3A_85 = tpu.vector_load %arg10[%swap3A_83, %swap3A_84] {strides = array<i32>} : memref<32x128xf32, #tpu.memory_space<vmem>>, vector<1x16xf32>,
      %swap3A_86 = vector.shape_cast %swap3A_85 : vector<1x16xf32> to vector<16xf32>
      %swap3A_87 = vector.shape_cast %broadcast_in_dim3A_82 : vector<16xf32> to vector<1x16xf32>
      tpu.vector_store %arg10[%swap3A_83, %swap3A_84], %swap3A_87 {strides = array<i32>} : memref<32x128xf32, #tpu.memory_space<vmem>>, vector<1x16xf32>,
      %broadcast_in_dim3A_88 = arith.constant 0.000000e+00 : f32
      %broadcast_in_dim3A_89 = vector.broadcast %broadcast_in_dim3A_88 : f32 to vector<16xf32>
      %swap3A_90 = arith.index_cast %scan3A_60 : i32 to index
      %swap3A_91 = arith.constant 64 : index
      %swap3A_92 = tpu.vector_load %arg10[%swap3A_90, %swap3A_91] {strides = array<i32>} : memref<32x128xf32, #tpu.memory_space<vmem>>, vector<1x16xf32>,
      %swap3A_93 = vector.shape_cast %swap3A_92 : vector<1x16xf32> to vector<16xf32>
      %swap3A_94 = vector.shape_cast %broadcast_in_dim3A_89 : vector<16xf32> to vector<1x16xf32>
      tpu.vector_store %arg10[%swap3A_90, %swap3A_91], %swap3A_94 {strides = array<i32>} : memref<32x128xf32, #tpu.memory_space<vmem>>, vector<1x16xf32>,
      %broadcast_in_dim3A_95 = arith.constant 0.000000e+00 : f32
      %broadcast_in_dim3A_96 = vector.broadcast %broadcast_in_dim3A_95 : f32 to vector<16xf32>
      %swap3A_97 = arith.index_cast %scan3A_60 : i32 to index
      %swap3A_98 = arith.constant 80 : index
      %swap3A_99 = tpu.vector_load %arg10[%swap3A_97, %swap3A_98] {strides = array<i32>} : memref<32x128xf32, #tpu.memory_space<vmem>>, vector<1x16xf32>,
      %swap3A_100 = vector.shape_cast %swap3A_99 : vector<1x16xf32> to vector<16xf32>
      %swap3A_101 = vector.shape_cast %broadcast_in_dim3A_96 : vector<16xf32> to vector<1x16xf32>
      tpu.vector_store %arg10[%swap3A_97, %swap3A_98], %swap3A_101 {strides = array<i32>} : memref<32x128xf32, #tpu.memory_space<vmem>>, vector<1x16xf32>,
      %broadcast_in_dim3A_102 = arith.constant 0.000000e+00 : f32
      %broadcast_in_dim3A_103 = vector.broadcast %broadcast_in_dim3A_102 : f32 to vector<16xf32>
      %swap3A_104 = arith.index_cast %scan3A_60 : i32 to index
      %swap3A_105 = arith.constant 96 : index
      %swap3A_106 = tpu.vector_load %arg10[%swap3A_104, %swap3A_105] {strides = array<i32>} : memref<32x128xf32, #tpu.memory_space<vmem>>, vector<1x16xf32>,
      %swap3A_107 = vector.shape_cast %swap3A_106 : vector<1x16xf32> to vector<16xf32>
      %swap3A_108 = vector.shape_cast %broadcast_in_dim3A_103 : vector<16xf32> to vector<1x16xf32>
      tpu.vector_store %arg10[%swap3A_104, %swap3A_105], %swap3A_108 {strides = array<i32>} : memref<32x128xf32, #tpu.memory_space<vmem>>, vector<1x16xf32>,
      %broadcast_in_dim3A_109 = arith.constant 0.000000e+00 : f32
      %broadcast_in_dim3A_110 = vector.broadcast %broadcast_in_dim3A_109 : f32 to vector<16xf32>
      %swap3A_111 = arith.index_cast %scan3A_60 : i32 to index
      %swap3A_112 = arith.constant 112 : index
      %swap3A_113 = tpu.vector_load %arg10[%swap3A_111, %swap3A_112] {strides = array<i32>} : memref<32x128xf32, #tpu.memory_space<vmem>>, vector<1x16xf32>,
      %swap3A_114 = vector.shape_cast %swap3A_113 : vector<1x16xf32> to vector<16xf32>
      %swap3A_115 = vector.shape_cast %broadcast_in_dim3A_110 : vector<16xf32> to vector<1x16xf32>
      tpu.vector_store %arg10[%swap3A_111, %swap3A_112], %swap3A_115 {strides = array<i32>} : memref<32x128xf32, #tpu.memory_space<vmem>>, vector<1x16xf32>,
      %scan3A_116 = arith.constant 0 : i32
      scf.yield %scan3A_116 : i32
    }
    %scan3A_10 = arith.constant 32 : i32
    %mul3A_11 = arith.constant 632 : i32
    %mul3A_12 = arith.muli %arg1, %mul3A_11 : i32
    %scan3A_13 = arith.constant 0 : i32
    %scan3A_14 = arith.constant 0 : i32
    %scan3A_15 = arith.constant 19 : i32
    %scan3A_16 = arith.addi %scan3A_14, %scan3A_15 : i32
    %scan3A_17 = arith.constant 1 : i32
    %scan3A_18 = scf.for %scan3A_60 = %scan3A_14 to %scan3A_16 step %scan3A_17 iter_args(%scan3A_61 = %scan3A_13) -> (i32)  : i32 {
      %mul3A_62 = arith.constant 32 : i32
      %mul3A_63 = arith.muli %scan3A_60, %mul3A_62 : i32
      %add3A_64 = arith.addi %mul3A_12, %mul3A_63 : i32
      %dma_start3A_65 = arith.constant 0 : i32
      %dma_start3A_66 = tpu.memref_slice %arg9[%add3A_64, %dma_start3A_65] : memref<10112x128xf32, #tpu.memory_space<vmem_shared>> -> memref<32x128xf32, #tpu.memory_space<vmem_shared>>
      %dma_start3A_67 = arith.constant 0 : i32
      %dma_start3A_68 = tpu.memref_slice %arg9[%add3A_64, %dma_start3A_67] : memref<10112x128xf32, #tpu.memory_space<vmem_shared>> -> memref<32x128xf32, #tpu.memory_space<vmem_shared>>
      tpu.enqueue_dma source(%arg10 : memref<32x128xf32, #tpu.memory_space<vmem>>) target(%dma_start3A_68 : memref<32x128xf32, #tpu.memory_space<vmem_shared>>) target_semaphore(%arg12 : memref<!tpu.dma_semaphore, #tpu.memory_space<semaphore_mem>>)
      %scan3A_69 = arith.constant 0 : i32
      scf.yield %scan3A_69 : i32
    }
    %scan3A_19 = arith.constant 19 : i32
    %add3A_20 = arith.constant 608 : i32
    %add3A_21 = arith.addi %mul3A_12, %add3A_20 : i32
    %dma_start3A = arith.constant 0 : i32
    %dma_start3A_22 = arith.constant 0 : i32
    %dma_start3A_23 = tpu.memref_slice %arg10[%dma_start3A, %dma_start3A_22] : memref<32x128xf32, #tpu.memory_space<vmem>> -> memref<24x128xf32, #tpu.memory_space<vmem>>
    %dma_start3A_24 = arith.constant 0 : i32
    %dma_start3A_25 = tpu.memref_slice %arg9[%add3A_21, %dma_start3A_24] : memref<10112x128xf32, #tpu.memory_space<vmem_shared>> -> memref<24x128xf32, #tpu.memory_space<vmem_shared>>
    %dma_start3A_26 = arith.constant 0 : i32
    %dma_start3A_27 = tpu.memref_slice %arg9[%add3A_21, %dma_start3A_26] : memref<10112x128xf32, #tpu.memory_space<vmem_shared>> -> memref<24x128xf32, #tpu.memory_space<vmem_shared>>
    %dma_start3A_28 = arith.constant 0 : i32
    %dma_start3A_29 = arith.constant 0 : i32
    %dma_start3A_30 = tpu.memref_slice %arg10[%dma_start3A_28, %dma_start3A_29] : memref<32x128xf32, #tpu.memory_space<vmem>> -> memref<24x128xf32, #tpu.memory_space<vmem>>
    tpu.enqueue_dma source(%dma_start3A_30 : memref<24x128xf32, #tpu.memory_space<vmem>>) target(%dma_start3A_27 : memref<24x128xf32, #tpu.memory_space<vmem_shared>>) target_semaphore(%arg12 : memref<!tpu.dma_semaphore, #tpu.memory_space<semaphore_mem>>)
    %scan3A_31 = arith.constant 0 : i32
    %scan3A_32 = arith.constant 0 : i32
    %scan3A_33 = arith.constant 19 : i32
    %scan3A_34 = arith.addi %scan3A_32, %scan3A_33 : i32
    %scan3A_35 = arith.constant 1 : i32
    %scan3A_36 = scf.for %scan3A_60 = %scan3A_32 to %scan3A_34 step %scan3A_35 iter_args(%scan3A_61 = %scan3A_31) -> (i32)  : i32 {
      %dma_wait3A_62 = arith.constant 0 : i32
      %dma_wait3A_63 = tpu.memref_slice %arg9[%mul3A_12, %dma_wait3A_62] : memref<10112x128xf32, #tpu.memory_space<vmem_shared>> -> memref<32x128xf32, #tpu.memory_space<vmem_shared>>
      %dma_wait3A_64 = arith.constant 0 : i32
      %dma_wait3A_65 = tpu.memref_slice %arg9[%mul3A_12, %dma_wait3A_64] : memref<10112x128xf32, #tpu.memory_space<vmem_shared>> -> memref<32x128xf32, #tpu.memory_space<vmem_shared>>
      tpu.wait_dma2 semaphore(%arg12 : memref<!tpu.dma_semaphore, #tpu.memory_space<semaphore_mem>>) src(%arg10 : memref<32x128xf32, #tpu.memory_space<vmem>>) dst(%dma_wait3A_65 : memref<32x128xf32, #tpu.memory_space<vmem_shared>>)
      %scan3A_66 = arith.constant 0 : i32
      scf.yield %scan3A_66 : i32
    }
    %scan3A_37 = arith.constant 19 : i32
    %dma_wait3A = arith.constant 0 : i32
    %dma_wait3A_38 = arith.constant 0 : i32
    %dma_wait3A_39 = tpu.memref_slice %arg10[%dma_wait3A, %dma_wait3A_38] : memref<32x128xf32, #tpu.memory_space<vmem>> -> memref<24x128xf32, #tpu.memory_space<vmem>>
    %dma_wait3A_40 = arith.constant 0 : i32
    %dma_wait3A_41 = tpu.memref_slice %arg9[%mul3A_12, %dma_wait3A_40] : memref<10112x128xf32, #tpu.memory_space<vmem_shared>> -> memref<24x128xf32, #tpu.memory_space<vmem_shared>>
    %dma_wait3A_42 = arith.constant 0 : i32
    %dma_wait3A_43 = tpu.memref_slice %arg9[%mul3A_12, %dma_wait3A_42] : memref<10112x128xf32, #tpu.memory_space<vmem_shared>> -> memref<24x128xf32, #tpu.memory_space<vmem_shared>>
    %dma_wait3A_44 = arith.constant 0 : i32
    %dma_wait3A_45 = arith.constant 0 : i32
    %dma_wait3A_46 = tpu.memref_slice %arg10[%dma_wait3A_44, %dma_wait3A_45] : memref<32x128xf32, #tpu.memory_space<vmem>> -> memref<24x128xf32, #tpu.memory_space<vmem>>
    tpu.wait_dma2 semaphore(%arg12 : memref<!tpu.dma_semaphore, #tpu.memory_space<semaphore_mem>>) src(%dma_wait3A_46 : memref<24x128xf32, #tpu.memory_space<vmem>>) dst(%dma_wait3A_43 : memref<24x128xf32, #tpu.memory_space<vmem_shared>>)
    %barrier3A = arith.constant 0 : index
    tpu.barrier barrier_id(%barrier3A)
    %scan3A_47 = arith.constant 0 : i32
    %scan3A_48 = arith.constant 0 : i32
    %scan3A_49 = arith.constant 80 : i32
    %scan3A_50 = arith.addi %scan3A_48, %scan3A_49 : i32
    %scan3A_51 = arith.constant 1 : i32
    %scan3A_52 = scf.for %scan3A_60 = %scan3A_48 to %scan3A_50 step %scan3A_51 iter_args(%scan3A_61 = %scan3A_47) -> (i32)  : i32 {
      %mul3A_62 = arith.constant 128 : i32
      %mul3A_63 = arith.muli %scan3A_60, %mul3A_62 : i32
      %add3A_64 = arith.addi %mul3A_4, %mul3A_63 : i32
      "tpu.region"() ({
        %run_scoped3A = tpu.sem_alloc : memref<!tpu.dma_semaphore, #tpu.memory_space<semaphore_mem>>
        %dma_start3A_72 = tpu.memref_slice %arg3[%add3A_64] : memref<327680xi32, #tpu.memory_space<hbm>> -> memref<128xi32, #tpu.memory_space<hbm>>
        %dma_start3A_73 = tpu.memref_slice %arg3[%add3A_64] : memref<327680xi32, #tpu.memory_space<hbm>> -> memref<128xi32, #tpu.memory_space<hbm>>
        tpu.enqueue_dma source(%dma_start3A_73 : memref<128xi32, #tpu.memory_space<hbm>>) target(%arg6 : memref<128xi32, #tpu.memory_space<vmem>>) target_semaphore(%run_scoped3A : memref<!tpu.dma_semaphore, #tpu.memory_space<semaphore_mem>>)
        %dma_wait3A_74 = tpu.memref_slice %arg3[%add3A_64] : memref<327680xi32, #tpu.memory_space<hbm>> -> memref<128xi32, #tpu.memory_space<hbm>>
        %dma_wait3A_75 = tpu.memref_slice %arg3[%add3A_64] : memref<327680xi32, #tpu.memory_space<hbm>> -> memref<128xi32, #tpu.memory_space<hbm>>
        tpu.wait_dma2 semaphore(%run_scoped3A : memref<!tpu.dma_semaphore, #tpu.memory_space<semaphore_mem>>) src(%dma_wait3A_75 : memref<128xi32, #tpu.memory_space<hbm>>) dst(%arg6 : memref<128xi32, #tpu.memory_space<vmem>>)
        tpu.yield
      }) : () -> ()
      "tpu.region"() ({
        %run_scoped3A = tpu.sem_alloc : memref<!tpu.dma_semaphore, #tpu.memory_space<semaphore_mem>>
        %dma_start3A_72 = tpu.memref_slice %arg4[%add3A_64] : memref<327680xi32, #tpu.memory_space<hbm>> -> memref<128xi32, #tpu.memory_space<hbm>>
        %dma_start3A_73 = tpu.memref_slice %arg4[%add3A_64] : memref<327680xi32, #tpu.memory_space<hbm>> -> memref<128xi32, #tpu.memory_space<hbm>>
        tpu.enqueue_dma source(%dma_start3A_73 : memref<128xi32, #tpu.memory_space<hbm>>) target(%arg7 : memref<128xi32, #tpu.memory_space<vmem>>) target_semaphore(%run_scoped3A : memref<!tpu.dma_semaphore, #tpu.memory_space<semaphore_mem>>)
        %dma_wait3A_74 = tpu.memref_slice %arg4[%add3A_64] : memref<327680xi32, #tpu.memory_space<hbm>> -> memref<128xi32, #tpu.memory_space<hbm>>
        %dma_wait3A_75 = tpu.memref_slice %arg4[%add3A_64] : memref<327680xi32, #tpu.memory_space<hbm>> -> memref<128xi32, #tpu.memory_space<hbm>>
        tpu.wait_dma2 semaphore(%run_scoped3A : memref<!tpu.dma_semaphore, #tpu.memory_space<semaphore_mem>>) src(%dma_wait3A_75 : memref<128xi32, #tpu.memory_space<hbm>>) dst(%arg7 : memref<128xi32, #tpu.memory_space<vmem>>)
        tpu.yield
      }) : () -> ()
      %dma_start3A_65 = arith.constant 0 : i32
      %dma_start3A_66 = arith.constant 0 : i32
      %dma_start3A_67 = tpu.memref_slice %arg2[%dma_start3A_65, %dma_start3A_66] : memref<10000x128xf32, #tpu.memory_space<hbm>> -> memref<10000x128xf32, #tpu.memory_space<hbm>>
      tpu.enqueue_indirect_dma source(%dma_start3A_67 : memref<10000x128xf32, #tpu.memory_space<hbm>>) target(%arg8 : memref<128x128xf32, #tpu.memory_space<vmem>>) offsets(%arg6 : memref<128xi32, #tpu.memory_space<vmem>>) semaphore(%arg11 : memref<!tpu.dma_semaphore, #tpu.memory_space<semaphore_mem>>)
      %dma_wait3A_68 = arith.constant 0 : i32
      %dma_wait3A_69 = arith.constant 0 : i32
      %dma_wait3A_70 = tpu.memref_slice %arg2[%dma_wait3A_68, %dma_wait3A_69] : memref<10000x128xf32, #tpu.memory_space<hbm>> -> memref<10000x128xf32, #tpu.memory_space<hbm>>
      tpu.wait_indirect_dma semaphore(%arg11 : memref<!tpu.dma_semaphore, #tpu.memory_space<semaphore_mem>>) src(%dma_wait3A_70 : memref<10000x128xf32, #tpu.memory_space<hbm>>) dst(%arg8 : memref<128x128xf32, #tpu.memory_space<vmem>>)
      "tpu.region"() ({
        %run_scoped3A = tpu.sem_alloc : memref<!tpu.dma_semaphore, #tpu.memory_space<semaphore_mem>>
        %dma_start3A_72 = arith.constant 0 : i32
        %dma_start3A_73 = arith.constant 0 : i32
        %dma_start3A_74 = tpu.memref_slice %arg9[%dma_start3A_72, %dma_start3A_73] : memref<10112x128xf32, #tpu.memory_space<vmem_shared>> -> memref<10112x128xf32, #tpu.memory_space<vmem_shared>>
        tpu.enqueue_indirect_dma source(%arg8 : memref<128x128xf32, #tpu.memory_space<vmem>>) target(%dma_start3A_74 : memref<10112x128xf32, #tpu.memory_space<vmem_shared>>) offsets(%arg7 : memref<128xi32, #tpu.memory_space<vmem>>) semaphore(%run_scoped3A : memref<!tpu.dma_semaphore, #tpu.memory_space<semaphore_mem>>) {add = true}
        %dma_wait3A_75 = arith.constant 0 : i32
        %dma_wait3A_76 = arith.constant 0 : i32
        %dma_wait3A_77 = tpu.memref_slice %arg9[%dma_wait3A_75, %dma_wait3A_76] : memref<10112x128xf32, #tpu.memory_space<vmem_shared>> -> memref<10112x128xf32, #tpu.memory_space<vmem_shared>>
        tpu.wait_indirect_dma semaphore(%run_scoped3A : memref<!tpu.dma_semaphore, #tpu.memory_space<semaphore_mem>>) src(%arg8 : memref<128x128xf32, #tpu.memory_space<vmem>>) dst(%dma_wait3A_77 : memref<10112x128xf32, #tpu.memory_space<vmem_shared>>)
        tpu.yield
      }) : () -> ()
      %scan3A_71 = arith.constant 0 : i32
      scf.yield %scan3A_71 : i32
    }
    %scan3A_53 = arith.constant 80 : i32
    %barrier3A_54 = arith.constant 0 : index
    tpu.barrier barrier_id(%barrier3A_54)
    %mul3A_55 = arith.constant 632 : i32
    %mul3A_56 = arith.muli %arg1, %mul3A_55 : i32
    %mul3A_57 = arith.constant 10112 : i32
    %mul3A_58 = arith.muli %arg0, %mul3A_57 : i32
    %add3A_59 = arith.addi %mul3A_58, %mul3A_56 : i32
    "tpu.region"() ({
      %run_scoped3A = tpu.sem_alloc : memref<!tpu.dma_semaphore, #tpu.memory_space<semaphore_mem>>
      %dma_start3A_60 = arith.constant 0 : i32
      %dma_start3A_61 = tpu.memref_slice %arg5[%add3A_59, %dma_start3A_60] : memref<20224x128xf32, #tpu.memory_space<hbm>> -> memref<632x128xf32, #tpu.memory_space<hbm>>
      %dma_start3A_62 = arith.constant 0 : i32
      %dma_start3A_63 = tpu.memref_slice %arg9[%mul3A_56, %dma_start3A_62] : memref<10112x128xf32, #tpu.memory_space<vmem_shared>> -> memref<632x128xf32, #tpu.memory_space<vmem_shared>>
      tpu.enqueue_dma source(%dma_start3A_63 : memref<632x128xf32, #tpu.memory_space<vmem_shared>>) target(%dma_start3A_61 : memref<632x128xf32, #tpu.memory_space<hbm>>) target_semaphore(%run_scoped3A : memref<!tpu.dma_semaphore, #tpu.memory_space<semaphore_mem>>)
      %dma_wait3A_64 = arith.constant 0 : i32
      %dma_wait3A_65 = tpu.memref_slice %arg5[%add3A_59, %dma_wait3A_64] : memref<20224x128xf32, #tpu.memory_space<hbm>> -> memref<632x128xf32, #tpu.memory_space<hbm>>
      %dma_wait3A_66 = arith.constant 0 : i32
      %dma_wait3A_67 = tpu.memref_slice %arg9[%mul3A_56, %dma_wait3A_66] : memref<10112x128xf32, #tpu.memory_space<vmem_shared>> -> memref<632x128xf32, #tpu.memory_space<vmem_shared>>
      tpu.wait_dma2 semaphore(%run_scoped3A : memref<!tpu.dma_semaphore, #tpu.memory_space<semaphore_mem>>) src(%dma_wait3A_67 : memref<632x128xf32, #tpu.memory_space<vmem_shared>>) dst(%dma_wait3A_65 : memref<632x128xf32, #tpu.memory_space<hbm>>)
      tpu.yield
    }) : () -> ()
    return
  }
}

module attributes {stable_mosaic.version = 14 : i64} {
  func.func @_pre_body(%arg0: i32, %arg1: memref<1000x128xf32, #tpu.memory_space<vmem>>, %arg2: memref<1000x128xf32, #tpu.memory_space<vmem>>, %arg3: memref<1000x128xf32, #tpu.memory_space<vmem>>, %arg4: memref<1000x1xf32, #tpu.memory_space<vmem>>, %arg5: memref<1000x1xf32, #tpu.memory_space<vmem>>, %arg6: memref<1000x128xf32, #tpu.memory_space<vmem>>) attributes {dimension_semantics = [#tpu.dimension_semantics<arbitrary>], iteration_bounds = array<i64: 10>, scalar_prefetch = 0 : i64, scratch_operands = 0 : i64, tpu.core_type = #tpu.core_type<tc>, window_params = [{transform_indices = @transform_0, window_bounds = array<i64: 1000, 128>}, {transform_indices = @transform_1, window_bounds = array<i64: 1000, 128>}, {transform_indices = @transform_2, window_bounds = array<i64: 1000, 128>}, {transform_indices = @transform_3, window_bounds = array<i64: 1000, 1>}, {transform_indices = @transform_4, window_bounds = array<i64: 1000, 1>}, {transform_indices = @transform_5, window_bounds = array<i64: 1000, 128>}]} {
    %get3A = arith.constant 0 : index
    %get3A_0 = arith.constant 0 : index
    %get3A_1 = vector.load %arg1[%get3A, %get3A_0] : memref<1000x128xf32, #tpu.memory_space<vmem>>, vector<1000x1xf32>
    %get3A_2 = arith.constant 0 : index
    %get3A_3 = arith.constant 0 : index
    %get3A_4 = vector.load %arg2[%get3A_2, %get3A_3] : memref<1000x128xf32, #tpu.memory_space<vmem>>, vector<1000x1xf32>
    %add3A = arith.addf %get3A_1, %get3A_4 : vector<1000x1xf32>
    %gt3A = arith.constant 5.000000e-01 : f32
    %gt3A_5 = vector.broadcast %gt3A : f32 to vector<1000x1xf32>
    %gt3A_6 = arith.cmpf ogt, %add3A, %gt3A_5 : vector<1000x1xf32>
    %max3A = arith.constant 1.000000e+00 : f32
    %max3A_7 = vector.broadcast %max3A : f32 to vector<1000x1xf32>
    %max3A_8 = arith.maximumf %add3A, %max3A_7 : vector<1000x1xf32>
    %rsqrt3A = math.rsqrt %max3A_8 : vector<1000x1xf32>
    %jit3A = arith.constant 0.000000e+00 : f32
    %broadcast_in_dim3A = vector.broadcast %jit3A : f32 to vector<1000x1xf32>
    %select_n3A = arith.select %gt3A_6, %rsqrt3A, %broadcast_in_dim3A : vector<1000x1xi1>, vector<1000x1xf32>
    %swap3A = arith.constant 0 : index
    %swap3A_9 = arith.constant 0 : index
    %swap3A_10 = vector.load %arg4[%swap3A, %swap3A_9] : memref<1000x1xf32, #tpu.memory_space<vmem>>, vector<1000x1xf32>
    tpu.vector_store %arg4[%swap3A, %swap3A_9], %select_n3A {strides = array<i32>} : memref<1000x1xf32, #tpu.memory_space<vmem>>, vector<1000x1xf32>,
    %div3A = arith.divf %select_n3A, %max3A_8 : vector<1000x1xf32>
    %swap3A_11 = arith.constant 0 : index
    %swap3A_12 = arith.constant 0 : index
    %swap3A_13 = vector.load %arg5[%swap3A_11, %swap3A_12] : memref<1000x1xf32, #tpu.memory_space<vmem>>, vector<1000x1xf32>
    tpu.vector_store %arg5[%swap3A_11, %swap3A_12], %div3A {strides = array<i32>} : memref<1000x1xf32, #tpu.memory_space<vmem>>, vector<1000x1xf32>,
    %get3A_14 = arith.constant 0 : index
    %get3A_15 = arith.constant 0 : index
    %get3A_16 = vector.load %arg3[%get3A_14, %get3A_15] : memref<1000x128xf32, #tpu.memory_space<vmem>>, vector<1000x128xf32>
    %mul3A = vector.broadcast %select_n3A : vector<1000x1xf32> to vector<1000x128xf32>
    %mul3A_17 = arith.mulf %get3A_16, %mul3A : vector<1000x128xf32>
    %swap3A_18 = arith.constant 0 : index
    %swap3A_19 = arith.constant 0 : index
    %swap3A_20 = vector.load %arg6[%swap3A_18, %swap3A_19] : memref<1000x128xf32, #tpu.memory_space<vmem>>, vector<1000x128xf32>
    tpu.vector_store %arg6[%swap3A_18, %swap3A_19], %mul3A_17 {strides = array<i32>} : memref<1000x128xf32, #tpu.memory_space<vmem>>, vector<1000x128xf32>,
    return
  }
  func.func @transform_0(%arg0: i32) -> (i32, i32) {
    %c0_i32 = arith.constant 0 : i32
    %c0_i32_0 = arith.constant 0 : i32
    return %arg0, %c0_i32 : i32, i32
  }
  func.func @transform_1(%arg0: i32) -> (i32, i32) {
    %c0_i32 = arith.constant 0 : i32
    %c0_i32_0 = arith.constant 0 : i32
    return %arg0, %c0_i32 : i32, i32
  }
  func.func @transform_2(%arg0: i32) -> (i32, i32) {
    %c0_i32 = arith.constant 0 : i32
    %c0_i32_0 = arith.constant 0 : i32
    return %arg0, %c0_i32 : i32, i32
  }
  func.func @transform_3(%arg0: i32) -> (i32, i32) {
    %c0_i32 = arith.constant 0 : i32
    %c0_i32_0 = arith.constant 0 : i32
    return %arg0, %c0_i32 : i32, i32
  }
  func.func @transform_4(%arg0: i32) -> (i32, i32) {
    %c0_i32 = arith.constant 0 : i32
    %c0_i32_0 = arith.constant 0 : i32
    return %arg0, %c0_i32 : i32, i32
  }
  func.func @transform_5(%arg0: i32) -> (i32, i32) {
    %c0_i32 = arith.constant 0 : i32
    %c0_i32_0 = arith.constant 0 : i32
    return %arg0, %c0_i32 : i32, i32
  }
}

module attributes {stable_mosaic.version = 14 : i64} {
  func.func @_gcn_body(%arg0: i32, %arg1: memref<1000x128xf32, #tpu.memory_space<vmem>>, %arg2: memref<1000x128xf32, #tpu.memory_space<vmem>>, %arg3: memref<1000x128xf32, #tpu.memory_space<vmem>>, %arg4: memref<1000x1xf32, #tpu.memory_space<vmem>>, %arg5: memref<128x128xf32, #tpu.memory_space<vmem>>, %arg6: memref<1x1xf32, #tpu.memory_space<vmem>>, %arg7: memref<1000x128xf32, #tpu.memory_space<vmem>>, %arg8: memref<1000x128xf32, #tpu.memory_space<vmem>>) attributes {dimension_semantics = [#tpu.dimension_semantics<arbitrary>], iteration_bounds = array<i64: 10>, scalar_prefetch = 0 : i64, scratch_operands = 0 : i64, tpu.core_type = #tpu.core_type<tc>, window_params = [{transform_indices = @transform_0, window_bounds = array<i64: 1000, 128>}, {transform_indices = @transform_1, window_bounds = array<i64: 1000, 128>}, {transform_indices = @transform_2, window_bounds = array<i64: 1000, 128>}, {transform_indices = @transform_3, window_bounds = array<i64: 1000, 1>}, {pipeline_mode = #tpu.pipeline_mode<synchronous>, transform_indices = @transform_4, window_bounds = array<i64: 128, 128>}, {pipeline_mode = #tpu.pipeline_mode<synchronous>, transform_indices = @transform_5, window_bounds = array<i64: 1, 1>}, {transform_indices = @transform_6, window_bounds = array<i64: 1000, 128>}, {transform_indices = @transform_7, window_bounds = array<i64: 1000, 128>}]} {
    %get3A = arith.constant 0 : index
    %get3A_0 = arith.constant 0 : index
    %get3A_1 = vector.load %arg1[%get3A, %get3A_0] : memref<1000x128xf32, #tpu.memory_space<vmem>>, vector<1000x128xf32>
    %get3A_2 = arith.constant 0 : index
    %get3A_3 = arith.constant 0 : index
    %get3A_4 = vector.load %arg2[%get3A_2, %get3A_3] : memref<1000x128xf32, #tpu.memory_space<vmem>>, vector<1000x128xf32>
    %add3A = arith.addf %get3A_1, %get3A_4 : vector<1000x128xf32>
    %get3A_5 = arith.constant 0 : index
    %get3A_6 = arith.constant 0 : index
    %get3A_7 = vector.load %arg4[%get3A_5, %get3A_6] : memref<1000x1xf32, #tpu.memory_space<vmem>>, vector<1000x1xf32>
    %mul3A = vector.broadcast %get3A_7 : vector<1000x1xf32> to vector<1000x128xf32>
    %mul3A_8 = arith.mulf %add3A, %mul3A : vector<1000x128xf32>
    %get3A_9 = arith.constant 0 : index
    %get3A_10 = arith.constant 0 : index
    %get3A_11 = vector.load %arg3[%get3A_9, %get3A_10] : memref<1000x128xf32, #tpu.memory_space<vmem>>, vector<1000x128xf32>
    %get3A_12 = arith.constant 0 : index
    %get3A_13 = arith.constant 0 : index
    %get3A_14 = vector.load %arg6[%get3A_12, %get3A_13] : memref<1x1xf32, #tpu.memory_space<vmem>>, vector<1x1xf32>
    %get3A_15 = vector.extract %get3A_14[0, 0] : f32 from vector<1x1xf32>
    %get3A_16 = arith.constant 0 : index
    %get3A_17 = arith.constant 0 : index
    %get3A_18 = vector.load %arg5[%get3A_16, %get3A_17] : memref<128x128xf32, #tpu.memory_space<vmem>>, vector<128x128xf32>
    %dot_general3A = arith.constant dense<0.000000e+00> : vector<1000x128xf32>
    %dot_general3A_19 = tpu.matmul %mul3A_8, %get3A_18, %dot_general3A {dimension_numbers = #tpu.dot_dimension_numbers<[1], [0], [0], [1], [0, 0, 1, 1], [], []>, transpose_lhs_hint = false} : vector<1000x128xf32>, vector<128x128xf32>, vector<1000x128xf32> -> vector<1000x128xf32>
    %mul3A_20 = vector.broadcast %get3A_15 : f32 to vector<1000x128xf32>
    %mul3A_21 = arith.mulf %mul3A_20, %dot_general3A_19 : vector<1000x128xf32>
    %add3A_22 = arith.addf %get3A_11, %mul3A_21 : vector<1000x128xf32>
    %swap3A = arith.constant 0 : index
    %swap3A_23 = arith.constant 0 : index
    %swap3A_24 = vector.load %arg7[%swap3A, %swap3A_23] : memref<1000x128xf32, #tpu.memory_space<vmem>>, vector<1000x128xf32>
    tpu.vector_store %arg7[%swap3A, %swap3A_23], %add3A_22 {strides = array<i32>} : memref<1000x128xf32, #tpu.memory_space<vmem>>, vector<1000x128xf32>,
    %get3A_25 = arith.constant 0 : index
    %get3A_26 = arith.constant 0 : index
    %get3A_27 = vector.load %arg4[%get3A_25, %get3A_26] : memref<1000x1xf32, #tpu.memory_space<vmem>>, vector<1000x1xf32>
    %mul3A_28 = vector.broadcast %get3A_27 : vector<1000x1xf32> to vector<1000x128xf32>
    %mul3A_29 = arith.mulf %add3A_22, %mul3A_28 : vector<1000x128xf32>
    %swap3A_30 = arith.constant 0 : index
    %swap3A_31 = arith.constant 0 : index
    %swap3A_32 = vector.load %arg8[%swap3A_30, %swap3A_31] : memref<1000x128xf32, #tpu.memory_space<vmem>>, vector<1000x128xf32>
    tpu.vector_store %arg8[%swap3A_30, %swap3A_31], %mul3A_29 {strides = array<i32>} : memref<1000x128xf32, #tpu.memory_space<vmem>>, vector<1000x128xf32>,
    return
  }
  func.func @transform_0(%arg0: i32) -> (i32, i32) {
    %c0_i32 = arith.constant 0 : i32
    %c0_i32_0 = arith.constant 0 : i32
    return %arg0, %c0_i32 : i32, i32
  }
  func.func @transform_1(%arg0: i32) -> (i32, i32) {
    %c0_i32 = arith.constant 0 : i32
    %c0_i32_0 = arith.constant 0 : i32
    return %arg0, %c0_i32 : i32, i32
  }
  func.func @transform_2(%arg0: i32) -> (i32, i32) {
    %c0_i32 = arith.constant 0 : i32
    %c0_i32_0 = arith.constant 0 : i32
    return %arg0, %c0_i32 : i32, i32
  }
  func.func @transform_3(%arg0: i32) -> (i32, i32) {
    %c0_i32 = arith.constant 0 : i32
    %c0_i32_0 = arith.constant 0 : i32
    return %arg0, %c0_i32 : i32, i32
  }
  func.func @transform_4(%arg0: i32) -> (i32, i32) {
    %c0_i32 = arith.constant 0 : i32
    %c0_i32_0 = arith.constant 0 : i32
    %c0_i32_1 = arith.constant 0 : i32
    return %c0_i32, %c0_i32_0 : i32, i32
  }
  func.func @transform_5(%arg0: i32) -> (i32, i32) {
    %c0_i32 = arith.constant 0 : i32
    %c0_i32_0 = arith.constant 0 : i32
    %c0_i32_1 = arith.constant 0 : i32
    return %c0_i32, %c0_i32_0 : i32, i32
  }
  func.func @transform_6(%arg0: i32) -> (i32, i32) {
    %c0_i32 = arith.constant 0 : i32
    %c0_i32_0 = arith.constant 0 : i32
    return %arg0, %c0_i32 : i32, i32
  }
  func.func @transform_7(%arg0: i32) -> (i32, i32) {
    %c0_i32 = arith.constant 0 : i32
    %c0_i32_0 = arith.constant 0 : i32
    return %arg0, %c0_i32 : i32, i32
  }
}

module attributes {stable_mosaic.version = 14 : i64} {
  func.func @_sage_body(%arg0: i32, %arg1: memref<1000x128xf32, #tpu.memory_space<vmem>>, %arg2: memref<1000x128xf32, #tpu.memory_space<vmem>>, %arg3: memref<1000x128xf32, #tpu.memory_space<vmem>>, %arg4: memref<1000x1xf32, #tpu.memory_space<vmem>>, %arg5: memref<1000x1xf32, #tpu.memory_space<vmem>>, %arg6: memref<128x128xf32, #tpu.memory_space<vmem>>, %arg7: memref<128x128xf32, #tpu.memory_space<vmem>>, %arg8: memref<1x128xf32, #tpu.memory_space<vmem>>, %arg9: memref<1000x128xf32, #tpu.memory_space<vmem>>, %arg10: memref<1000x128xf32, #tpu.memory_space<vmem>>) attributes {dimension_semantics = [#tpu.dimension_semantics<arbitrary>], iteration_bounds = array<i64: 10>, scalar_prefetch = 0 : i64, scratch_operands = 0 : i64, tpu.core_type = #tpu.core_type<tc>, window_params = [{transform_indices = @transform_0, window_bounds = array<i64: 1000, 128>}, {transform_indices = @transform_1, window_bounds = array<i64: 1000, 128>}, {transform_indices = @transform_2, window_bounds = array<i64: 1000, 128>}, {transform_indices = @transform_3, window_bounds = array<i64: 1000, 1>}, {transform_indices = @transform_4, window_bounds = array<i64: 1000, 1>}, {pipeline_mode = #tpu.pipeline_mode<synchronous>, transform_indices = @transform_5, window_bounds = array<i64: 128, 128>}, {pipeline_mode = #tpu.pipeline_mode<synchronous>, transform_indices = @transform_6, window_bounds = array<i64: 128, 128>}, {pipeline_mode = #tpu.pipeline_mode<synchronous>, transform_indices = @transform_7, window_bounds = array<i64: 1, 128>}, {transform_indices = @transform_8, window_bounds = array<i64: 1000, 128>}, {transform_indices = @transform_9, window_bounds = array<i64: 1000, 128>}]} {
    %get3A = arith.constant 0 : index
    %get3A_0 = arith.constant 0 : index
    %get3A_1 = vector.load %arg1[%get3A, %get3A_0] : memref<1000x128xf32, #tpu.memory_space<vmem>>, vector<1000x128xf32>
    %get3A_2 = arith.constant 0 : index
    %get3A_3 = arith.constant 0 : index
    %get3A_4 = vector.load %arg2[%get3A_2, %get3A_3] : memref<1000x128xf32, #tpu.memory_space<vmem>>, vector<1000x128xf32>
    %add3A = arith.addf %get3A_1, %get3A_4 : vector<1000x128xf32>
    %get3A_5 = arith.constant 0 : index
    %get3A_6 = arith.constant 0 : index
    %get3A_7 = vector.load %arg5[%get3A_5, %get3A_6] : memref<1000x1xf32, #tpu.memory_space<vmem>>, vector<1000x1xf32>
    %mul3A = vector.broadcast %get3A_7 : vector<1000x1xf32> to vector<1000x128xf32>
    %mul3A_8 = arith.mulf %add3A, %mul3A : vector<1000x128xf32>
    %get3A_9 = arith.constant 0 : index
    %get3A_10 = arith.constant 0 : index
    %get3A_11 = vector.load %arg6[%get3A_9, %get3A_10] : memref<128x128xf32, #tpu.memory_space<vmem>>, vector<128x128xf32>
    %dot_general3A = arith.constant dense<0.000000e+00> : vector<1000x128xf32>
    %dot_general3A_12 = tpu.matmul %mul3A_8, %get3A_11, %dot_general3A {dimension_numbers = #tpu.dot_dimension_numbers<[1], [0], [0], [1], [0, 0, 1, 1], [], []>, transpose_lhs_hint = false} : vector<1000x128xf32>, vector<128x128xf32>, vector<1000x128xf32> -> vector<1000x128xf32>
    %get3A_13 = arith.constant 0 : index
    %get3A_14 = arith.constant 0 : index
    %get3A_15 = vector.load %arg3[%get3A_13, %get3A_14] : memref<1000x128xf32, #tpu.memory_space<vmem>>, vector<1000x128xf32>
    %get3A_16 = arith.constant 0 : index
    %get3A_17 = arith.constant 0 : index
    %get3A_18 = vector.load %arg7[%get3A_16, %get3A_17] : memref<128x128xf32, #tpu.memory_space<vmem>>, vector<128x128xf32>
    %dot_general3A_19 = arith.constant dense<0.000000e+00> : vector<1000x128xf32>
    %dot_general3A_20 = tpu.matmul %get3A_15, %get3A_18, %dot_general3A_19 {dimension_numbers = #tpu.dot_dimension_numbers<[1], [0], [0], [1], [0, 0, 1, 1], [], []>, transpose_lhs_hint = false} : vector<1000x128xf32>, vector<128x128xf32>, vector<1000x128xf32> -> vector<1000x128xf32>
    %add3A_21 = arith.addf %dot_general3A_12, %dot_general3A_20 : vector<1000x128xf32>
    %get3A_22 = arith.constant 0 : index
    %get3A_23 = arith.constant 0 : index
    %get3A_24 = vector.load %arg8[%get3A_22, %get3A_23] : memref<1x128xf32, #tpu.memory_space<vmem>>, vector<1x128xf32>
    %add3A_25 = vector.broadcast %get3A_24 : vector<1x128xf32> to vector<1000x128xf32>
    %add3A_26 = arith.addf %add3A_21, %add3A_25 : vector<1000x128xf32>
    %max3A = arith.constant 0.000000e+00 : f32
    %max3A_27 = vector.broadcast %max3A : f32 to vector<1000x128xf32>
    %max3A_28 = arith.maximumf %add3A_26, %max3A_27 : vector<1000x128xf32>
    %get3A_29 = arith.constant 0 : index
    %get3A_30 = arith.constant 0 : index
    %get3A_31 = vector.load %arg4[%get3A_29, %get3A_30] : memref<1000x1xf32, #tpu.memory_space<vmem>>, vector<1000x1xf32>
    %mul3A_32 = vector.broadcast %get3A_31 : vector<1000x1xf32> to vector<1000x128xf32>
    %mul3A_33 = arith.mulf %max3A_28, %mul3A_32 : vector<1000x128xf32>
    %swap3A = arith.constant 0 : index
    %swap3A_34 = arith.constant 0 : index
    %swap3A_35 = vector.load %arg10[%swap3A, %swap3A_34] : memref<1000x128xf32, #tpu.memory_space<vmem>>, vector<1000x128xf32>
    tpu.vector_store %arg10[%swap3A, %swap3A_34], %mul3A_33 {strides = array<i32>} : memref<1000x128xf32, #tpu.memory_space<vmem>>, vector<1000x128xf32>,
    %swap3A_36 = arith.constant 0 : index
    %swap3A_37 = arith.constant 0 : index
    %swap3A_38 = vector.load %arg9[%swap3A_36, %swap3A_37] : memref<1000x128xf32, #tpu.memory_space<vmem>>, vector<1000x128xf32>
    tpu.vector_store %arg9[%swap3A_36, %swap3A_37], %max3A_28 {strides = array<i32>} : memref<1000x128xf32, #tpu.memory_space<vmem>>, vector<1000x128xf32>,
    return
  }
  func.func @transform_0(%arg0: i32) -> (i32, i32) {
    %c0_i32 = arith.constant 0 : i32
    %c0_i32_0 = arith.constant 0 : i32
    return %arg0, %c0_i32 : i32, i32
  }
  func.func @transform_1(%arg0: i32) -> (i32, i32) {
    %c0_i32 = arith.constant 0 : i32
    %c0_i32_0 = arith.constant 0 : i32
    return %arg0, %c0_i32 : i32, i32
  }
  func.func @transform_2(%arg0: i32) -> (i32, i32) {
    %c0_i32 = arith.constant 0 : i32
    %c0_i32_0 = arith.constant 0 : i32
    return %arg0, %c0_i32 : i32, i32
  }
  func.func @transform_3(%arg0: i32) -> (i32, i32) {
    %c0_i32 = arith.constant 0 : i32
    %c0_i32_0 = arith.constant 0 : i32
    return %arg0, %c0_i32 : i32, i32
  }
  func.func @transform_4(%arg0: i32) -> (i32, i32) {
    %c0_i32 = arith.constant 0 : i32
    %c0_i32_0 = arith.constant 0 : i32
    return %arg0, %c0_i32 : i32, i32
  }
  func.func @transform_5(%arg0: i32) -> (i32, i32) {
    %c0_i32 = arith.constant 0 : i32
    %c0_i32_0 = arith.constant 0 : i32
    %c0_i32_1 = arith.constant 0 : i32
    return %c0_i32, %c0_i32_0 : i32, i32
  }
  func.func @transform_6(%arg0: i32) -> (i32, i32) {
    %c0_i32 = arith.constant 0 : i32
    %c0_i32_0 = arith.constant 0 : i32
    %c0_i32_1 = arith.constant 0 : i32
    return %c0_i32, %c0_i32_0 : i32, i32
  }
  func.func @transform_7(%arg0: i32) -> (i32, i32) {
    %c0_i32 = arith.constant 0 : i32
    %c0_i32_0 = arith.constant 0 : i32
    %c0_i32_1 = arith.constant 0 : i32
    return %c0_i32, %c0_i32_0 : i32, i32
  }
  func.func @transform_8(%arg0: i32) -> (i32, i32) {
    %c0_i32 = arith.constant 0 : i32
    %c0_i32_0 = arith.constant 0 : i32
    return %arg0, %c0_i32 : i32, i32
  }
  func.func @transform_9(%arg0: i32) -> (i32, i32) {
    %c0_i32 = arith.constant 0 : i32
    %c0_i32_0 = arith.constant 0 : i32
    return %arg0, %c0_i32 : i32, i32
  }
}

module attributes {stable_mosaic.version = 14 : i64} {
  func.func @_sage_body(%arg0: i32, %arg1: memref<1000x128xf32, #tpu.memory_space<vmem>>, %arg2: memref<1000x128xf32, #tpu.memory_space<vmem>>, %arg3: memref<1000x128xf32, #tpu.memory_space<vmem>>, %arg4: memref<1000x1xf32, #tpu.memory_space<vmem>>, %arg5: memref<1000x1xf32, #tpu.memory_space<vmem>>, %arg6: memref<128x128xf32, #tpu.memory_space<vmem>>, %arg7: memref<128x128xf32, #tpu.memory_space<vmem>>, %arg8: memref<1x128xf32, #tpu.memory_space<vmem>>, %arg9: memref<1000x128xf32, #tpu.memory_space<vmem>>) attributes {dimension_semantics = [#tpu.dimension_semantics<arbitrary>], iteration_bounds = array<i64: 10>, scalar_prefetch = 0 : i64, scratch_operands = 0 : i64, tpu.core_type = #tpu.core_type<tc>, window_params = [{transform_indices = @transform_0, window_bounds = array<i64: 1000, 128>}, {transform_indices = @transform_1, window_bounds = array<i64: 1000, 128>}, {transform_indices = @transform_2, window_bounds = array<i64: 1000, 128>}, {transform_indices = @transform_3, window_bounds = array<i64: 1000, 1>}, {transform_indices = @transform_4, window_bounds = array<i64: 1000, 1>}, {pipeline_mode = #tpu.pipeline_mode<synchronous>, transform_indices = @transform_5, window_bounds = array<i64: 128, 128>}, {pipeline_mode = #tpu.pipeline_mode<synchronous>, transform_indices = @transform_6, window_bounds = array<i64: 128, 128>}, {pipeline_mode = #tpu.pipeline_mode<synchronous>, transform_indices = @transform_7, window_bounds = array<i64: 1, 128>}, {transform_indices = @transform_8, window_bounds = array<i64: 1000, 128>}]} {
    %get3A = arith.constant 0 : index
    %get3A_0 = arith.constant 0 : index
    %get3A_1 = vector.load %arg1[%get3A, %get3A_0] : memref<1000x128xf32, #tpu.memory_space<vmem>>, vector<1000x128xf32>
    %get3A_2 = arith.constant 0 : index
    %get3A_3 = arith.constant 0 : index
    %get3A_4 = vector.load %arg2[%get3A_2, %get3A_3] : memref<1000x128xf32, #tpu.memory_space<vmem>>, vector<1000x128xf32>
    %add3A = arith.addf %get3A_1, %get3A_4 : vector<1000x128xf32>
    %get3A_5 = arith.constant 0 : index
    %get3A_6 = arith.constant 0 : index
    %get3A_7 = vector.load %arg5[%get3A_5, %get3A_6] : memref<1000x1xf32, #tpu.memory_space<vmem>>, vector<1000x1xf32>
    %mul3A = vector.broadcast %get3A_7 : vector<1000x1xf32> to vector<1000x128xf32>
    %mul3A_8 = arith.mulf %add3A, %mul3A : vector<1000x128xf32>
    %get3A_9 = arith.constant 0 : index
    %get3A_10 = arith.constant 0 : index
    %get3A_11 = vector.load %arg6[%get3A_9, %get3A_10] : memref<128x128xf32, #tpu.memory_space<vmem>>, vector<128x128xf32>
    %dot_general3A = arith.constant dense<0.000000e+00> : vector<1000x128xf32>
    %dot_general3A_12 = tpu.matmul %mul3A_8, %get3A_11, %dot_general3A {dimension_numbers = #tpu.dot_dimension_numbers<[1], [0], [0], [1], [0, 0, 1, 1], [], []>, transpose_lhs_hint = false} : vector<1000x128xf32>, vector<128x128xf32>, vector<1000x128xf32> -> vector<1000x128xf32>
    %get3A_13 = arith.constant 0 : index
    %get3A_14 = arith.constant 0 : index
    %get3A_15 = vector.load %arg3[%get3A_13, %get3A_14] : memref<1000x128xf32, #tpu.memory_space<vmem>>, vector<1000x128xf32>
    %get3A_16 = arith.constant 0 : index
    %get3A_17 = arith.constant 0 : index
    %get3A_18 = vector.load %arg7[%get3A_16, %get3A_17] : memref<128x128xf32, #tpu.memory_space<vmem>>, vector<128x128xf32>
    %dot_general3A_19 = arith.constant dense<0.000000e+00> : vector<1000x128xf32>
    %dot_general3A_20 = tpu.matmul %get3A_15, %get3A_18, %dot_general3A_19 {dimension_numbers = #tpu.dot_dimension_numbers<[1], [0], [0], [1], [0, 0, 1, 1], [], []>, transpose_lhs_hint = false} : vector<1000x128xf32>, vector<128x128xf32>, vector<1000x128xf32> -> vector<1000x128xf32>
    %add3A_21 = arith.addf %dot_general3A_12, %dot_general3A_20 : vector<1000x128xf32>
    %get3A_22 = arith.constant 0 : index
    %get3A_23 = arith.constant 0 : index
    %get3A_24 = vector.load %arg8[%get3A_22, %get3A_23] : memref<1x128xf32, #tpu.memory_space<vmem>>, vector<1x128xf32>
    %add3A_25 = vector.broadcast %get3A_24 : vector<1x128xf32> to vector<1000x128xf32>
    %add3A_26 = arith.addf %add3A_21, %add3A_25 : vector<1000x128xf32>
    %swap3A = arith.constant 0 : index
    %swap3A_27 = arith.constant 0 : index
    %swap3A_28 = vector.load %arg9[%swap3A, %swap3A_27] : memref<1000x128xf32, #tpu.memory_space<vmem>>, vector<1000x128xf32>
    tpu.vector_store %arg9[%swap3A, %swap3A_27], %add3A_26 {strides = array<i32>} : memref<1000x128xf32, #tpu.memory_space<vmem>>, vector<1000x128xf32>,
    return
  }
  func.func @transform_0(%arg0: i32) -> (i32, i32) {
    %c0_i32 = arith.constant 0 : i32
    %c0_i32_0 = arith.constant 0 : i32
    return %arg0, %c0_i32 : i32, i32
  }
  func.func @transform_1(%arg0: i32) -> (i32, i32) {
    %c0_i32 = arith.constant 0 : i32
    %c0_i32_0 = arith.constant 0 : i32
    return %arg0, %c0_i32 : i32, i32
  }
  func.func @transform_2(%arg0: i32) -> (i32, i32) {
    %c0_i32 = arith.constant 0 : i32
    %c0_i32_0 = arith.constant 0 : i32
    return %arg0, %c0_i32 : i32, i32
  }
  func.func @transform_3(%arg0: i32) -> (i32, i32) {
    %c0_i32 = arith.constant 0 : i32
    %c0_i32_0 = arith.constant 0 : i32
    return %arg0, %c0_i32 : i32, i32
  }
  func.func @transform_4(%arg0: i32) -> (i32, i32) {
    %c0_i32 = arith.constant 0 : i32
    %c0_i32_0 = arith.constant 0 : i32
    return %arg0, %c0_i32 : i32, i32
  }
  func.func @transform_5(%arg0: i32) -> (i32, i32) {
    %c0_i32 = arith.constant 0 : i32
    %c0_i32_0 = arith.constant 0 : i32
    %c0_i32_1 = arith.constant 0 : i32
    return %c0_i32, %c0_i32_0 : i32, i32
  }
  func.func @transform_6(%arg0: i32) -> (i32, i32) {
    %c0_i32 = arith.constant 0 : i32
    %c0_i32_0 = arith.constant 0 : i32
    %c0_i32_1 = arith.constant 0 : i32
    return %c0_i32, %c0_i32_0 : i32, i32
  }
  func.func @transform_7(%arg0: i32) -> (i32, i32) {
    %c0_i32 = arith.constant 0 : i32
    %c0_i32_0 = arith.constant 0 : i32
    %c0_i32_1 = arith.constant 0 : i32
    return %c0_i32, %c0_i32_0 : i32, i32
  }
  func.func @transform_8(%arg0: i32) -> (i32, i32) {
    %c0_i32 = arith.constant 0 : i32
    %c0_i32_0 = arith.constant 0 : i32
    return %arg0, %c0_i32 : i32, i32
  }
}

</mosaic_0001>

<sc_bundles>
// kernel: kernel.12.cloned.1.call-start
scs
__scs_entry_jumppad:
0x0: {  	(pc) =	sbr.rel $0x88, $3  }
0x1: {  	(tag) =	ssettag $0x0;
	lr =	simm.s32 $0x1  }
0x2: {  	[smem:$0x3F94] =	sst lr;
	_ =	strace $0xD0000000  }
0x3: {  	_ = 	snop  }
0x4: {  	_ = 	snop  }
0x5: {  	_ = 	snop  }
0x6: {  	_ = 	snop  }
0x7: {  	_ = 	snop  }
__scs_overlays_trampoline_lowered:
0x8: {  	[smem:$0x3FA3] =	sst s0  }
0x9: {  	[smem:$0x3FA4] =	sst s1  }
0xa: {  	[smem:$0x3FA5] =	sst s2  }
0xb: {  	[smem:$0x3FA6] =	sst s3  }
0xc: {  	[smem:$0x3FA7] =	sst s4  }
0xd: {  	[smem:$0x3FA8] =	sst s5  }
0xe: {  	[smem:$0x3FA9] =	sst s6  }
0xf: {  	[smem:$0x3FAA] =	sst s7  }
0x10: {  	[smem:$0x3FAB] =	sst s8  }
0x11: {  	[smem:$0x3FAC] =	sst s9;
	s0 =	simm.s32 @!p0 $0x0  }
0x12: {  	s1 =	sld [smem:$0x3F92];
	s0 =	simm.s32 @p0 $0x1  }
0x13: {  	[smem:$0x3FAD] =	sst s0;
	s0 =	simm.s32 @!p1 $0x0  }
0x14: {  	s2 =	sld [smem:$0x3F91];
	s0 =	simm.s32 @p1 $0x1  }
0x15: {  	[smem:$0x3FAE] =	sst s0;
	s0 =	simm.s32 @!p2 $0x0  }
0x16: {  	s3 =	sld [smem:$0x3FDB];
	s0 =	simm.s32 @p2 $0x1  }
0x17: {  	s4 =	simm.s32 $0x1BF5;
	[smem:$0x3FB0] =	sst s0  }
0x18: {  	s0 =	sld [smem:$0x3F93];
	_ =	swait.ge [sflag:s4], $0x0  }
0x19: {  	s7 =	sld [smem:$0x3F94]  }
0x1a: {  	s8 =	sadd.s32 $0xFFFFE003, lr  }
0x1b: {  	s9 =	sadd.s32 $0xFFFFFEF7, lr;
	s5 =	simm.s32 $0xFFFFFFFF;
	p2 =	slt.u32 s8, $0xFFFFF086  }
0x1c: {  	p1 =	slt.u32 s9, $0xF7A;
	s5 =	simm.s32 @!p2 $0x0  }
0x1d: {  	s5 =	simm.s32 @p1 $0x1;
	p0 =	seq.s32 s7, s2  }
0x1e: {  	s7 =	smul.u32 @!p0 $0xF7A, s2;
	p2 =	seq.s32 @!p0 s5, $0x0  }
0x1f: {  	s9 =	smul.u32 $0xF7A, s1;
	s8 =	simm.s32 @!p0 $0x1BF5;
	p2 =	por !p2, p0  }
0x20: {  	[sflag:s8] =	ssyncset.s32 @!p0 $0xFFFFF086;
	s6 =	sadd.s32 @!p0 s3, s7;
	s7 =	simm.s32 @!p0 $0x108  }
0x21: {  	s3 =	sadd.s32 s3, s9;
	s6 =	sadd.s32 @!p0 $0x88, s6;
	s7 =	simm.s32 @p2 $0x1082  }
0x22: {  	[simem:s7], [sflag:s8] =	dma.local @!p0 [hbm:s6], $0xF7A  }
0x23: {  	s9 =	sor.u32 $0xD0000000, s2;
	s6 =	simm.s32 $0x108;
	_ =	swait.ge @!p0 [sflag:s8], $0x0  }
0x24: {  	s3 =	sadd.s32 $0x88, s3;
	s6 =	simm.s32 @!p1 $0x1082;
	[sflag:s4] =	ssyncset.s32 $0xFFFFF086  }
0x25: {  	[simem:s6], [sflag:s4] =	dma.local [hbm:s3], $0xF7A  }
0x26: {  	[smem:$0x3F94] =	sst s1;
	(tag) =	ssettag s2;
	_ =	strace s9  }
0x27: {  	s1 =	sld [smem:$0x3FA4]  }
0x28: {  	s2 =	sld [smem:$0x3FA5]  }
0x29: {  	s4 =	sld [smem:$0x3FA7]  }
0x2a: {  	p0 =	seq.s32 s5, $0x0;
	s5 =	sld [smem:$0x3FA8]  }
0x2b: {  	s6 =	sld [smem:$0x3FA9]  }
0x2c: {  	s7 =	sld [smem:$0x3FAA]  }
0x2d: {  	s3 =	simm.s32 $0x108;
	s8 =	sld [smem:$0x3FAB]  }
0x2e: {  	s3 =	simm.s32 @!p0 $0x1082;
	s9 =	sld [smem:$0x3FAC]  }
0x2f: {  	lr =	sadd.s32 s0, s3;
	s0 =	sld [smem:$0x3FA3]  }
0x30: {  	s3 =	sld [smem:$0x3FA6]  }
0x31: {  	[smem:$0x3FAF] =	sst s10  }
0x32: {  	s10 =	sld [smem:$0x3FAD];
	_ =	sdelay $0x3  }
0x33: {  	p0 =	seq.s32 s10, $0x1;
	s10 =	sld [smem:$0x3FAF];
	_ =	sdelay $0x3  }
0x34: {  	[smem:$0x3FAF] =	sst s10  }
0x35: {  	s10 =	sld [smem:$0x3FAE];
	_ =	sdelay $0x3  }
0x36: {  	p1 =	seq.s32 s10, $0x1;
	s10 =	sld [smem:$0x3FAF];
	_ =	sdelay $0x3  }
0x37: {  	[smem:$0x3FAF] =	sst s10  }
0x38: {  	s10 =	sld [smem:$0x3FB0]  }
0x39: {  	_ = 	snop;
	(pc) =	sbr.ind lr, $3  }
0x3a: {  	_ = 	snop  }
0x3b: {  	_ = 	snop  }
0x3c: {  	p2 =	seq.s32 s10, $0x1;
	s10 =	sld [smem:$0x3FAF]  }
0x3d: {  	_ =	shalt  }
0x3e: {  	_ =	shalt  }
0x3f: {  	_ =	shalt  }
0x40: {  	_ =	shalt  }
0x41: {  	_ =	shalt  }
0x42: {  	_ =	shalt  }
0x43: {  	_ =	shalt  }
0x44: {  	_ =	shalt  }
0x45: {  	_ =	shalt  }
0x46: {  	_ =	shalt  }
0x47: {  	_ =	shalt  }
0x48: {  	_ =	shalt  }
0x49: {  	_ =	shalt  }
0x4a: {  	_ =	shalt  }
0x4b: {  	_ =	shalt  }
0x4c: {  	_ =	shalt  }
0x4d: {  	_ =	shalt  }
0x4e: {  	_ =	shalt  }
0x4f: {  	_ =	shalt  }
0x50: {  	_ =	shalt  }
0x51: {  	_ =	shalt  }
0x52: {  	_ =	shalt  }
0x53: {  	_ =	shalt  }
0x54: {  	_ =	shalt  }
0x55: {  	_ =	shalt  }
0x56: {  	_ =	shalt  }
0x57: {  	_ =	shalt  }
0x58: {  	_ =	shalt  }
0x59: {  	_ =	shalt  }
0x5a: {  	_ =	shalt  }
0x5b: {  	_ =	shalt  }
0x5c: {  	_ =	shalt  }
0x5d: {  	_ =	shalt  }
0x5e: {  	_ =	shalt  }
0x5f: {  	_ =	shalt  }
0x60: {  	_ =	shalt  }
0x61: {  	_ =	shalt  }
0x62: {  	_ =	shalt  }
0x63: {  	_ =	shalt  }
0x64: {  	_ =	shalt  }
0x65: {  	_ =	shalt  }
0x66: {  	_ =	shalt  }
0x67: {  	_ =	shalt  }
0x68: {  	_ =	shalt  }
0x69: {  	_ =	shalt  }
0x6a: {  	_ =	shalt  }
0x6b: {  	_ =	shalt  }
0x6c: {  	_ =	shalt  }
0x6d: {  	_ =	shalt  }
0x6e: {  	_ =	shalt  }
0x6f: {  	_ =	shalt  }
0x70: {  	_ =	shalt  }
0x71: {  	_ =	shalt  }
0x72: {  	_ =	shalt  }
0x73: {  	_ =	shalt  }
0x74: {  	_ =	shalt  }
0x75: {  	_ =	shalt  }
0x76: {  	_ =	shalt  }
0x77: {  	_ =	shalt  }
0x78: {  	_ =	shalt  }
0x79: {  	_ =	shalt  }
0x7a: {  	_ =	shalt  }
0x7b: {  	_ =	shalt  }
0x7c: {  	_ =	shalt  }
0x7d: {  	_ =	shalt  }
0x7e: {  	_ =	shalt  }
0x7f: {  	_ =	shalt  }
0x80: {  	_ =	shalt  }
0x81: {  	_ =	shalt  }
0x82: {  	_ =	shalt  }
0x83: {  	_ =	shalt  }
0x84: {  	_ =	shalt  }
0x85: {  	_ =	shalt  }
0x86: {  	_ =	shalt  }
0x87: {  	_ =	shalt  }
.Lfunc_end0:
.L_simem_size_0:
called_computation_lowered:
.L_overlay_start_0:
0x88: {  	s2 =	sld [smem:$0x3FD9]  }
0x89: {  	s3 =	sld [smem:$0x3FFE];
	_ =	sdelay $0x1  }
0x8a: {  	s1 =	srdreg.scid  }
0x8b: {  	s0 =	sand.u32 $0x1, s1  }
0x8c: {  	s17 =	sshll.u32 s0, $0xA;
	s2 =	sadd.s32 s3, s2  }
0x8d: {  	s2 =	sadd.s32 s2, s17  }
0x8e: {  	[smem:$0x3FBB] =	sst s2  }
0x8f: {  	_ = 	snop  }
0x90: {  	s2 =	sld [smem:$0x3FD0];
	(tm) =	ssettm $0x1  }
0x91: {  	s18 =	sld [smem:$0x3FFB];
	_ =	sdelay $0x3  }
0x92: {  	_ =	strace s18  }
0x93: {  	s3 =	sld [smem:$0x3FFC];
	_ =	sdelay $0x3  }
0x94: {  	_ =	strace s3  }
0x95: {  	s3 =	sld [smem:$0x3FFD];
	_ =	sdelay $0x3  }
0x96: {  	_ =	strace s3  }
0x97: {  	_ =	strace $0x8FFFFFFF  }
0x98: {  	s19 =	sld [smem:$0x3FDB];
	_ =	sdelay $0x1  }
0x99: {  	s4 =	simm.s32 $_scs_section_size  }
0x9a: {  	s5 =	simm.s32 $_size__tile_overlayer_lowered;
	s6 =	simm.s32 $_tile_overlayer_lowered  }
0x9b: {  	s22 =	simm.s32 $0x1BFF;
	s21 =	sshll.u32 s6, $0x1;
	s3 =	sadd.s32 s4, s19  }
0x9c: {  	s7 =	simm.s32 $0x0;
	s20 =	sshll.u32 s5, $0x1;
	s5 =	sadd.s32 s21, s3  }
0x9d: {  	[timem:s7], [sflag:s22] =	dma.local [hbm:s5], s20  }
0x9e: {  	_ =	swait.ge [sflag:s22], s20  }
0x9f: {  	s4 =	ssub.s32 $0x0, s20;
	[sflag:s22] =	ssyncset.done $0x0  }
0xa0: {  	[sflag:s22] =	ssyncadd.s32 s4;
	_ =	sdelay $0x1  }
0xa1: {  	s23 =	simm.s32 $0x1B8B  }
0xa2: {  	_ =	swait.ge [sflag:s23], $0x1  }
0xa3: {  	[sflag:s23] =	ssyncset.done $0x0  }
0xa4: {  	s25 =	simm.s32 $0x1B8E;
	s24 =	sld [smem:$0x3FFE];
	[sflag:s23] =	ssyncadd.s32 $0xFFFFFFFF  }
0xa5: {  	s26 =	simm.s32 $execute0_lowered;
	[smem:$0x3FD2] =	sst s25  }
0xa6: {  	s5 =	sshll.u32 s26, $0x1;
	_ =	strace $0x80000046;
	[dreg:$0x1] =	wrdreg $0xFFFFFFFF  }
0xa7: {  	s28 =	simm.s32 $_size_execute0_lowered;
	s3 =	sadd.s32 s3, s5;
	[dreg:$0x0] =	wrdreg $0x0  }
0xa8: {  	s5 =	sshll.u32 s28, $0x1;
	[dreg:$0x2] =	wrdreg s3  }
0xa9: {  	[dreg:$0x3] =	wrdreg s5  }
0xaa: {  	[dreg:$0x4] =	wrdreg $0xC0  }
0xab: {  	_ =	task [dreg:s7], $0x5FFFF  }
0xac: {  	[dreg:$0x1] =	wrdreg $0xFFFFFFFF  }
0xad: {  	[dreg:$0x0] =	wrdreg $0x60  }
0xae: {  	[dreg:$0x2] =	wrdreg s2  }
0xaf: {  	[dreg:$0x3] =	wrdreg s24  }
0xb0: {  	[dreg:$0x4] =	wrdreg $0x68000  }
0xb1: {  	[dreg:$0x5] =	wrdreg $0x9  }
0xb2: {  	_ =	task.clear_ibuf [dreg:s7], $0x6FFFF;
	_ =	strace $0x90000046  }
0xb3: {  	s29 =	simm.s32 $0x9;
	_ =	strace $0x80000048  }
0xb4: {  	_ =	swait.ge [sflag:s29], $0x1  }
0xb5: {  	[sflag:s29] =	ssyncadd.s32 $0xFFFFFFFF  }
0xb6: {  	_ =	strace $0x90000048  }
0xb7: {  	_ =	sfence  }
0xb8: {  	s30 =	sld [smem:$0x0];
	_ =	sdelay $0x2  }
0xb9: {  	s31 =	sshll.u32 s1, $0xD;
	s1 =	sshrl.u32 s1, $0x2  }
0xba: {  	s3 =	sand.u32 $0x4000, s31;
	s1 =	sadd.s32 s1, s30  }
0xbb: {  	s0 =	sor.u32 s3, s0;
	s1 =	sshll.u32 s1, $0x11  }
0xbc: {  	s0 =	sor.u32 s1, s0  }
0xbd: {  	s0 =	sadd.s32 $0x8F2B, s0  }
0xbe: {  	[sflag:s0] =	ssyncadd.remote.s32 $0x1  }
0xbf: {  	_ =	sfence.sel $0xFFFF  }
0xc0: {  	[dreg:$0x0] =	wrdreg $0xFFFFFFFF;
	(pc) =	sbr.abs _section_cstart, $3  }
0xc1: {  	[dreg:$0x1] =	wrdreg $0xFFFFFFFF  }
0xc2: {  	_ =	task.clear_ibuf [dreg:s7], $0x2FFFF;
	_ =	strace $0x9FFFFFFF  }
0xc3: {  	(tm) =	ssettm $0x7FFFFFFF  }
tec
execute0_lowered:
.L_overlay_start_1:
0x0: {  	(tag) =	ssettag $0x1  }
0x1: {  	s0 =	rddreg [dreg:$0x0]  }
0x2: {  	s1 =	rddreg [dreg:$0x1];
	s3 =	srdreg.scid  }
0x3: {  	s7 =	stileid.u32;
	s2 =	rddreg [dreg:$0x2]  }
0x4: {  	s6 =	simm.s32 $0x0;
	s28 =	simm.s32 $0x1A400;
	s29 =	simm.s32 $0x2  }
0x5: {  	s30 =	simm.s32 $0x1;
	s3 =	sand.u32 $0x1, s3;
	s4 =	smul.u32 $0x2780, s7  }
0x6: {  	[smem:$0x7FF] =	sst s6;
	s22 =	sshll.u32 s7, $0x1;
	s7 =	smul.u32 $0x4F000, s7  }
0x7: {  	s31 =	simm.s32 $0x80;
	s5 =	smul.u32 $0x27800, s3;
	_ =	strace $0x80000047  }
0x8: {  	s23 =	sor.u32 s3, s22;
	s3 =	ssub.s32 $0x2, s3;
	s24 =	sshrl.u32 s7, $0x2  }
0x9: {  	s25 =	sshrl.u32 s3, $0x1;
	s4 =	sadd.s32 s4, s5;
	s5 =	smul.u32 $0x500, s23  }
0xa: {  	s3 =	ssub.s32 s3, s25;
	s1 =	sadd.s32 s4, s1;
	s4 =	sadd.s32 s24, s2  }
0xb: {  	s8 =	smax.u32 s3, $0x1;
	s3 =	simm.s32 $0x3;
	s0 =	sadd.s32 s0, s5  }
0xc: {  	s26 =	sadd.s32 $0x13000, s4;
	s7 =	sadd.s32 $0x4A00, s1;
	s9 =	sadd.s32 $0x1000, s4  }
0xd: {  	s10 =	sadd.s32 $0x2000, s4;
	s11 =	sadd.s32 $0x3000, s4;
	s12 =	sadd.s32 $0x4000, s4  }
0xe: {  	s13 =	sadd.s32 $0x5000, s4;
	s14 =	sadd.s32 $0x6000, s4;
	s15 =	sadd.s32 $0x7000, s4  }
0xf: {  	s16 =	sadd.s32 $0x8000, s4;
	s17 =	sadd.s32 $0x9000, s4;
	s18 =	sadd.s32 $0xA000, s4  }
0x10: {  	s19 =	sadd.s32 $0xB000, s4;
	s20 =	sadd.s32 $0xC000, s4;
	s21 =	sadd.s32 $0xD000, s4  }
0x11: {  	s22 =	sadd.s32 $0xE000, s4;
	s23 =	sadd.s32 $0xF000, s4;
	s24 =	sadd.s32 $0x10000, s4  }
0x12: {  	s25 =	sadd.s32 $0x11000, s4;
	s1 =	simm.s32 $0x2800;
	[dreg:$0x4] =	wrdreg s0  }
0x13: {  	v0 =	vimm.f32 $0.0e+00;
	v1 =	vimm.f32 $1.000000000e+00;
	[dreg:$0x5] =	wrdreg s26;
	s26 =	sadd.s32 $0x12000, s4;
	s0 =	simm.s32 $0x0  }
.LBB2_1:
0x14: {  	s5 =	simm.s32 $0x0;
	s6 =	rddreg [dreg:$0x4]  }
0x15: {  	[tilespmem:s5], [sflag:$0x1] =	stream.linear.gather [hbm4b:s6+s5], $0x2800, $0x38;
	[tilespmem:$0x1B400] =	vst v63  }
0x16: {  	s5 =	simm.s32 $0x0;
	s6 =	simm.s32 $0x200  }
.LBB2_2:
0x17: {  	p0 =	sne.s32 s6, $0x3E00;
	[tilespmem:s5+$0x1A470] =	vst v0  }
0x18: {  	[tilespmem:s5+$0x1A400] =	vst v0  }
0x19: {  	[tilespmem:s5+$0x1A410] =	vst v0  }
.Ltmp0:
0x1a: {  	[tilespmem:s5+$0x1A420] =	vst v0;
	(pc) =	sbr.rel @p0 .LBB2_2-.Ltmp0, $4  }
0x1b: {  	[tilespmem:s5+$0x1A430] =	vst v0  }
0x1c: {  	[tilespmem:s5+$0x1A440] =	vst v0  }
0x1d: {  	[tilespmem:s5+$0x1A450] =	vst v0  }
0x1e: {  	[tilespmem:s5+$0x1A460] =	vst v0;
	s5 =	sshra.s32 s6, $0x2;
	s6 =	sadd.s32 $0x200, s6  }
0x1f: {  	[tilespmem:s5+$0x1A470] =	vst v0  }
0x20: {  	[tilespmem:s5+$0x1A400] =	vst v0  }
0x21: {  	[tilespmem:s5+$0x1A410] =	vst v0  }
0x22: {  	[tilespmem:s5+$0x1A420] =	vst v0  }
0x23: {  	[tilespmem:s5+$0x1A430] =	vst v0  }
0x24: {  	[tilespmem:s5+$0x1A440] =	vst v0  }
0x25: {  	[tilespmem:s5+$0x1A450] =	vst v0  }
0x26: {  	[tilespmem:s5+$0x1A460] =	vst v0;
	s5 =	simm.s32 $0x0;
	s6 =	simm.s32 $0x200  }
.LBB2_4:
0x27: {  	p0 =	sne.s32 s6, $0xFE00;
	[tilespmem:s5+$0x2870] =	vst v1  }
0x28: {  	[tilespmem:s5+$0x2800] =	vst v1  }
0x29: {  	[tilespmem:s5+$0x2810] =	vst v1  }
.Ltmp1:
0x2a: {  	[tilespmem:s5+$0x2820] =	vst v1;
	(pc) =	sbr.rel @p0 .LBB2_4-.Ltmp1, $4  }
0x2b: {  	[tilespmem:s5+$0x2830] =	vst v1  }
0x2c: {  	[tilespmem:s5+$0x2840] =	vst v1  }
0x2d: {  	[tilespmem:s5+$0x2850] =	vst v1  }
0x2e: {  	[tilespmem:s5+$0x2860] =	vst v1;
	s5 =	sshra.s32 s6, $0x2;
	s6 =	sadd.s32 $0x200, s6  }
0x2f: {  	[tilespmem:s5+$0x2870] =	vst v1  }
0x30: {  	[tilespmem:s5+$0x2800] =	vst v1  }
0x31: {  	[tilespmem:s5+$0x2810] =	vst v1  }
0x32: {  	[tilespmem:s5+$0x2820] =	vst v1  }
0x33: {  	[tilespmem:s5+$0x2830] =	vst v1  }
0x34: {  	[tilespmem:s5+$0x2840] =	vst v1  }
0x35: {  	[tilespmem:s5+$0x2850] =	vst v1  }
0x36: {  	[tilespmem:s5+$0x2860] =	vst v1  }
0x37: {  	[spmem:s4] =	stream.linear.scatter [tilespmem:s28], [sflag:$0x2], $0x1000, $0x38;
	[tilespmem:$0x1B400] =	vst v63  }
0x38: {  	_ = 	snop  }
0x39: {  	[spmem:s9] =	stream.linear.scatter [tilespmem:s28], [sflag:$0x2], $0x1000, $0x38;
	[tilespmem:$0x1B400] =	vst v63  }
0x3a: {  	_ = 	snop  }
0x3b: {  	[spmem:s10] =	stream.linear.scatter [tilespmem:s28], [sflag:$0x2], $0x1000, $0x38;
	[tilespmem:$0x1B400] =	vst v63  }
0x3c: {  	_ = 	snop  }
0x3d: {  	[spmem:s11] =	stream.linear.scatter [tilespmem:s28], [sflag:$0x2], $0x1000, $0x38;
	[tilespmem:$0x1B400] =	vst v63  }
0x3e: {  	_ = 	snop  }
0x3f: {  	[spmem:s12] =	stream.linear.scatter [tilespmem:s28], [sflag:$0x2], $0x1000, $0x38;
	[tilespmem:$0x1B400] =	vst v63  }
0x40: {  	_ = 	snop  }
0x41: {  	[spmem:s13] =	stream.linear.scatter [tilespmem:s28], [sflag:$0x2], $0x1000, $0x38;
	[tilespmem:$0x1B400] =	vst v63  }
0x42: {  	_ = 	snop  }
0x43: {  	[spmem:s14] =	stream.linear.scatter [tilespmem:s28], [sflag:$0x2], $0x1000, $0x38;
	[tilespmem:$0x1B400] =	vst v63  }
0x44: {  	_ = 	snop  }
0x45: {  	[spmem:s15] =	stream.linear.scatter [tilespmem:s28], [sflag:$0x2], $0x1000, $0x38;
	[tilespmem:$0x1B400] =	vst v63  }
0x46: {  	_ = 	snop  }
0x47: {  	[spmem:s16] =	stream.linear.scatter [tilespmem:s28], [sflag:$0x2], $0x1000, $0x38;
	[tilespmem:$0x1B400] =	vst v63  }
0x48: {  	_ = 	snop  }
0x49: {  	[spmem:s17] =	stream.linear.scatter [tilespmem:s28], [sflag:$0x2], $0x1000, $0x38;
	[tilespmem:$0x1B400] =	vst v63  }
0x4a: {  	_ = 	snop  }
0x4b: {  	[spmem:s18] =	stream.linear.scatter [tilespmem:s28], [sflag:$0x2], $0x1000, $0x38;
	[tilespmem:$0x1B400] =	vst v63  }
0x4c: {  	_ = 	snop  }
0x4d: {  	[spmem:s19] =	stream.linear.scatter [tilespmem:s28], [sflag:$0x2], $0x1000, $0x38;
	[tilespmem:$0x1B400] =	vst v63  }
0x4e: {  	_ = 	snop  }
0x4f: {  	[spmem:s20] =	stream.linear.scatter [tilespmem:s28], [sflag:$0x2], $0x1000, $0x38;
	[tilespmem:$0x1B400] =	vst v63  }
0x50: {  	_ = 	snop  }
0x51: {  	[spmem:s21] =	stream.linear.scatter [tilespmem:s28], [sflag:$0x2], $0x1000, $0x38;
	[tilespmem:$0x1B400] =	vst v63  }
0x52: {  	_ = 	snop  }
0x53: {  	[spmem:s22] =	stream.linear.scatter [tilespmem:s28], [sflag:$0x2], $0x1000, $0x38;
	[tilespmem:$0x1B400] =	vst v63  }
0x54: {  	_ = 	snop  }
0x55: {  	[spmem:s23] =	stream.linear.scatter [tilespmem:s28], [sflag:$0x2], $0x1000, $0x38;
	[tilespmem:$0x1B400] =	vst v63  }
0x56: {  	_ = 	snop  }
0x57: {  	[spmem:s24] =	stream.linear.scatter [tilespmem:s28], [sflag:$0x2], $0x1000, $0x38;
	[tilespmem:$0x1B400] =	vst v63  }
0x58: {  	_ = 	snop  }
0x59: {  	[spmem:s25] =	stream.linear.scatter [tilespmem:s28], [sflag:$0x2], $0x1000, $0x38;
	[tilespmem:$0x1B400] =	vst v63  }
0x5a: {  	_ = 	snop  }
0x5b: {  	[spmem:s26] =	stream.linear.scatter [tilespmem:s28], [sflag:$0x2], $0x1000, $0x38;
	[tilespmem:$0x1B400] =	vst v63  }
0x5c: {  	s6 =	rddreg [dreg:$0x5]  }
0x5d: {  	[spmem:s6] =	stream.linear.scatter [tilespmem:s28], [sflag:$0x2], $0xC00, $0x38;
	[tilespmem:$0x1B400] =	vst v63  }
0x5e: {  	_ =	swait.ge [sflag:s29], $0x1000  }
0x5f: {  	[sflag:s29] =	ssyncset.done $0x0  }
0x60: {  	[sflag:s29] =	ssyncadd.s32 $0xFFFFF000  }
0x61: {  	_ =	swait.ge [sflag:s29], $0x1000  }
0x62: {  	[sflag:s29] =	ssyncset.done $0x0  }
0x63: {  	[sflag:s29] =	ssyncadd.s32 $0xFFFFF000  }
0x64: {  	_ =	swait.ge [sflag:s29], $0x1000  }
0x65: {  	[sflag:s29] =	ssyncset.done $0x0  }
0x66: {  	[sflag:s29] =	ssyncadd.s32 $0xFFFFF000  }
0x67: {  	_ =	swait.ge [sflag:s29], $0x1000  }
0x68: {  	[sflag:s29] =	ssyncset.done $0x0  }
0x69: {  	[sflag:s29] =	ssyncadd.s32 $0xFFFFF000  }
0x6a: {  	_ =	swait.ge [sflag:s29], $0x1000  }
0x6b: {  	[sflag:s29] =	ssyncset.done $0x0  }
0x6c: {  	[sflag:s29] =	ssyncadd.s32 $0xFFFFF000  }
0x6d: {  	_ =	swait.ge [sflag:s29], $0x1000  }
0x6e: {  	[sflag:s29] =	ssyncset.done $0x0  }
0x6f: {  	[sflag:s29] =	ssyncadd.s32 $0xFFFFF000  }
0x70: {  	_ =	swait.ge [sflag:s29], $0x1000  }
0x71: {  	[sflag:s29] =	ssyncset.done $0x0  }
0x72: {  	[sflag:s29] =	ssyncadd.s32 $0xFFFFF000  }
0x73: {  	_ =	swait.ge [sflag:s29], $0x1000  }
0x74: {  	[sflag:s29] =	ssyncset.done $0x0  }
0x75: {  	[sflag:s29] =	ssyncadd.s32 $0xFFFFF000  }
0x76: {  	_ =	swait.ge [sflag:s29], $0x1000  }
0x77: {  	[sflag:s29] =	ssyncset.done $0x0  }
0x78: {  	[sflag:s29] =	ssyncadd.s32 $0xFFFFF000  }
0x79: {  	_ =	swait.ge [sflag:s29], $0x1000  }
0x7a: {  	[sflag:s29] =	ssyncset.done $0x0  }
0x7b: {  	[sflag:s29] =	ssyncadd.s32 $0xFFFFF000  }
0x7c: {  	_ =	swait.ge [sflag:s29], $0x1000  }
0x7d: {  	[sflag:s29] =	ssyncset.done $0x0  }
0x7e: {  	[sflag:s29] =	ssyncadd.s32 $0xFFFFF000  }
0x7f: {  	_ =	swait.ge [sflag:s29], $0x1000  }
0x80: {  	[sflag:s29] =	ssyncset.done $0x0  }
0x81: {  	[sflag:s29] =	ssyncadd.s32 $0xFFFFF000  }
0x82: {  	_ =	swait.ge [sflag:s29], $0x1000  }
0x83: {  	[sflag:s29] =	ssyncset.done $0x0  }
0x84: {  	[sflag:s29] =	ssyncadd.s32 $0xFFFFF000  }
0x85: {  	_ =	swait.ge [sflag:s29], $0x1000  }
0x86: {  	[sflag:s29] =	ssyncset.done $0x0  }
0x87: {  	[sflag:s29] =	ssyncadd.s32 $0xFFFFF000  }
0x88: {  	_ =	swait.ge [sflag:s29], $0x1000  }
0x89: {  	[sflag:s29] =	ssyncset.done $0x0  }
0x8a: {  	[sflag:s29] =	ssyncadd.s32 $0xFFFFF000  }
0x8b: {  	_ =	swait.ge [sflag:s29], $0x1000  }
0x8c: {  	[sflag:s29] =	ssyncset.done $0x0  }
0x8d: {  	[sflag:s29] =	ssyncadd.s32 $0xFFFFF000  }
0x8e: {  	_ =	swait.ge [sflag:s29], $0x1000  }
0x8f: {  	[sflag:s29] =	ssyncset.done $0x0  }
0x90: {  	[sflag:s29] =	ssyncadd.s32 $0xFFFFF000  }
0x91: {  	_ =	swait.ge [sflag:s29], $0x1000  }
0x92: {  	[sflag:s29] =	ssyncset.done $0x0  }
0x93: {  	[sflag:s29] =	ssyncadd.s32 $0xFFFFF000  }
0x94: {  	_ =	swait.ge [sflag:s29], $0x1000  }
0x95: {  	[sflag:s29] =	ssyncset.done $0x0  }
0x96: {  	[sflag:s29] =	ssyncadd.s32 $0xFFFFF000  }
0x97: {  	_ =	swait.ge [sflag:s29], $0xC00  }
0x98: {  	[sflag:s29] =	ssyncset.done $0x0  }
0x99: {  	[sflag:s29] =	ssyncadd.s32 $0xFFFFF400  }
0x9a: {  	_ =	swait.ge [sflag:s30], $0x2800  }
0x9b: {  	[sflag:s30] =	ssyncset.done $0x0  }
0x9c: {  	[sflag:s30] =	ssyncadd.s32 $0xFFFFD800  }
0x9d: {  	s6 =	simm.s32 $0x0;
	[bflag:$0x0] =	sbarrier.arrive $0xFFFF  }
0x9e: {  	[spmem:s2] =	stream.indirect.scatter.add.f32 [tilespmem:s1], [sflag:$0x3], $0x80, s6, s31, $0xb8;
	[tilespmem:$0x1B400] =	vst v63  }
0x9f: {  	_ =	swait.ge [sflag:s3], $0x4000  }
0xa0: {  	s5 =	simm.s32 $0x200;
	[sflag:s3] =	ssyncset.done $0x0  }
.LBB2_6:
0xa1: {  	s6 =	sshra.s32 s5, $0x2;
	[sflag:s3] =	ssyncadd.s32 $0xFFFFC000;
	p0 =	sne.s32 s5, $0x9E00  }
0xa2: {  	[spmem:s2] =	stream.indirect.scatter.add.f32 [tilespmem:s1], [sflag:$0x3], $0x80, s6, s31, $0xb8;
	[tilespmem:$0x1B400] =	vst v63  }
.Ltmp2:
0xa3: {  	_ = 	snop;
	(pc) =	sbr.rel @p0 .LBB2_6-.Ltmp2, $4  }
0xa4: {  	_ = 	snop  }
0xa5: {  	s5 =	sadd.s32 $0x200, s5  }
0xa6: {  	_ =	swait.ge [sflag:s3], $0x4000  }
0xa7: {  	[sflag:s3] =	ssyncset.done $0x0  }
0xa8: {  	[sflag:s3] =	ssyncadd.s32 $0xFFFFC000;
	s5 =	stileid.u32;
	s0 =	sadd.s32 $0x1, s0  }
0xa9: {  	s6 =	sshrl.u32 s4, $0x3;
	s5 =	sshll.u32 s5, $0x6;
	p0 =	sne.s32 s0, s8  }
.Ltmp3:
0xaa: {  	[bflag:$0x0] =	sbarrier.arrive $0xFFFF;
	s5 =	sor.u32 $0x1C03, s5;
	(pc) =	sbr.rel @p0 .LBB2_1-.Ltmp3, $4  }
0xab: {  	[hbm:s7], [sflag:s5] =	dma.local [spmem:s6], $0x2780  }
0xac: {  	_ =	swait.ge [sflag:s3], $0x2780  }
0xad: {  	[sflag:s3] =	ssyncset.done $0x0  }
0xae: {  	[sflag:s3] =	ssyncadd.s32 $0xFFFFD880  }
0xaf: {  	_ =	sfence.sel $0x180000  }
0xb0: {  	[bflag:$0x0] =	sbarrier.arrive $0xFFFF  }
0xb1: {  	_ =	strace $0x90000047  }
0xb2: {  	s0 =	stileid.u32;
	[bflag:$0x2] =	sbarrier.arrive $0xFFFF  }
0xb3: {  	p0 =	sne.s32 s0, $0x0;
	s0 =	rddreg [dreg:$0x3]  }
0xb4: {  	s0 =	sadd.s32 @!p0 $0x100000, s0  }
0xb5: {  	[sflag:s0] =	ssyncadd.tile.s32 @!p0 $0x1;
	_ =	shalt  }
.Lfunc_end2:
_tile_overlayer_lowered:
.L_overlay_start_2:
0xb6: {  	(tag) =	ssettag $0x2  }
0xb7: {  	s0 =	rddreg [dreg:$0x0];
	s2 =	stileid.u32  }
0xb8: {  	s1 =	rddreg [dreg:$0x1];
	p0 =	sne.s32 s2, $0x0  }
0xb9: {  	s3 =	rddreg [dreg:$0x2];
	[bflag:$0x3] =	sbarrier.arrive $0xFFFF;
	s2 =	simm.s32 @!p0 $0x1C03  }
0xba: {  	[timem:s3], [sflag:s2] =	dma.local @!p0 [hbm:s0], s1  }
0xbb: {  	s0 =	simm.s32 @!p0 $0x3  }
0xbc: {  	_ =	swait.ge @!p0 [sflag:s0], s1  }
0xbd: {  	s1 =	ssub.s32 @!p0 $0x0, s1;
	[sflag:s0] =	ssyncset.done @!p0 $0x0  }
0xbe: {  	[sflag:s0] =	ssyncadd.s32 @!p0 s1  }
0xbf: {  	[bflag:$0x3] =	sbarrier.arrive $0xFFFF  }
0xc0: {  	_ =	shalt  }

// kernel: kernel.15.cloned.1.call-start
scs
__scs_entry_jumppad:
0x0: {  	(pc) =	sbr.rel $0x88, $3  }
0x1: {  	(tag) =	ssettag $0x0;
	lr =	simm.s32 $0x1  }
0x2: {  	[smem:$0x3F94] =	sst lr;
	_ =	strace $0xD0000000  }
0x3: {  	_ = 	snop  }
0x4: {  	_ = 	snop  }
0x5: {  	_ = 	snop  }
0x6: {  	_ = 	snop  }
0x7: {  	_ = 	snop  }
__scs_overlays_trampoline_lowered:
0x8: {  	[smem:$0x3FA3] =	sst s0  }
0x9: {  	[smem:$0x3FA4] =	sst s1  }
0xa: {  	[smem:$0x3FA5] =	sst s2  }
0xb: {  	[smem:$0x3FA6] =	sst s3  }
0xc: {  	[smem:$0x3FA7] =	sst s4  }
0xd: {  	[smem:$0x3FA8] =	sst s5  }
0xe: {  	[smem:$0x3FA9] =	sst s6  }
0xf: {  	[smem:$0x3FAA] =	sst s7  }
0x10: {  	[smem:$0x3FAB] =	sst s8  }
0x11: {  	[smem:$0x3FAC] =	sst s9;
	s0 =	simm.s32 @!p0 $0x0  }
0x12: {  	s1 =	sld [smem:$0x3F92];
	s0 =	simm.s32 @p0 $0x1  }
0x13: {  	[smem:$0x3FAD] =	sst s0;
	s0 =	simm.s32 @!p1 $0x0  }
0x14: {  	s2 =	sld [smem:$0x3F91];
	s0 =	simm.s32 @p1 $0x1  }
0x15: {  	[smem:$0x3FAE] =	sst s0;
	s0 =	simm.s32 @!p2 $0x0  }
0x16: {  	s3 =	sld [smem:$0x3FDB];
	s0 =	simm.s32 @p2 $0x1  }
0x17: {  	s4 =	simm.s32 $0x1BF5;
	[smem:$0x3FB0] =	sst s0  }
0x18: {  	s0 =	sld [smem:$0x3F93];
	_ =	swait.ge [sflag:s4], $0x0  }
0x19: {  	s7 =	sld [smem:$0x3F94]  }
0x1a: {  	s8 =	sadd.s32 $0xFFFFE003, lr  }
0x1b: {  	s9 =	sadd.s32 $0xFFFFFEF7, lr;
	s5 =	simm.s32 $0xFFFFFFFF;
	p2 =	slt.u32 s8, $0xFFFFF086  }
0x1c: {  	p1 =	slt.u32 s9, $0xF7A;
	s5 =	simm.s32 @!p2 $0x0  }
0x1d: {  	s5 =	simm.s32 @p1 $0x1;
	p0 =	seq.s32 s7, s2  }
0x1e: {  	s7 =	smul.u32 @!p0 $0xF7A, s2;
	p2 =	seq.s32 @!p0 s5, $0x0  }
0x1f: {  	s9 =	smul.u32 $0xF7A, s1;
	s8 =	simm.s32 @!p0 $0x1BF5;
	p2 =	por !p2, p0  }
0x20: {  	[sflag:s8] =	ssyncset.s32 @!p0 $0xFFFFF086;
	s6 =	sadd.s32 @!p0 s3, s7;
	s7 =	simm.s32 @!p0 $0x108  }
0x21: {  	s3 =	sadd.s32 s3, s9;
	s6 =	sadd.s32 @!p0 $0x88, s6;
	s7 =	simm.s32 @p2 $0x1082  }
0x22: {  	[simem:s7], [sflag:s8] =	dma.local @!p0 [hbm:s6], $0xF7A  }
0x23: {  	s9 =	sor.u32 $0xD0000000, s2;
	s6 =	simm.s32 $0x108;
	_ =	swait.ge @!p0 [sflag:s8], $0x0  }
0x24: {  	s3 =	sadd.s32 $0x88, s3;
	s6 =	simm.s32 @!p1 $0x1082;
	[sflag:s4] =	ssyncset.s32 $0xFFFFF086  }
0x25: {  	[simem:s6], [sflag:s4] =	dma.local [hbm:s3], $0xF7A  }
0x26: {  	[smem:$0x3F94] =	sst s1;
	(tag) =	ssettag s2;
	_ =	strace s9  }
0x27: {  	s1 =	sld [smem:$0x3FA4]  }
0x28: {  	s2 =	sld [smem:$0x3FA5]  }
0x29: {  	s4 =	sld [smem:$0x3FA7]  }
0x2a: {  	p0 =	seq.s32 s5, $0x0;
	s5 =	sld [smem:$0x3FA8]  }
0x2b: {  	s6 =	sld [smem:$0x3FA9]  }
0x2c: {  	s7 =	sld [smem:$0x3FAA]  }
0x2d: {  	s3 =	simm.s32 $0x108;
	s8 =	sld [smem:$0x3FAB]  }
0x2e: {  	s3 =	simm.s32 @!p0 $0x1082;
	s9 =	sld [smem:$0x3FAC]  }
0x2f: {  	lr =	sadd.s32 s0, s3;
	s0 =	sld [smem:$0x3FA3]  }
0x30: {  	s3 =	sld [smem:$0x3FA6]  }
0x31: {  	[smem:$0x3FAF] =	sst s10  }
0x32: {  	s10 =	sld [smem:$0x3FAD];
	_ =	sdelay $0x3  }
0x33: {  	p0 =	seq.s32 s10, $0x1;
	s10 =	sld [smem:$0x3FAF];
	_ =	sdelay $0x3  }
0x34: {  	[smem:$0x3FAF] =	sst s10  }
0x35: {  	s10 =	sld [smem:$0x3FAE];
	_ =	sdelay $0x3  }
0x36: {  	p1 =	seq.s32 s10, $0x1;
	s10 =	sld [smem:$0x3FAF];
	_ =	sdelay $0x3  }
0x37: {  	[smem:$0x3FAF] =	sst s10  }
0x38: {  	s10 =	sld [smem:$0x3FB0]  }
0x39: {  	_ = 	snop;
	(pc) =	sbr.ind lr, $3  }
0x3a: {  	_ = 	snop  }
0x3b: {  	_ = 	snop  }
0x3c: {  	p2 =	seq.s32 s10, $0x1;
	s10 =	sld [smem:$0x3FAF]  }
0x3d: {  	_ =	shalt  }
0x3e: {  	_ =	shalt  }
0x3f: {  	_ =	shalt  }
0x40: {  	_ =	shalt  }
0x41: {  	_ =	shalt  }
0x42: {  	_ =	shalt  }
0x43: {  	_ =	shalt  }
0x44: {  	_ =	shalt  }
0x45: {  	_ =	shalt  }
0x46: {  	_ =	shalt  }
0x47: {  	_ =	shalt  }
0x48: {  	_ =	shalt  }
0x49: {  	_ =	shalt  }
0x4a: {  	_ =	shalt  }
0x4b: {  	_ =	shalt  }
0x4c: {  	_ =	shalt  }
0x4d: {  	_ =	shalt  }
0x4e: {  	_ =	shalt  }
0x4f: {  	_ =	shalt  }
0x50: {  	_ =	shalt  }
0x51: {  	_ =	shalt  }
0x52: {  	_ =	shalt  }
0x53: {  	_ =	shalt  }
0x54: {  	_ =	shalt  }
0x55: {  	_ =	shalt  }
0x56: {  	_ =	shalt  }
0x57: {  	_ =	shalt  }
0x58: {  	_ =	shalt  }
0x59: {  	_ =	shalt  }
0x5a: {  	_ =	shalt  }
0x5b: {  	_ =	shalt  }
0x5c: {  	_ =	shalt  }
0x5d: {  	_ =	shalt  }
0x5e: {  	_ =	shalt  }
0x5f: {  	_ =	shalt  }
0x60: {  	_ =	shalt  }
0x61: {  	_ =	shalt  }
0x62: {  	_ =	shalt  }
0x63: {  	_ =	shalt  }
0x64: {  	_ =	shalt  }
0x65: {  	_ =	shalt  }
0x66: {  	_ =	shalt  }
0x67: {  	_ =	shalt  }
0x68: {  	_ =	shalt  }
0x69: {  	_ =	shalt  }
0x6a: {  	_ =	shalt  }
0x6b: {  	_ =	shalt  }
0x6c: {  	_ =	shalt  }
0x6d: {  	_ =	shalt  }
0x6e: {  	_ =	shalt  }
0x6f: {  	_ =	shalt  }
0x70: {  	_ =	shalt  }
0x71: {  	_ =	shalt  }
0x72: {  	_ =	shalt  }
0x73: {  	_ =	shalt  }
0x74: {  	_ =	shalt  }
0x75: {  	_ =	shalt  }
0x76: {  	_ =	shalt  }
0x77: {  	_ =	shalt  }
0x78: {  	_ =	shalt  }
0x79: {  	_ =	shalt  }
0x7a: {  	_ =	shalt  }
0x7b: {  	_ =	shalt  }
0x7c: {  	_ =	shalt  }
0x7d: {  	_ =	shalt  }
0x7e: {  	_ =	shalt  }
0x7f: {  	_ =	shalt  }
0x80: {  	_ =	shalt  }
0x81: {  	_ =	shalt  }
0x82: {  	_ =	shalt  }
0x83: {  	_ =	shalt  }
0x84: {  	_ =	shalt  }
0x85: {  	_ =	shalt  }
0x86: {  	_ =	shalt  }
0x87: {  	_ =	shalt  }
.Lfunc_end0:
.L_simem_size_0:
called_computation.1_lowered:
.L_overlay_start_0:
0x88: {  	s2 =	sld [smem:$0x3FD9]  }
0x89: {  	s3 =	sld [smem:$0x3FFE];
	_ =	sdelay $0x1  }
0x8a: {  	s1 =	srdreg.scid  }
0x8b: {  	s0 =	sand.u32 $0x1, s1  }
0x8c: {  	s17 =	sshll.u32 s0, $0xA;
	s2 =	sadd.s32 s3, s2  }
0x8d: {  	s2 =	sadd.s32 s2, s17  }
0x8e: {  	[smem:$0x3FBB] =	sst s2  }
0x8f: {  	_ = 	snop  }
0x90: {  	s2 =	sld [smem:$0x3FD0];
	(tm) =	ssettm $0x1  }
0x91: {  	s18 =	sld [smem:$0x3FFB];
	_ =	sdelay $0x3  }
0x92: {  	_ =	strace s18  }
0x93: {  	s3 =	sld [smem:$0x3FFC];
	_ =	sdelay $0x3  }
0x94: {  	_ =	strace s3  }
0x95: {  	s3 =	sld [smem:$0x3FFD];
	_ =	sdelay $0x3  }
0x96: {  	_ =	strace s3  }
0x97: {  	_ =	strace $0x8FFFFFFF  }
0x98: {  	s19 =	sld [smem:$0x3FDB];
	_ =	sdelay $0x1  }
0x99: {  	s4 =	simm.s32 $_scs_section_size  }
0x9a: {  	s5 =	simm.s32 $_size__tile_overlayer_lowered;
	s6 =	simm.s32 $_tile_overlayer_lowered  }
0x9b: {  	s22 =	simm.s32 $0x1BFF;
	s21 =	sshll.u32 s6, $0x1;
	s3 =	sadd.s32 s4, s19  }
0x9c: {  	s7 =	simm.s32 $0x0;
	s20 =	sshll.u32 s5, $0x1;
	s5 =	sadd.s32 s21, s3  }
0x9d: {  	[timem:s7], [sflag:s22] =	dma.local [hbm:s5], s20  }
0x9e: {  	_ =	swait.ge [sflag:s22], s20  }
0x9f: {  	s4 =	ssub.s32 $0x0, s20;
	[sflag:s22] =	ssyncset.done $0x0  }
0xa0: {  	[sflag:s22] =	ssyncadd.s32 s4;
	_ =	sdelay $0x1  }
0xa1: {  	s23 =	simm.s32 $0x1B8B  }
0xa2: {  	_ =	swait.ge [sflag:s23], $0x1  }
0xa3: {  	[sflag:s23] =	ssyncset.done $0x0  }
0xa4: {  	s25 =	simm.s32 $0x1B8E;
	s24 =	sld [smem:$0x3FFE];
	[sflag:s23] =	ssyncadd.s32 $0xFFFFFFFF  }
0xa5: {  	s26 =	simm.s32 $execute0_lowered;
	[smem:$0x3FD2] =	sst s25  }
0xa6: {  	s5 =	sshll.u32 s26, $0x1;
	_ =	strace $0x80000049;
	[dreg:$0x1] =	wrdreg $0xFFFFFFFF  }
0xa7: {  	s28 =	simm.s32 $_size_execute0_lowered;
	s3 =	sadd.s32 s3, s5;
	[dreg:$0x0] =	wrdreg $0x0  }
0xa8: {  	s5 =	sshll.u32 s28, $0x1;
	[dreg:$0x2] =	wrdreg s3  }
0xa9: {  	[dreg:$0x3] =	wrdreg s5  }
0xaa: {  	[dreg:$0x4] =	wrdreg $0xC0  }
0xab: {  	_ =	task [dreg:s7], $0x5FFFF  }
0xac: {  	[dreg:$0x1] =	wrdreg $0xFFFFFFFF  }
0xad: {  	[dreg:$0x0] =	wrdreg $0x60  }
0xae: {  	[dreg:$0x2] =	wrdreg s2  }
0xaf: {  	[dreg:$0x3] =	wrdreg s24  }
0xb0: {  	[dreg:$0x4] =	wrdreg $0x41000  }
0xb1: {  	[dreg:$0x5] =	wrdreg $0x9  }
0xb2: {  	_ =	task.clear_ibuf [dreg:s7], $0x6FFFF;
	_ =	strace $0x90000049  }
0xb3: {  	s29 =	simm.s32 $0x9;
	_ =	strace $0x8000004B  }
0xb4: {  	_ =	swait.ge [sflag:s29], $0x1  }
0xb5: {  	[sflag:s29] =	ssyncadd.s32 $0xFFFFFFFF  }
0xb6: {  	_ =	strace $0x9000004B  }
0xb7: {  	_ =	sfence  }
0xb8: {  	s30 =	sld [smem:$0x0];
	_ =	sdelay $0x2  }
0xb9: {  	s31 =	sshll.u32 s1, $0xD;
	s1 =	sshrl.u32 s1, $0x2  }
0xba: {  	s3 =	sand.u32 $0x4000, s31;
	s1 =	sadd.s32 s1, s30  }
0xbb: {  	s0 =	sor.u32 s3, s0;
	s1 =	sshll.u32 s1, $0x11  }
0xbc: {  	s0 =	sor.u32 s1, s0  }
0xbd: {  	s0 =	sadd.s32 $0x8F2B, s0  }
0xbe: {  	[sflag:s0] =	ssyncadd.remote.s32 $0x1  }
0xbf: {  	_ =	sfence.sel $0xFFFF  }
0xc0: {  	[dreg:$0x0] =	wrdreg $0xFFFFFFFF;
	(pc) =	sbr.abs _section_cstart, $3  }
0xc1: {  	[dreg:$0x1] =	wrdreg $0xFFFFFFFF  }
0xc2: {  	_ =	task.clear_ibuf [dreg:s7], $0x2FFFF;
	_ =	strace $0x9FFFFFFF  }
0xc3: {  	(tm) =	ssettm $0x7FFFFFFF  }
tec
execute0_lowered:
.L_overlay_start_1:
0x0: {  	(tag) =	ssettag $0x1  }
0x1: {  	s1 =	rddreg [dreg:$0x0]  }
0x2: {  	s0 =	rddreg [dreg:$0x1];
	s8 =	stileid.u32  }
0x3: {  	s4 =	srdreg.scid;
	s2 =	smul.u32 $0xA00, s8  }
0x4: {  	s3 =	rddreg [dreg:$0x2];
	s5 =	smul.u32 $0x2780, s8  }
0x5: {  	s30 =	simm.s32 $0x17D00;
	s6 =	sand.u32 $0x1, s4;
	s8 =	smul.u32 $0x4F000, s8  }
0x6: {  	s31 =	simm.s32 $0x2;
	s4 =	simm.s32 $0x0;
	s7 =	smul.u32 $0x27800, s6  }
0x7: {  	[smem:$0x7FF] =	sst s4;
	s19 =	ssub.s32 $0x2, s6;
	s26 =	smul.u32 $0x500, s6  }
0x8: {  	s6 =	simm.s32 $0x100;
	_ =	strace $0x8000004A;
	s2 =	sadd.s32 s2, s0  }
0x9: {  	s8 =	sshrl.u32 s8, $0x2;
	s9 =	sshrl.u32 s19, $0x1;
	s5 =	sadd.s32 s5, s7  }
0xa: {  	s7 =	ssub.s32 s19, s9;
	s0 =	sadd.s32 s5, s0;
	s5 =	sadd.s32 s8, s3  }
0xb: {  	s20 =	smax.u32 s7, $0x1;
	s7 =	simm.s32 $0x1;
	s8 =	sadd.s32 $0x13000, s5  }
0xc: {  	s0 =	sadd.s32 $0x67A00, s0;
	[dreg:$0x6] =	wrdreg s20;
	s21 =	sadd.s32 $0x1000, s5  }
0xd: {  	s22 =	sadd.s32 $0x2000, s5;
	s23 =	sadd.s32 $0x3000, s5;
	[dreg:$0x4] =	wrdreg s8  }
0xe: {  	s24 =	sadd.s32 $0x4000, s5;
	s25 =	sadd.s32 $0x5000, s5;
	[dreg:$0x5] =	wrdreg s0  }
0xf: {  	s14 =	sadd.s32 $0x6000, s5;
	s15 =	sadd.s32 $0x7000, s5;
	[dreg:$0x7] =	wrdreg s21  }
0x10: {  	s16 =	sadd.s32 $0x8000, s5;
	s17 =	sadd.s32 $0x9000, s5;
	[dreg:$0x8] =	wrdreg s22  }
0x11: {  	s18 =	sadd.s32 $0xA000, s5;
	s19 =	sadd.s32 $0xB000, s5;
	[dreg:$0x9] =	wrdreg s23  }
0x12: {  	s20 =	sadd.s32 $0xC000, s5;
	s28 =	sadd.s32 $0x11000, s5;
	[dreg:$0xa] =	wrdreg s24  }
0x13: {  	s29 =	sadd.s32 $0x12000, s5;
	[dreg:$0xb] =	wrdreg s25;
	s21 =	sadd.s32 $0xD000, s5  }
0x14: {  	s22 =	sadd.s32 $0xE000, s5;
	s23 =	sadd.s32 $0xF000, s5;
	s0 =	sadd.s32 s26, s2  }
0x15: {  	s26 =	sadd.s32 $0x10000, s5;
	s2 =	simm.s32 $0x3;
	s8 =	simm.s32 $0x0  }
0x16: {  	v0 =	vimm.f32 $0.0e+00;
	s24 =	sadd.s32 $0x5DA00, s0;
	s25 =	sadd.s32 $0x53A00, s0;
	s0 =	simm.s32 $0x80  }
.LBB2_1:
0x17: {  	s9 =	simm.s32 $0x0;
	s10 =	simm.s32 $0x200  }
.LBB2_2:
0x18: {  	p0 =	sne.s32 s10, $0x3E00;
	[tilespmem:s9+$0x17D70] =	vst v0  }
0x19: {  	[tilespmem:s9+$0x17D00] =	vst v0  }
0x1a: {  	[tilespmem:s9+$0x17D10] =	vst v0  }
.Ltmp0:
0x1b: {  	[tilespmem:s9+$0x17D20] =	vst v0;
	(pc) =	sbr.rel @p0 .LBB2_2-.Ltmp0, $4  }
0x1c: {  	[tilespmem:s9+$0x17D30] =	vst v0  }
0x1d: {  	[tilespmem:s9+$0x17D40] =	vst v0  }
0x1e: {  	[tilespmem:s9+$0x17D50] =	vst v0  }
0x1f: {  	[tilespmem:s9+$0x17D60] =	vst v0;
	s9 =	sshra.s32 s10, $0x2;
	s10 =	sadd.s32 $0x200, s10  }
0x20: {  	[tilespmem:s9+$0x17D70] =	vst v0  }
0x21: {  	[tilespmem:s9+$0x17D00] =	vst v0  }
0x22: {  	[tilespmem:s9+$0x17D10] =	vst v0  }
0x23: {  	[tilespmem:s9+$0x17D20] =	vst v0  }
0x24: {  	[tilespmem:s9+$0x17D30] =	vst v0  }
0x25: {  	[tilespmem:s9+$0x17D40] =	vst v0  }
0x26: {  	[tilespmem:s9+$0x17D50] =	vst v0  }
0x27: {  	[tilespmem:s9+$0x17D60] =	vst v0  }
0x28: {  	[spmem:s5] =	stream.linear.scatter [tilespmem:s30], [sflag:$0x2], $0x1000, $0x38;
	[tilespmem:$0x18D00] =	vst v63  }
0x29: {  	s10 =	rddreg [dreg:$0x7]  }
0x2a: {  	[spmem:s10] =	stream.linear.scatter [tilespmem:s30], [sflag:$0x2], $0x1000, $0x38;
	[tilespmem:$0x18D00] =	vst v63  }
0x2b: {  	s11 =	rddreg [dreg:$0x8]  }
0x2c: {  	[spmem:s11] =	stream.linear.scatter [tilespmem:s30], [sflag:$0x2], $0x1000, $0x38;
	[tilespmem:$0x18D00] =	vst v63  }
0x2d: {  	s12 =	rddreg [dreg:$0x9]  }
0x2e: {  	[spmem:s12] =	stream.linear.scatter [tilespmem:s30], [sflag:$0x2], $0x1000, $0x38;
	[tilespmem:$0x18D00] =	vst v63  }
0x2f: {  	s13 =	rddreg [dreg:$0xa]  }
0x30: {  	[spmem:s13] =	stream.linear.scatter [tilespmem:s30], [sflag:$0x2], $0x1000, $0x38;
	[tilespmem:$0x18D00] =	vst v63  }
0x31: {  	s10 =	rddreg [dreg:$0xb]  }
0x32: {  	[spmem:s10] =	stream.linear.scatter [tilespmem:s30], [sflag:$0x2], $0x1000, $0x38;
	[tilespmem:$0x18D00] =	vst v63  }
0x33: {  	_ = 	snop  }
0x34: {  	[spmem:s14] =	stream.linear.scatter [tilespmem:s30], [sflag:$0x2], $0x1000, $0x38;
	[tilespmem:$0x18D00] =	vst v63  }
0x35: {  	_ = 	snop  }
0x36: {  	[spmem:s15] =	stream.linear.scatter [tilespmem:s30], [sflag:$0x2], $0x1000, $0x38;
	[tilespmem:$0x18D00] =	vst v63  }
0x37: {  	_ = 	snop  }
0x38: {  	[spmem:s16] =	stream.linear.scatter [tilespmem:s30], [sflag:$0x2], $0x1000, $0x38;
	[tilespmem:$0x18D00] =	vst v63  }
0x39: {  	_ = 	snop  }
0x3a: {  	[spmem:s17] =	stream.linear.scatter [tilespmem:s30], [sflag:$0x2], $0x1000, $0x38;
	[tilespmem:$0x18D00] =	vst v63  }
0x3b: {  	_ = 	snop  }
0x3c: {  	[spmem:s18] =	stream.linear.scatter [tilespmem:s30], [sflag:$0x2], $0x1000, $0x38;
	[tilespmem:$0x18D00] =	vst v63  }
0x3d: {  	_ = 	snop  }
0x3e: {  	[spmem:s19] =	stream.linear.scatter [tilespmem:s30], [sflag:$0x2], $0x1000, $0x38;
	[tilespmem:$0x18D00] =	vst v63  }
0x3f: {  	_ = 	snop  }
0x40: {  	[spmem:s20] =	stream.linear.scatter [tilespmem:s30], [sflag:$0x2], $0x1000, $0x38;
	[tilespmem:$0x18D00] =	vst v63  }
0x41: {  	_ = 	snop  }
0x42: {  	[spmem:s21] =	stream.linear.scatter [tilespmem:s30], [sflag:$0x2], $0x1000, $0x38;
	[tilespmem:$0x18D00] =	vst v63  }
0x43: {  	_ = 	snop  }
0x44: {  	[spmem:s22] =	stream.linear.scatter [tilespmem:s30], [sflag:$0x2], $0x1000, $0x38;
	[tilespmem:$0x18D00] =	vst v63  }
0x45: {  	_ = 	snop  }
0x46: {  	[spmem:s23] =	stream.linear.scatter [tilespmem:s30], [sflag:$0x2], $0x1000, $0x38;
	[tilespmem:$0x18D00] =	vst v63  }
0x47: {  	_ = 	snop  }
0x48: {  	[spmem:s26] =	stream.linear.scatter [tilespmem:s30], [sflag:$0x2], $0x1000, $0x38;
	[tilespmem:$0x18D00] =	vst v63  }
0x49: {  	_ = 	snop  }
0x4a: {  	[spmem:s28] =	stream.linear.scatter [tilespmem:s30], [sflag:$0x2], $0x1000, $0x38;
	[tilespmem:$0x18D00] =	vst v63  }
0x4b: {  	_ = 	snop  }
0x4c: {  	[spmem:s29] =	stream.linear.scatter [tilespmem:s30], [sflag:$0x2], $0x1000, $0x38;
	[tilespmem:$0x18D00] =	vst v63  }
0x4d: {  	s11 =	rddreg [dreg:$0x4]  }
0x4e: {  	[spmem:s11] =	stream.linear.scatter [tilespmem:s30], [sflag:$0x2], $0xC00, $0x38;
	[tilespmem:$0x18D00] =	vst v63  }
0x4f: {  	_ =	swait.ge [sflag:s31], $0x1000  }
0x50: {  	[sflag:s31] =	ssyncset.done $0x0  }
0x51: {  	[sflag:s31] =	ssyncadd.s32 $0xFFFFF000  }
0x52: {  	_ =	swait.ge [sflag:s31], $0x1000  }
0x53: {  	[sflag:s31] =	ssyncset.done $0x0  }
0x54: {  	[sflag:s31] =	ssyncadd.s32 $0xFFFFF000  }
0x55: {  	_ =	swait.ge [sflag:s31], $0x1000  }
0x56: {  	[sflag:s31] =	ssyncset.done $0x0  }
0x57: {  	[sflag:s31] =	ssyncadd.s32 $0xFFFFF000  }
0x58: {  	_ =	swait.ge [sflag:s31], $0x1000  }
0x59: {  	[sflag:s31] =	ssyncset.done $0x0  }
0x5a: {  	[sflag:s31] =	ssyncadd.s32 $0xFFFFF000  }
0x5b: {  	_ =	swait.ge [sflag:s31], $0x1000  }
0x5c: {  	[sflag:s31] =	ssyncset.done $0x0  }
0x5d: {  	[sflag:s31] =	ssyncadd.s32 $0xFFFFF000  }
0x5e: {  	_ =	swait.ge [sflag:s31], $0x1000  }
0x5f: {  	[sflag:s31] =	ssyncset.done $0x0  }
0x60: {  	[sflag:s31] =	ssyncadd.s32 $0xFFFFF000  }
0x61: {  	_ =	swait.ge [sflag:s31], $0x1000  }
0x62: {  	[sflag:s31] =	ssyncset.done $0x0  }
0x63: {  	[sflag:s31] =	ssyncadd.s32 $0xFFFFF000  }
0x64: {  	_ =	swait.ge [sflag:s31], $0x1000  }
0x65: {  	[sflag:s31] =	ssyncset.done $0x0  }
0x66: {  	[sflag:s31] =	ssyncadd.s32 $0xFFFFF000  }
0x67: {  	_ =	swait.ge [sflag:s31], $0x1000  }
0x68: {  	[sflag:s31] =	ssyncset.done $0x0  }
0x69: {  	[sflag:s31] =	ssyncadd.s32 $0xFFFFF000  }
0x6a: {  	_ =	swait.ge [sflag:s31], $0x1000  }
0x6b: {  	[sflag:s31] =	ssyncset.done $0x0  }
0x6c: {  	[sflag:s31] =	ssyncadd.s32 $0xFFFFF000  }
0x6d: {  	_ =	swait.ge [sflag:s31], $0x1000  }
0x6e: {  	[sflag:s31] =	ssyncset.done $0x0  }
0x6f: {  	[sflag:s31] =	ssyncadd.s32 $0xFFFFF000  }
0x70: {  	_ =	swait.ge [sflag:s31], $0x1000  }
0x71: {  	[sflag:s31] =	ssyncset.done $0x0  }
0x72: {  	[sflag:s31] =	ssyncadd.s32 $0xFFFFF000  }
0x73: {  	_ =	swait.ge [sflag:s31], $0x1000  }
0x74: {  	[sflag:s31] =	ssyncset.done $0x0  }
0x75: {  	[sflag:s31] =	ssyncadd.s32 $0xFFFFF000  }
0x76: {  	_ =	swait.ge [sflag:s31], $0x1000  }
0x77: {  	[sflag:s31] =	ssyncset.done $0x0  }
0x78: {  	[sflag:s31] =	ssyncadd.s32 $0xFFFFF000  }
0x79: {  	_ =	swait.ge [sflag:s31], $0x1000  }
0x7a: {  	[sflag:s31] =	ssyncset.done $0x0  }
0x7b: {  	[sflag:s31] =	ssyncadd.s32 $0xFFFFF000  }
0x7c: {  	_ =	swait.ge [sflag:s31], $0x1000  }
0x7d: {  	[sflag:s31] =	ssyncset.done $0x0  }
0x7e: {  	[sflag:s31] =	ssyncadd.s32 $0xFFFFF000  }
0x7f: {  	_ =	swait.ge [sflag:s31], $0x1000  }
0x80: {  	[sflag:s31] =	ssyncset.done $0x0  }
0x81: {  	[sflag:s31] =	ssyncadd.s32 $0xFFFFF000  }
0x82: {  	_ =	swait.ge [sflag:s31], $0x1000  }
0x83: {  	[sflag:s31] =	ssyncset.done $0x0  }
0x84: {  	[sflag:s31] =	ssyncadd.s32 $0xFFFFF000  }
0x85: {  	_ =	swait.ge [sflag:s31], $0x1000  }
0x86: {  	[sflag:s31] =	ssyncset.done $0x0  }
0x87: {  	[sflag:s31] =	ssyncadd.s32 $0xFFFFF000  }
0x88: {  	_ =	swait.ge [sflag:s31], $0xC00  }
0x89: {  	[sflag:s31] =	ssyncset.done $0x0  }
0x8a: {  	[sflag:s31] =	ssyncadd.s32 $0xFFFFF400  }
0x8b: {  	s12 =	sadd.s32 $0x0, s25;
	[bflag:$0x0] =	sbarrier.arrive $0xFFFF  }
0x8c: {  	[tilespmem:s4], [sflag:$0x3] =	stream.linear.gather [hbm4b:s12+s4], $0x80, $0x38;
	[tilespmem:$0x18D00] =	vst v63  }
0x8d: {  	_ =	swait.ge [sflag:s2], $0x80  }
0x8e: {  	[sflag:s2] =	ssyncset.done $0x0  }
0x8f: {  	s13 =	sadd.s32 $0x0, s24;
	[sflag:s2] =	ssyncadd.s32 $0xFFFFFF80  }
0x90: {  	[tilespmem:s0], [sflag:$0x3] =	stream.linear.gather [hbm4b:s13+s4], $0x80, $0x38;
	[tilespmem:$0x18D00] =	vst v63  }
0x91: {  	_ =	swait.ge [sflag:s2], $0x80  }
0x92: {  	[sflag:s2] =	ssyncset.done $0x0  }
0x93: {  	[sflag:s2] =	ssyncadd.s32 $0xFFFFFF80  }
0x94: {  	[tilespmem:s6], [sflag:$0x1] =	stream.indirect.gather [hbm4b:s1+s0], $0x80, s4, s0, $0xb8;
	[tilespmem:$0x18D00] =	vst v63  }
0x95: {  	_ =	swait.ge [sflag:s7], $0x4000  }
0x96: {  	[sflag:s7] =	ssyncset.done $0x0  }
0x97: {  	[sflag:s7] =	ssyncadd.s32 $0xFFFFC000  }
0x98: {  	[spmem:s3] =	stream.indirect.scatter.add.f32 [tilespmem:s6], [sflag:$0x3], $0x80, s0, s0, $0xb8;
	[tilespmem:$0x18D00] =	vst v63  }
0x99: {  	_ =	swait.ge [sflag:s2], $0x4000  }
0x9a: {  	s9 =	simm.s32 $0x10;
	s10 =	simm.s32 $0x20;
	[sflag:s2] =	ssyncset.done $0x0  }
.LBB2_4:
0x9b: {  	s11 =	sadd.s32 s9, s25  }
0x9c: {  	[sflag:s2] =	ssyncadd.s32 $0xFFFFC000;
	s12 =	smov.u32 s10;
	s13 =	sadd.s32 $0x10, s10  }
0x9d: {  	[tilespmem:s4], [sflag:$0x3] =	stream.linear.gather [hbm4b:s11+s4], $0x80, $0x38;
	[tilespmem:$0x18D00] =	vst v63  }
0x9e: {  	p0 =	sne.s32 s10, $0x4F0;
	_ =	swait.ge [sflag:s2], $0x80  }
0x9f: {  	[sflag:s2] =	ssyncset.done $0x0  }
0xa0: {  	s10 =	sadd.s32 s9, s24;
	s9 =	smov.u32 s12;
	[sflag:s2] =	ssyncadd.s32 $0xFFFFFF80  }
0xa1: {  	[tilespmem:s0], [sflag:$0x3] =	stream.linear.gather [hbm4b:s10+s4], $0x80, $0x38;
	[tilespmem:$0x18D00] =	vst v63  }
0xa2: {  	_ =	swait.ge [sflag:s2], $0x80  }
0xa3: {  	[sflag:s2] =	ssyncset.done $0x0  }
0xa4: {  	[sflag:s2] =	ssyncadd.s32 $0xFFFFFF80  }
0xa5: {  	[tilespmem:s6], [sflag:$0x1] =	stream.indirect.gather [hbm4b:s1+s0], $0x80, s4, s0, $0xb8;
	[tilespmem:$0x18D00] =	vst v63  }
0xa6: {  	_ =	swait.ge [sflag:s7], $0x4000  }
.Ltmp1:
0xa7: {  	[sflag:s7] =	ssyncset.done $0x0;
	(pc) =	sbr.rel @p0 .LBB2_4-.Ltmp1, $4  }
0xa8: {  	[sflag:s7] =	ssyncadd.s32 $0xFFFFC000  }
0xa9: {  	[spmem:s3] =	stream.indirect.scatter.add.f32 [tilespmem:s6], [sflag:$0x3], $0x80, s0, s0, $0xb8;
	[tilespmem:$0x18D00] =	vst v63  }
0xaa: {  	_ =	swait.ge [sflag:s2], $0x4000  }
0xab: {  	s10 =	smov.u32 s13;
	[sflag:s2] =	ssyncset.done $0x0  }
0xac: {  	s10 =	sadd.s32 s9, s25;
	[sflag:s2] =	ssyncadd.s32 $0xFFFFC000  }
0xad: {  	[tilespmem:s4], [sflag:$0x3] =	stream.linear.gather [hbm4b:s10+s4], $0x80, $0x38;
	[tilespmem:$0x18D00] =	vst v63  }
0xae: {  	_ =	swait.ge [sflag:s2], $0x80  }
0xaf: {  	[sflag:s2] =	ssyncset.done $0x0  }
0xb0: {  	s10 =	sadd.s32 s9, s24;
	[sflag:s2] =	ssyncadd.s32 $0xFFFFFF80  }
0xb1: {  	[tilespmem:s0], [sflag:$0x3] =	stream.linear.gather [hbm4b:s10+s4], $0x80, $0x38;
	[tilespmem:$0x18D00] =	vst v63  }
0xb2: {  	_ =	swait.ge [sflag:s2], $0x80  }
0xb3: {  	[sflag:s2] =	ssyncset.done $0x0  }
0xb4: {  	[sflag:s2] =	ssyncadd.s32 $0xFFFFFF80  }
0xb5: {  	[tilespmem:s6], [sflag:$0x1] =	stream.indirect.gather [hbm4b:s1+s0], $0x80, s4, s0, $0xb8;
	[tilespmem:$0x18D00] =	vst v63  }
0xb6: {  	_ =	swait.ge [sflag:s7], $0x4000  }
0xb7: {  	[sflag:s7] =	ssyncset.done $0x0  }
0xb8: {  	[sflag:s7] =	ssyncadd.s32 $0xFFFFC000  }
0xb9: {  	[spmem:s3] =	stream.indirect.scatter.add.f32 [tilespmem:s6], [sflag:$0x3], $0x80, s0, s0, $0xb8;
	[tilespmem:$0x18D00] =	vst v63  }
0xba: {  	_ =	swait.ge [sflag:s2], $0x4000  }
0xbb: {  	[sflag:s2] =	ssyncset.done $0x0  }
0xbc: {  	s11 =	stileid.u32;
	[sflag:s2] =	ssyncadd.s32 $0xFFFFC000  }
0xbd: {  	s9 =	sshll.u32 s11, $0x6;
	[bflag:$0x0] =	sbarrier.arrive $0xFFFF  }
0xbe: {  	s12 =	sshrl.u32 s5, $0x3;
	s9 =	sor.u32 $0x1C03, s9;
	s11 =	rddreg [dreg:$0x5]  }
0xbf: {  	[hbm:s11], [sflag:s9] =	dma.local [spmem:s12], $0x2780  }
0xc0: {  	_ =	swait.ge [sflag:s2], $0x2780  }
0xc1: {  	s8 =	sadd.s32 $0x1, s8;
	s13 =	rddreg [dreg:$0x6]  }
0xc2: {  	p0 =	sne.s32 s8, s13  }
.Ltmp2:
0xc3: {  	_ = 	snop;
	(pc) =	sbr.rel @p0 .LBB2_1-.Ltmp2, $3  }
0xc4: {  	_ =	sdelay $0x1  }
0xc5: {  	[sflag:s2] =	ssyncset.done $0x0  }
0xc6: {  	[sflag:s2] =	ssyncadd.s32 $0xFFFFD880  }
0xc7: {  	_ =	sfence.sel $0x180000  }
0xc8: {  	[bflag:$0x0] =	sbarrier.arrive $0xFFFF  }
0xc9: {  	_ =	strace $0x9000004A  }
0xca: {  	s0 =	stileid.u32;
	[bflag:$0x2] =	sbarrier.arrive $0xFFFF  }
0xcb: {  	p0 =	sne.s32 s0, $0x0;
	s0 =	rddreg [dreg:$0x3]  }
0xcc: {  	s0 =	sadd.s32 @!p0 $0x100000, s0  }
0xcd: {  	[sflag:s0] =	ssyncadd.tile.s32 @!p0 $0x1;
	_ =	shalt  }
.Lfunc_end2:
_tile_overlayer_lowered:
.L_overlay_start_2:
0xce: {  	(tag) =	ssettag $0x2  }
0xcf: {  	s0 =	rddreg [dreg:$0x0];
	s2 =	stileid.u32  }
0xd0: {  	s1 =	rddreg [dreg:$0x1];
	p0 =	sne.s32 s2, $0x0  }
0xd1: {  	s3 =	rddreg [dreg:$0x2];
	[bflag:$0x3] =	sbarrier.arrive $0xFFFF;
	s2 =	simm.s32 @!p0 $0x1C03  }
0xd2: {  	[timem:s3], [sflag:s2] =	dma.local @!p0 [hbm:s0], s1  }
0xd3: {  	s0 =	simm.s32 @!p0 $0x3  }
0xd4: {  	_ =	swait.ge @!p0 [sflag:s0], s1  }
0xd5: {  	s1 =	ssub.s32 @!p0 $0x0, s1;
	[sflag:s0] =	ssyncset.done @!p0 $0x0  }
0xd6: {  	[sflag:s0] =	ssyncadd.s32 @!p0 s1  }
0xd7: {  	[bflag:$0x3] =	sbarrier.arrive $0xFFFF  }
0xd8: {  	_ =	shalt  }

// kernel: kernel.18.cloned.1.call-start
scs
__scs_entry_jumppad:
0x0: {  	(pc) =	sbr.rel $0x88, $3  }
0x1: {  	(tag) =	ssettag $0x0;
	lr =	simm.s32 $0x1  }
0x2: {  	[smem:$0x3F94] =	sst lr;
	_ =	strace $0xD0000000  }
0x3: {  	_ = 	snop  }
0x4: {  	_ = 	snop  }
0x5: {  	_ = 	snop  }
0x6: {  	_ = 	snop  }
0x7: {  	_ = 	snop  }
__scs_overlays_trampoline_lowered:
0x8: {  	[smem:$0x3FA3] =	sst s0  }
0x9: {  	[smem:$0x3FA4] =	sst s1  }
0xa: {  	[smem:$0x3FA5] =	sst s2  }
0xb: {  	[smem:$0x3FA6] =	sst s3  }
0xc: {  	[smem:$0x3FA7] =	sst s4  }
0xd: {  	[smem:$0x3FA8] =	sst s5  }
0xe: {  	[smem:$0x3FA9] =	sst s6  }
0xf: {  	[smem:$0x3FAA] =	sst s7  }
0x10: {  	[smem:$0x3FAB] =	sst s8  }
0x11: {  	[smem:$0x3FAC] =	sst s9;
	s0 =	simm.s32 @!p0 $0x0  }
0x12: {  	s1 =	sld [smem:$0x3F92];
	s0 =	simm.s32 @p0 $0x1  }
0x13: {  	[smem:$0x3FAD] =	sst s0;
	s0 =	simm.s32 @!p1 $0x0  }
0x14: {  	s2 =	sld [smem:$0x3F91];
	s0 =	simm.s32 @p1 $0x1  }
0x15: {  	[smem:$0x3FAE] =	sst s0;
	s0 =	simm.s32 @!p2 $0x0  }
0x16: {  	s3 =	sld [smem:$0x3FDB];
	s0 =	simm.s32 @p2 $0x1  }
0x17: {  	s4 =	simm.s32 $0x1BF5;
	[smem:$0x3FB0] =	sst s0  }
0x18: {  	s0 =	sld [smem:$0x3F93];
	_ =	swait.ge [sflag:s4], $0x0  }
0x19: {  	s7 =	sld [smem:$0x3F94]  }
0x1a: {  	s8 =	sadd.s32 $0xFFFFE003, lr  }
0x1b: {  	s9 =	sadd.s32 $0xFFFFFEF7, lr;
	s5 =	simm.s32 $0xFFFFFFFF;
	p2 =	slt.u32 s8, $0xFFFFF086  }
0x1c: {  	p1 =	slt.u32 s9, $0xF7A;
	s5 =	simm.s32 @!p2 $0x0  }
0x1d: {  	s5 =	simm.s32 @p1 $0x1;
	p0 =	seq.s32 s7, s2  }
0x1e: {  	s7 =	smul.u32 @!p0 $0xF7A, s2;
	p2 =	seq.s32 @!p0 s5, $0x0  }
0x1f: {  	s9 =	smul.u32 $0xF7A, s1;
	s8 =	simm.s32 @!p0 $0x1BF5;
	p2 =	por !p2, p0  }
0x20: {  	[sflag:s8] =	ssyncset.s32 @!p0 $0xFFFFF086;
	s6 =	sadd.s32 @!p0 s3, s7;
	s7 =	simm.s32 @!p0 $0x108  }
0x21: {  	s3 =	sadd.s32 s3, s9;
	s6 =	sadd.s32 @!p0 $0x88, s6;
	s7 =	simm.s32 @p2 $0x1082  }
0x22: {  	[simem:s7], [sflag:s8] =	dma.local @!p0 [hbm:s6], $0xF7A  }
0x23: {  	s9 =	sor.u32 $0xD0000000, s2;
	s6 =	simm.s32 $0x108;
	_ =	swait.ge @!p0 [sflag:s8], $0x0  }
0x24: {  	s3 =	sadd.s32 $0x88, s3;
	s6 =	simm.s32 @!p1 $0x1082;
	[sflag:s4] =	ssyncset.s32 $0xFFFFF086  }
0x25: {  	[simem:s6], [sflag:s4] =	dma.local [hbm:s3], $0xF7A  }
0x26: {  	[smem:$0x3F94] =	sst s1;
	(tag) =	ssettag s2;
	_ =	strace s9  }
0x27: {  	s1 =	sld [smem:$0x3FA4]  }
0x28: {  	s2 =	sld [smem:$0x3FA5]  }
0x29: {  	s4 =	sld [smem:$0x3FA7]  }
0x2a: {  	p0 =	seq.s32 s5, $0x0;
	s5 =	sld [smem:$0x3FA8]  }
0x2b: {  	s6 =	sld [smem:$0x3FA9]  }
0x2c: {  	s7 =	sld [smem:$0x3FAA]  }
0x2d: {  	s3 =	simm.s32 $0x108;
	s8 =	sld [smem:$0x3FAB]  }
0x2e: {  	s3 =	simm.s32 @!p0 $0x1082;
	s9 =	sld [smem:$0x3FAC]  }
0x2f: {  	lr =	sadd.s32 s0, s3;
	s0 =	sld [smem:$0x3FA3]  }
0x30: {  	s3 =	sld [smem:$0x3FA6]  }
0x31: {  	[smem:$0x3FAF] =	sst s10  }
0x32: {  	s10 =	sld [smem:$0x3FAD];
	_ =	sdelay $0x3  }
0x33: {  	p0 =	seq.s32 s10, $0x1;
	s10 =	sld [smem:$0x3FAF];
	_ =	sdelay $0x3  }
0x34: {  	[smem:$0x3FAF] =	sst s10  }
0x35: {  	s10 =	sld [smem:$0x3FAE];
	_ =	sdelay $0x3  }
0x36: {  	p1 =	seq.s32 s10, $0x1;
	s10 =	sld [smem:$0x3FAF];
	_ =	sdelay $0x3  }
0x37: {  	[smem:$0x3FAF] =	sst s10  }
0x38: {  	s10 =	sld [smem:$0x3FB0]  }
0x39: {  	_ = 	snop;
	(pc) =	sbr.ind lr, $3  }
0x3a: {  	_ = 	snop  }
0x3b: {  	_ = 	snop  }
0x3c: {  	p2 =	seq.s32 s10, $0x1;
	s10 =	sld [smem:$0x3FAF]  }
0x3d: {  	_ =	shalt  }
0x3e: {  	_ =	shalt  }
0x3f: {  	_ =	shalt  }
0x40: {  	_ =	shalt  }
0x41: {  	_ =	shalt  }
0x42: {  	_ =	shalt  }
0x43: {  	_ =	shalt  }
0x44: {  	_ =	shalt  }
0x45: {  	_ =	shalt  }
0x46: {  	_ =	shalt  }
0x47: {  	_ =	shalt  }
0x48: {  	_ =	shalt  }
0x49: {  	_ =	shalt  }
0x4a: {  	_ =	shalt  }
0x4b: {  	_ =	shalt  }
0x4c: {  	_ =	shalt  }
0x4d: {  	_ =	shalt  }
0x4e: {  	_ =	shalt  }
0x4f: {  	_ =	shalt  }
0x50: {  	_ =	shalt  }
0x51: {  	_ =	shalt  }
0x52: {  	_ =	shalt  }
0x53: {  	_ =	shalt  }
0x54: {  	_ =	shalt  }
0x55: {  	_ =	shalt  }
0x56: {  	_ =	shalt  }
0x57: {  	_ =	shalt  }
0x58: {  	_ =	shalt  }
0x59: {  	_ =	shalt  }
0x5a: {  	_ =	shalt  }
0x5b: {  	_ =	shalt  }
0x5c: {  	_ =	shalt  }
0x5d: {  	_ =	shalt  }
0x5e: {  	_ =	shalt  }
0x5f: {  	_ =	shalt  }
0x60: {  	_ =	shalt  }
0x61: {  	_ =	shalt  }
0x62: {  	_ =	shalt  }
0x63: {  	_ =	shalt  }
0x64: {  	_ =	shalt  }
0x65: {  	_ =	shalt  }
0x66: {  	_ =	shalt  }
0x67: {  	_ =	shalt  }
0x68: {  	_ =	shalt  }
0x69: {  	_ =	shalt  }
0x6a: {  	_ =	shalt  }
0x6b: {  	_ =	shalt  }
0x6c: {  	_ =	shalt  }
0x6d: {  	_ =	shalt  }
0x6e: {  	_ =	shalt  }
0x6f: {  	_ =	shalt  }
0x70: {  	_ =	shalt  }
0x71: {  	_ =	shalt  }
0x72: {  	_ =	shalt  }
0x73: {  	_ =	shalt  }
0x74: {  	_ =	shalt  }
0x75: {  	_ =	shalt  }
0x76: {  	_ =	shalt  }
0x77: {  	_ =	shalt  }
0x78: {  	_ =	shalt  }
0x79: {  	_ =	shalt  }
0x7a: {  	_ =	shalt  }
0x7b: {  	_ =	shalt  }
0x7c: {  	_ =	shalt  }
0x7d: {  	_ =	shalt  }
0x7e: {  	_ =	shalt  }
0x7f: {  	_ =	shalt  }
0x80: {  	_ =	shalt  }
0x81: {  	_ =	shalt  }
0x82: {  	_ =	shalt  }
0x83: {  	_ =	shalt  }
0x84: {  	_ =	shalt  }
0x85: {  	_ =	shalt  }
0x86: {  	_ =	shalt  }
0x87: {  	_ =	shalt  }
.Lfunc_end0:
.L_simem_size_0:
called_computation.2_lowered:
.L_overlay_start_0:
0x88: {  	s2 =	sld [smem:$0x3FD9]  }
0x89: {  	s3 =	sld [smem:$0x3FFE];
	_ =	sdelay $0x1  }
0x8a: {  	s1 =	srdreg.scid  }
0x8b: {  	s0 =	sand.u32 $0x1, s1  }
0x8c: {  	s17 =	sshll.u32 s0, $0xA;
	s2 =	sadd.s32 s3, s2  }
0x8d: {  	s2 =	sadd.s32 s2, s17  }
0x8e: {  	[smem:$0x3FBB] =	sst s2  }
0x8f: {  	_ = 	snop  }
0x90: {  	s2 =	sld [smem:$0x3FD0];
	(tm) =	ssettm $0x1  }
0x91: {  	s18 =	sld [smem:$0x3FFB];
	_ =	sdelay $0x3  }
0x92: {  	_ =	strace s18  }
0x93: {  	s3 =	sld [smem:$0x3FFC];
	_ =	sdelay $0x3  }
0x94: {  	_ =	strace s3  }
0x95: {  	s3 =	sld [smem:$0x3FFD];
	_ =	sdelay $0x3  }
0x96: {  	_ =	strace s3  }
0x97: {  	_ =	strace $0x8FFFFFFF  }
0x98: {  	s19 =	sld [smem:$0x3FDB];
	_ =	sdelay $0x1  }
0x99: {  	s4 =	simm.s32 $_scs_section_size  }
0x9a: {  	s5 =	simm.s32 $_size__tile_overlayer_lowered;
	s6 =	simm.s32 $_tile_overlayer_lowered  }
0x9b: {  	s22 =	simm.s32 $0x1BFF;
	s21 =	sshll.u32 s6, $0x1;
	s3 =	sadd.s32 s4, s19  }
0x9c: {  	s7 =	simm.s32 $0x0;
	s20 =	sshll.u32 s5, $0x1;
	s5 =	sadd.s32 s21, s3  }
0x9d: {  	[timem:s7], [sflag:s22] =	dma.local [hbm:s5], s20  }
0x9e: {  	_ =	swait.ge [sflag:s22], s20  }
0x9f: {  	s4 =	ssub.s32 $0x0, s20;
	[sflag:s22] =	ssyncset.done $0x0  }
0xa0: {  	[sflag:s22] =	ssyncadd.s32 s4;
	_ =	sdelay $0x1  }
0xa1: {  	s23 =	simm.s32 $0x1B8B  }
0xa2: {  	_ =	swait.ge [sflag:s23], $0x1  }
0xa3: {  	[sflag:s23] =	ssyncset.done $0x0  }
0xa4: {  	s25 =	simm.s32 $0x1B8E;
	s24 =	sld [smem:$0x3FFE];
	[sflag:s23] =	ssyncadd.s32 $0xFFFFFFFF  }
0xa5: {  	s26 =	simm.s32 $execute0_lowered;
	[smem:$0x3FD2] =	sst s25  }
0xa6: {  	s5 =	sshll.u32 s26, $0x1;
	_ =	strace $0x8000004C;
	[dreg:$0x1] =	wrdreg $0xFFFFFFFF  }
0xa7: {  	s28 =	simm.s32 $_size_execute0_lowered;
	s3 =	sadd.s32 s3, s5;
	[dreg:$0x0] =	wrdreg $0x0  }
0xa8: {  	s5 =	sshll.u32 s28, $0x1;
	[dreg:$0x2] =	wrdreg s3  }
0xa9: {  	[dreg:$0x3] =	wrdreg s5  }
0xaa: {  	[dreg:$0x4] =	wrdreg $0xC0  }
0xab: {  	_ =	task [dreg:s7], $0x5FFFF  }
0xac: {  	[dreg:$0x1] =	wrdreg $0xFFFFFFFF  }
0xad: {  	[dreg:$0x0] =	wrdreg $0x60  }
0xae: {  	[dreg:$0x2] =	wrdreg s2  }
0xaf: {  	[dreg:$0x3] =	wrdreg s24  }
0xb0: {  	[dreg:$0x4] =	wrdreg $0x41000  }
0xb1: {  	[dreg:$0x5] =	wrdreg $0x9  }
0xb2: {  	_ =	task.clear_ibuf [dreg:s7], $0x6FFFF;
	_ =	strace $0x9000004C  }
0xb3: {  	s29 =	simm.s32 $0x9;
	_ =	strace $0x8000004E  }
0xb4: {  	_ =	swait.ge [sflag:s29], $0x1  }
0xb5: {  	[sflag:s29] =	ssyncadd.s32 $0xFFFFFFFF  }
0xb6: {  	_ =	strace $0x9000004E  }
0xb7: {  	_ =	sfence  }
0xb8: {  	s30 =	sld [smem:$0x0];
	_ =	sdelay $0x2  }
0xb9: {  	s31 =	sshll.u32 s1, $0xD;
	s1 =	sshrl.u32 s1, $0x2  }
0xba: {  	s3 =	sand.u32 $0x4000, s31;
	s1 =	sadd.s32 s1, s30  }
0xbb: {  	s0 =	sor.u32 s3, s0;
	s1 =	sshll.u32 s1, $0x11  }
0xbc: {  	s0 =	sor.u32 s1, s0  }
0xbd: {  	s0 =	sadd.s32 $0x8F2B, s0  }
0xbe: {  	[sflag:s0] =	ssyncadd.remote.s32 $0x1  }
0xbf: {  	_ =	sfence.sel $0xFFFF  }
0xc0: {  	[dreg:$0x0] =	wrdreg $0xFFFFFFFF;
	(pc) =	sbr.abs _section_cstart, $3  }
0xc1: {  	[dreg:$0x1] =	wrdreg $0xFFFFFFFF  }
0xc2: {  	_ =	task.clear_ibuf [dreg:s7], $0x2FFFF;
	_ =	strace $0x9FFFFFFF  }
0xc3: {  	(tm) =	ssettm $0x7FFFFFFF  }
tec
execute0_lowered:
.L_overlay_start_1:
0x0: {  	(tag) =	ssettag $0x1  }
0x1: {  	s1 =	rddreg [dreg:$0x0]  }
0x2: {  	s0 =	rddreg [dreg:$0x1];
	s8 =	stileid.u32  }
0x3: {  	s4 =	srdreg.scid;
	s2 =	smul.u32 $0xA00, s8  }
0x4: {  	s3 =	rddreg [dreg:$0x2];
	s5 =	smul.u32 $0x2780, s8  }
0x5: {  	s30 =	simm.s32 $0x17D00;
	s6 =	sand.u32 $0x1, s4;
	s8 =	smul.u32 $0x4F000, s8  }
0x6: {  	s31 =	simm.s32 $0x2;
	s4 =	simm.s32 $0x0;
	s7 =	smul.u32 $0x27800, s6  }
0x7: {  	[smem:$0x7FF] =	sst s4;
	s19 =	ssub.s32 $0x2, s6;
	s26 =	smul.u32 $0x500, s6  }
0x8: {  	s6 =	simm.s32 $0x100;
	_ =	strace $0x8000004D;
	s2 =	sadd.s32 s2, s0  }
0x9: {  	s8 =	sshrl.u32 s8, $0x2;
	s9 =	sshrl.u32 s19, $0x1;
	s5 =	sadd.s32 s5, s7  }
0xa: {  	s7 =	ssub.s32 s19, s9;
	s0 =	sadd.s32 s5, s0;
	s5 =	sadd.s32 s8, s3  }
0xb: {  	s20 =	smax.u32 s7, $0x1;
	s7 =	simm.s32 $0x1;
	s8 =	sadd.s32 $0x13000, s5  }
0xc: {  	s0 =	sadd.s32 $0x8EC00, s0;
	[dreg:$0x6] =	wrdreg s20;
	s21 =	sadd.s32 $0x1000, s5  }
0xd: {  	s22 =	sadd.s32 $0x2000, s5;
	s23 =	sadd.s32 $0x3000, s5;
	[dreg:$0x4] =	wrdreg s8  }
0xe: {  	s24 =	sadd.s32 $0x4000, s5;
	s25 =	sadd.s32 $0x5000, s5;
	[dreg:$0x5] =	wrdreg s0  }
0xf: {  	s14 =	sadd.s32 $0x6000, s5;
	s15 =	sadd.s32 $0x7000, s5;
	[dreg:$0x7] =	wrdreg s21  }
0x10: {  	s16 =	sadd.s32 $0x8000, s5;
	s17 =	sadd.s32 $0x9000, s5;
	[dreg:$0x8] =	wrdreg s22  }
0x11: {  	s18 =	sadd.s32 $0xA000, s5;
	s19 =	sadd.s32 $0xB000, s5;
	[dreg:$0x9] =	wrdreg s23  }
0x12: {  	s20 =	sadd.s32 $0xC000, s5;
	s28 =	sadd.s32 $0x11000, s5;
	[dreg:$0xa] =	wrdreg s24  }
0x13: {  	s29 =	sadd.s32 $0x12000, s5;
	[dreg:$0xb] =	wrdreg s25;
	s21 =	sadd.s32 $0xD000, s5  }
0x14: {  	s22 =	sadd.s32 $0xE000, s5;
	s23 =	sadd.s32 $0xF000, s5;
	s0 =	sadd.s32 s26, s2  }
0x15: {  	s26 =	sadd.s32 $0x10000, s5;
	s2 =	simm.s32 $0x3;
	s8 =	simm.s32 $0x0  }
0x16: {  	v0 =	vimm.f32 $0.0e+00;
	s24 =	sadd.s32 $0x5DA00, s0;
	s25 =	sadd.s32 $0x53A00, s0;
	s0 =	simm.s32 $0x80  }
.LBB2_1:
0x17: {  	s9 =	simm.s32 $0x0;
	s10 =	simm.s32 $0x200  }
.LBB2_2:
0x18: {  	p0 =	sne.s32 s10, $0x3E00;
	[tilespmem:s9+$0x17D70] =	vst v0  }
0x19: {  	[tilespmem:s9+$0x17D00] =	vst v0  }
0x1a: {  	[tilespmem:s9+$0x17D10] =	vst v0  }
.Ltmp0:
0x1b: {  	[tilespmem:s9+$0x17D20] =	vst v0;
	(pc) =	sbr.rel @p0 .LBB2_2-.Ltmp0, $4  }
0x1c: {  	[tilespmem:s9+$0x17D30] =	vst v0  }
0x1d: {  	[tilespmem:s9+$0x17D40] =	vst v0  }
0x1e: {  	[tilespmem:s9+$0x17D50] =	vst v0  }
0x1f: {  	[tilespmem:s9+$0x17D60] =	vst v0;
	s9 =	sshra.s32 s10, $0x2;
	s10 =	sadd.s32 $0x200, s10  }
0x20: {  	[tilespmem:s9+$0x17D70] =	vst v0  }
0x21: {  	[tilespmem:s9+$0x17D00] =	vst v0  }
0x22: {  	[tilespmem:s9+$0x17D10] =	vst v0  }
0x23: {  	[tilespmem:s9+$0x17D20] =	vst v0  }
0x24: {  	[tilespmem:s9+$0x17D30] =	vst v0  }
0x25: {  	[tilespmem:s9+$0x17D40] =	vst v0  }
0x26: {  	[tilespmem:s9+$0x17D50] =	vst v0  }
0x27: {  	[tilespmem:s9+$0x17D60] =	vst v0  }
0x28: {  	[spmem:s5] =	stream.linear.scatter [tilespmem:s30], [sflag:$0x2], $0x1000, $0x38;
	[tilespmem:$0x18D00] =	vst v63  }
0x29: {  	s10 =	rddreg [dreg:$0x7]  }
0x2a: {  	[spmem:s10] =	stream.linear.scatter [tilespmem:s30], [sflag:$0x2], $0x1000, $0x38;
	[tilespmem:$0x18D00] =	vst v63  }
0x2b: {  	s11 =	rddreg [dreg:$0x8]  }
0x2c: {  	[spmem:s11] =	stream.linear.scatter [tilespmem:s30], [sflag:$0x2], $0x1000, $0x38;
	[tilespmem:$0x18D00] =	vst v63  }
0x2d: {  	s12 =	rddreg [dreg:$0x9]  }
0x2e: {  	[spmem:s12] =	stream.linear.scatter [tilespmem:s30], [sflag:$0x2], $0x1000, $0x38;
	[tilespmem:$0x18D00] =	vst v63  }
0x2f: {  	s13 =	rddreg [dreg:$0xa]  }
0x30: {  	[spmem:s13] =	stream.linear.scatter [tilespmem:s30], [sflag:$0x2], $0x1000, $0x38;
	[tilespmem:$0x18D00] =	vst v63  }
0x31: {  	s10 =	rddreg [dreg:$0xb]  }
0x32: {  	[spmem:s10] =	stream.linear.scatter [tilespmem:s30], [sflag:$0x2], $0x1000, $0x38;
	[tilespmem:$0x18D00] =	vst v63  }
0x33: {  	_ = 	snop  }
0x34: {  	[spmem:s14] =	stream.linear.scatter [tilespmem:s30], [sflag:$0x2], $0x1000, $0x38;
	[tilespmem:$0x18D00] =	vst v63  }
0x35: {  	_ = 	snop  }
0x36: {  	[spmem:s15] =	stream.linear.scatter [tilespmem:s30], [sflag:$0x2], $0x1000, $0x38;
	[tilespmem:$0x18D00] =	vst v63  }
0x37: {  	_ = 	snop  }
0x38: {  	[spmem:s16] =	stream.linear.scatter [tilespmem:s30], [sflag:$0x2], $0x1000, $0x38;
	[tilespmem:$0x18D00] =	vst v63  }
0x39: {  	_ = 	snop  }
0x3a: {  	[spmem:s17] =	stream.linear.scatter [tilespmem:s30], [sflag:$0x2], $0x1000, $0x38;
	[tilespmem:$0x18D00] =	vst v63  }
0x3b: {  	_ = 	snop  }
0x3c: {  	[spmem:s18] =	stream.linear.scatter [tilespmem:s30], [sflag:$0x2], $0x1000, $0x38;
	[tilespmem:$0x18D00] =	vst v63  }
0x3d: {  	_ = 	snop  }
0x3e: {  	[spmem:s19] =	stream.linear.scatter [tilespmem:s30], [sflag:$0x2], $0x1000, $0x38;
	[tilespmem:$0x18D00] =	vst v63  }
0x3f: {  	_ = 	snop  }
0x40: {  	[spmem:s20] =	stream.linear.scatter [tilespmem:s30], [sflag:$0x2], $0x1000, $0x38;
	[tilespmem:$0x18D00] =	vst v63  }
0x41: {  	_ = 	snop  }
0x42: {  	[spmem:s21] =	stream.linear.scatter [tilespmem:s30], [sflag:$0x2], $0x1000, $0x38;
	[tilespmem:$0x18D00] =	vst v63  }
0x43: {  	_ = 	snop  }
0x44: {  	[spmem:s22] =	stream.linear.scatter [tilespmem:s30], [sflag:$0x2], $0x1000, $0x38;
	[tilespmem:$0x18D00] =	vst v63  }
0x45: {  	_ = 	snop  }
0x46: {  	[spmem:s23] =	stream.linear.scatter [tilespmem:s30], [sflag:$0x2], $0x1000, $0x38;
	[tilespmem:$0x18D00] =	vst v63  }
0x47: {  	_ = 	snop  }
0x48: {  	[spmem:s26] =	stream.linear.scatter [tilespmem:s30], [sflag:$0x2], $0x1000, $0x38;
	[tilespmem:$0x18D00] =	vst v63  }
0x49: {  	_ = 	snop  }
0x4a: {  	[spmem:s28] =	stream.linear.scatter [tilespmem:s30], [sflag:$0x2], $0x1000, $0x38;
	[tilespmem:$0x18D00] =	vst v63  }
0x4b: {  	_ = 	snop  }
0x4c: {  	[spmem:s29] =	stream.linear.scatter [tilespmem:s30], [sflag:$0x2], $0x1000, $0x38;
	[tilespmem:$0x18D00] =	vst v63  }
0x4d: {  	s11 =	rddreg [dreg:$0x4]  }
0x4e: {  	[spmem:s11] =	stream.linear.scatter [tilespmem:s30], [sflag:$0x2], $0xC00, $0x38;
	[tilespmem:$0x18D00] =	vst v63  }
0x4f: {  	_ =	swait.ge [sflag:s31], $0x1000  }
0x50: {  	[sflag:s31] =	ssyncset.done $0x0  }
0x51: {  	[sflag:s31] =	ssyncadd.s32 $0xFFFFF000  }
0x52: {  	_ =	swait.ge [sflag:s31], $0x1000  }
0x53: {  	[sflag:s31] =	ssyncset.done $0x0  }
0x54: {  	[sflag:s31] =	ssyncadd.s32 $0xFFFFF000  }
0x55: {  	_ =	swait.ge [sflag:s31], $0x1000  }
0x56: {  	[sflag:s31] =	ssyncset.done $0x0  }
0x57: {  	[sflag:s31] =	ssyncadd.s32 $0xFFFFF000  }
0x58: {  	_ =	swait.ge [sflag:s31], $0x1000  }
0x59: {  	[sflag:s31] =	ssyncset.done $0x0  }
0x5a: {  	[sflag:s31] =	ssyncadd.s32 $0xFFFFF000  }
0x5b: {  	_ =	swait.ge [sflag:s31], $0x1000  }
0x5c: {  	[sflag:s31] =	ssyncset.done $0x0  }
0x5d: {  	[sflag:s31] =	ssyncadd.s32 $0xFFFFF000  }
0x5e: {  	_ =	swait.ge [sflag:s31], $0x1000  }
0x5f: {  	[sflag:s31] =	ssyncset.done $0x0  }
0x60: {  	[sflag:s31] =	ssyncadd.s32 $0xFFFFF000  }
0x61: {  	_ =	swait.ge [sflag:s31], $0x1000  }
0x62: {  	[sflag:s31] =	ssyncset.done $0x0  }
0x63: {  	[sflag:s31] =	ssyncadd.s32 $0xFFFFF000  }
0x64: {  	_ =	swait.ge [sflag:s31], $0x1000  }
0x65: {  	[sflag:s31] =	ssyncset.done $0x0  }
0x66: {  	[sflag:s31] =	ssyncadd.s32 $0xFFFFF000  }
0x67: {  	_ =	swait.ge [sflag:s31], $0x1000  }
0x68: {  	[sflag:s31] =	ssyncset.done $0x0  }
0x69: {  	[sflag:s31] =	ssyncadd.s32 $0xFFFFF000  }
0x6a: {  	_ =	swait.ge [sflag:s31], $0x1000  }
0x6b: {  	[sflag:s31] =	ssyncset.done $0x0  }
0x6c: {  	[sflag:s31] =	ssyncadd.s32 $0xFFFFF000  }
0x6d: {  	_ =	swait.ge [sflag:s31], $0x1000  }
0x6e: {  	[sflag:s31] =	ssyncset.done $0x0  }
0x6f: {  	[sflag:s31] =	ssyncadd.s32 $0xFFFFF000  }
0x70: {  	_ =	swait.ge [sflag:s31], $0x1000  }
0x71: {  	[sflag:s31] =	ssyncset.done $0x0  }
0x72: {  	[sflag:s31] =	ssyncadd.s32 $0xFFFFF000  }
0x73: {  	_ =	swait.ge [sflag:s31], $0x1000  }
0x74: {  	[sflag:s31] =	ssyncset.done $0x0  }
0x75: {  	[sflag:s31] =	ssyncadd.s32 $0xFFFFF000  }
0x76: {  	_ =	swait.ge [sflag:s31], $0x1000  }
0x77: {  	[sflag:s31] =	ssyncset.done $0x0  }
0x78: {  	[sflag:s31] =	ssyncadd.s32 $0xFFFFF000  }
0x79: {  	_ =	swait.ge [sflag:s31], $0x1000  }
0x7a: {  	[sflag:s31] =	ssyncset.done $0x0  }
0x7b: {  	[sflag:s31] =	ssyncadd.s32 $0xFFFFF000  }
0x7c: {  	_ =	swait.ge [sflag:s31], $0x1000  }
0x7d: {  	[sflag:s31] =	ssyncset.done $0x0  }
0x7e: {  	[sflag:s31] =	ssyncadd.s32 $0xFFFFF000  }
0x7f: {  	_ =	swait.ge [sflag:s31], $0x1000  }
0x80: {  	[sflag:s31] =	ssyncset.done $0x0  }
0x81: {  	[sflag:s31] =	ssyncadd.s32 $0xFFFFF000  }
0x82: {  	_ =	swait.ge [sflag:s31], $0x1000  }
0x83: {  	[sflag:s31] =	ssyncset.done $0x0  }
0x84: {  	[sflag:s31] =	ssyncadd.s32 $0xFFFFF000  }
0x85: {  	_ =	swait.ge [sflag:s31], $0x1000  }
0x86: {  	[sflag:s31] =	ssyncset.done $0x0  }
0x87: {  	[sflag:s31] =	ssyncadd.s32 $0xFFFFF000  }
0x88: {  	_ =	swait.ge [sflag:s31], $0xC00  }
0x89: {  	[sflag:s31] =	ssyncset.done $0x0  }
0x8a: {  	[sflag:s31] =	ssyncadd.s32 $0xFFFFF400  }
0x8b: {  	s12 =	sadd.s32 $0x0, s25;
	[bflag:$0x0] =	sbarrier.arrive $0xFFFF  }
0x8c: {  	[tilespmem:s4], [sflag:$0x3] =	stream.linear.gather [hbm4b:s12+s4], $0x80, $0x38;
	[tilespmem:$0x18D00] =	vst v63  }
0x8d: {  	_ =	swait.ge [sflag:s2], $0x80  }
0x8e: {  	[sflag:s2] =	ssyncset.done $0x0  }
0x8f: {  	s13 =	sadd.s32 $0x0, s24;
	[sflag:s2] =	ssyncadd.s32 $0xFFFFFF80  }
0x90: {  	[tilespmem:s0], [sflag:$0x3] =	stream.linear.gather [hbm4b:s13+s4], $0x80, $0x38;
	[tilespmem:$0x18D00] =	vst v63  }
0x91: {  	_ =	swait.ge [sflag:s2], $0x80  }
0x92: {  	[sflag:s2] =	ssyncset.done $0x0  }
0x93: {  	[sflag:s2] =	ssyncadd.s32 $0xFFFFFF80  }
0x94: {  	[tilespmem:s6], [sflag:$0x1] =	stream.indirect.gather [hbm4b:s1+s0], $0x80, s4, s0, $0xb8;
	[tilespmem:$0x18D00] =	vst v63  }
0x95: {  	_ =	swait.ge [sflag:s7], $0x4000  }
0x96: {  	[sflag:s7] =	ssyncset.done $0x0  }
0x97: {  	[sflag:s7] =	ssyncadd.s32 $0xFFFFC000  }
0x98: {  	[spmem:s3] =	stream.indirect.scatter.add.f32 [tilespmem:s6], [sflag:$0x3], $0x80, s0, s0, $0xb8;
	[tilespmem:$0x18D00] =	vst v63  }
0x99: {  	_ =	swait.ge [sflag:s2], $0x4000  }
0x9a: {  	s9 =	simm.s32 $0x10;
	s10 =	simm.s32 $0x20;
	[sflag:s2] =	ssyncset.done $0x0  }
.LBB2_4:
0x9b: {  	s11 =	sadd.s32 s9, s25  }
0x9c: {  	[sflag:s2] =	ssyncadd.s32 $0xFFFFC000;
	s12 =	smov.u32 s10;
	s13 =	sadd.s32 $0x10, s10  }
0x9d: {  	[tilespmem:s4], [sflag:$0x3] =	stream.linear.gather [hbm4b:s11+s4], $0x80, $0x38;
	[tilespmem:$0x18D00] =	vst v63  }
0x9e: {  	p0 =	sne.s32 s10, $0x4F0;
	_ =	swait.ge [sflag:s2], $0x80  }
0x9f: {  	[sflag:s2] =	ssyncset.done $0x0  }
0xa0: {  	s10 =	sadd.s32 s9, s24;
	s9 =	smov.u32 s12;
	[sflag:s2] =	ssyncadd.s32 $0xFFFFFF80  }
0xa1: {  	[tilespmem:s0], [sflag:$0x3] =	stream.linear.gather [hbm4b:s10+s4], $0x80, $0x38;
	[tilespmem:$0x18D00] =	vst v63  }
0xa2: {  	_ =	swait.ge [sflag:s2], $0x80  }
0xa3: {  	[sflag:s2] =	ssyncset.done $0x0  }
0xa4: {  	[sflag:s2] =	ssyncadd.s32 $0xFFFFFF80  }
0xa5: {  	[tilespmem:s6], [sflag:$0x1] =	stream.indirect.gather [hbm4b:s1+s0], $0x80, s4, s0, $0xb8;
	[tilespmem:$0x18D00] =	vst v63  }
0xa6: {  	_ =	swait.ge [sflag:s7], $0x4000  }
.Ltmp1:
0xa7: {  	[sflag:s7] =	ssyncset.done $0x0;
	(pc) =	sbr.rel @p0 .LBB2_4-.Ltmp1, $4  }
0xa8: {  	[sflag:s7] =	ssyncadd.s32 $0xFFFFC000  }
0xa9: {  	[spmem:s3] =	stream.indirect.scatter.add.f32 [tilespmem:s6], [sflag:$0x3], $0x80, s0, s0, $0xb8;
	[tilespmem:$0x18D00] =	vst v63  }
0xaa: {  	_ =	swait.ge [sflag:s2], $0x4000  }
0xab: {  	s10 =	smov.u32 s13;
	[sflag:s2] =	ssyncset.done $0x0  }
0xac: {  	s10 =	sadd.s32 s9, s25;
	[sflag:s2] =	ssyncadd.s32 $0xFFFFC000  }
0xad: {  	[tilespmem:s4], [sflag:$0x3] =	stream.linear.gather [hbm4b:s10+s4], $0x80, $0x38;
	[tilespmem:$0x18D00] =	vst v63  }
0xae: {  	_ =	swait.ge [sflag:s2], $0x80  }
0xaf: {  	[sflag:s2] =	ssyncset.done $0x0  }
0xb0: {  	s10 =	sadd.s32 s9, s24;
	[sflag:s2] =	ssyncadd.s32 $0xFFFFFF80  }
0xb1: {  	[tilespmem:s0], [sflag:$0x3] =	stream.linear.gather [hbm4b:s10+s4], $0x80, $0x38;
	[tilespmem:$0x18D00] =	vst v63  }
0xb2: {  	_ =	swait.ge [sflag:s2], $0x80  }
0xb3: {  	[sflag:s2] =	ssyncset.done $0x0  }
0xb4: {  	[sflag:s2] =	ssyncadd.s32 $0xFFFFFF80  }
0xb5: {  	[tilespmem:s6], [sflag:$0x1] =	stream.indirect.gather [hbm4b:s1+s0], $0x80, s4, s0, $0xb8;
	[tilespmem:$0x18D00] =	vst v63  }
0xb6: {  	_ =	swait.ge [sflag:s7], $0x4000  }
0xb7: {  	[sflag:s7] =	ssyncset.done $0x0  }
0xb8: {  	[sflag:s7] =	ssyncadd.s32 $0xFFFFC000  }
0xb9: {  	[spmem:s3] =	stream.indirect.scatter.add.f32 [tilespmem:s6], [sflag:$0x3], $0x80, s0, s0, $0xb8;
	[tilespmem:$0x18D00] =	vst v63  }
0xba: {  	_ =	swait.ge [sflag:s2], $0x4000  }
0xbb: {  	[sflag:s2] =	ssyncset.done $0x0  }
0xbc: {  	s11 =	stileid.u32;
	[sflag:s2] =	ssyncadd.s32 $0xFFFFC000  }
0xbd: {  	s9 =	sshll.u32 s11, $0x6;
	[bflag:$0x0] =	sbarrier.arrive $0xFFFF  }
0xbe: {  	s12 =	sshrl.u32 s5, $0x3;
	s9 =	sor.u32 $0x1C03, s9;
	s11 =	rddreg [dreg:$0x5]  }
0xbf: {  	[hbm:s11], [sflag:s9] =	dma.local [spmem:s12], $0x2780  }
0xc0: {  	_ =	swait.ge [sflag:s2], $0x2780  }
0xc1: {  	s8 =	sadd.s32 $0x1, s8;
	s13 =	rddreg [dreg:$0x6]  }
0xc2: {  	p0 =	sne.s32 s8, s13  }
.Ltmp2:
0xc3: {  	_ = 	snop;
	(pc) =	sbr.rel @p0 .LBB2_1-.Ltmp2, $3  }
0xc4: {  	_ =	sdelay $0x1  }
0xc5: {  	[sflag:s2] =	ssyncset.done $0x0  }
0xc6: {  	[sflag:s2] =	ssyncadd.s32 $0xFFFFD880  }
0xc7: {  	_ =	sfence.sel $0x180000  }
0xc8: {  	[bflag:$0x0] =	sbarrier.arrive $0xFFFF  }
0xc9: {  	_ =	strace $0x9000004D  }
0xca: {  	s0 =	stileid.u32;
	[bflag:$0x2] =	sbarrier.arrive $0xFFFF  }
0xcb: {  	p0 =	sne.s32 s0, $0x0;
	s0 =	rddreg [dreg:$0x3]  }
0xcc: {  	s0 =	sadd.s32 @!p0 $0x100000, s0  }
0xcd: {  	[sflag:s0] =	ssyncadd.tile.s32 @!p0 $0x1;
	_ =	shalt  }
.Lfunc_end2:
_tile_overlayer_lowered:
.L_overlay_start_2:
0xce: {  	(tag) =	ssettag $0x2  }
0xcf: {  	s0 =	rddreg [dreg:$0x0];
	s2 =	stileid.u32  }
0xd0: {  	s1 =	rddreg [dreg:$0x1];
	p0 =	sne.s32 s2, $0x0  }
0xd1: {  	s3 =	rddreg [dreg:$0x2];
	[bflag:$0x3] =	sbarrier.arrive $0xFFFF;
	s2 =	simm.s32 @!p0 $0x1C03  }
0xd2: {  	[timem:s3], [sflag:s2] =	dma.local @!p0 [hbm:s0], s1  }
0xd3: {  	s0 =	simm.s32 @!p0 $0x3  }
0xd4: {  	_ =	swait.ge @!p0 [sflag:s0], s1  }
0xd5: {  	s1 =	ssub.s32 @!p0 $0x0, s1;
	[sflag:s0] =	ssyncset.done @!p0 $0x0  }
0xd6: {  	[sflag:s0] =	ssyncadd.s32 @!p0 s1  }
0xd7: {  	[bflag:$0x3] =	sbarrier.arrive $0xFFFF  }
0xd8: {  	_ =	shalt  }

// kernel: kernel.21.cloned.1.call-start
scs
__scs_entry_jumppad:
0x0: {  	(pc) =	sbr.rel $0x88, $3  }
0x1: {  	(tag) =	ssettag $0x0;
	lr =	simm.s32 $0x1  }
0x2: {  	[smem:$0x3F94] =	sst lr;
	_ =	strace $0xD0000000  }
0x3: {  	_ = 	snop  }
0x4: {  	_ = 	snop  }
0x5: {  	_ = 	snop  }
0x6: {  	_ = 	snop  }
0x7: {  	_ = 	snop  }
__scs_overlays_trampoline_lowered:
0x8: {  	[smem:$0x3FA3] =	sst s0  }
0x9: {  	[smem:$0x3FA4] =	sst s1  }
0xa: {  	[smem:$0x3FA5] =	sst s2  }
0xb: {  	[smem:$0x3FA6] =	sst s3  }
0xc: {  	[smem:$0x3FA7] =	sst s4  }
0xd: {  	[smem:$0x3FA8] =	sst s5  }
0xe: {  	[smem:$0x3FA9] =	sst s6  }
0xf: {  	[smem:$0x3FAA] =	sst s7  }
0x10: {  	[smem:$0x3FAB] =	sst s8  }
0x11: {  	[smem:$0x3FAC] =	sst s9;
	s0 =	simm.s32 @!p0 $0x0  }
0x12: {  	s1 =	sld [smem:$0x3F92];
	s0 =	simm.s32 @p0 $0x1  }
0x13: {  	[smem:$0x3FAD] =	sst s0;
	s0 =	simm.s32 @!p1 $0x0  }
0x14: {  	s2 =	sld [smem:$0x3F91];
	s0 =	simm.s32 @p1 $0x1  }
0x15: {  	[smem:$0x3FAE] =	sst s0;
	s0 =	simm.s32 @!p2 $0x0  }
0x16: {  	s3 =	sld [smem:$0x3FDB];
	s0 =	simm.s32 @p2 $0x1  }
0x17: {  	s4 =	simm.s32 $0x1BF5;
	[smem:$0x3FB0] =	sst s0  }
0x18: {  	s0 =	sld [smem:$0x3F93];
	_ =	swait.ge [sflag:s4], $0x0  }
0x19: {  	s7 =	sld [smem:$0x3F94]  }
0x1a: {  	s8 =	sadd.s32 $0xFFFFE003, lr  }
0x1b: {  	s9 =	sadd.s32 $0xFFFFFEF7, lr;
	s5 =	simm.s32 $0xFFFFFFFF;
	p2 =	slt.u32 s8, $0xFFFFF086  }
0x1c: {  	p1 =	slt.u32 s9, $0xF7A;
	s5 =	simm.s32 @!p2 $0x0  }
0x1d: {  	s5 =	simm.s32 @p1 $0x1;
	p0 =	seq.s32 s7, s2  }
0x1e: {  	s7 =	smul.u32 @!p0 $0xF7A, s2;
	p2 =	seq.s32 @!p0 s5, $0x0  }
0x1f: {  	s9 =	smul.u32 $0xF7A, s1;
	s8 =	simm.s32 @!p0 $0x1BF5;
	p2 =	por !p2, p0  }
0x20: {  	[sflag:s8] =	ssyncset.s32 @!p0 $0xFFFFF086;
	s6 =	sadd.s32 @!p0 s3, s7;
	s7 =	simm.s32 @!p0 $0x108  }
0x21: {  	s3 =	sadd.s32 s3, s9;
	s6 =	sadd.s32 @!p0 $0x88, s6;
	s7 =	simm.s32 @p2 $0x1082  }
0x22: {  	[simem:s7], [sflag:s8] =	dma.local @!p0 [hbm:s6], $0xF7A  }
0x23: {  	s9 =	sor.u32 $0xD0000000, s2;
	s6 =	simm.s32 $0x108;
	_ =	swait.ge @!p0 [sflag:s8], $0x0  }
0x24: {  	s3 =	sadd.s32 $0x88, s3;
	s6 =	simm.s32 @!p1 $0x1082;
	[sflag:s4] =	ssyncset.s32 $0xFFFFF086  }
0x25: {  	[simem:s6], [sflag:s4] =	dma.local [hbm:s3], $0xF7A  }
0x26: {  	[smem:$0x3F94] =	sst s1;
	(tag) =	ssettag s2;
	_ =	strace s9  }
0x27: {  	s1 =	sld [smem:$0x3FA4]  }
0x28: {  	s2 =	sld [smem:$0x3FA5]  }
0x29: {  	s4 =	sld [smem:$0x3FA7]  }
0x2a: {  	p0 =	seq.s32 s5, $0x0;
	s5 =	sld [smem:$0x3FA8]  }
0x2b: {  	s6 =	sld [smem:$0x3FA9]  }
0x2c: {  	s7 =	sld [smem:$0x3FAA]  }
0x2d: {  	s3 =	simm.s32 $0x108;
	s8 =	sld [smem:$0x3FAB]  }
0x2e: {  	s3 =	simm.s32 @!p0 $0x1082;
	s9 =	sld [smem:$0x3FAC]  }
0x2f: {  	lr =	sadd.s32 s0, s3;
	s0 =	sld [smem:$0x3FA3]  }
0x30: {  	s3 =	sld [smem:$0x3FA6]  }
0x31: {  	[smem:$0x3FAF] =	sst s10  }
0x32: {  	s10 =	sld [smem:$0x3FAD];
	_ =	sdelay $0x3  }
0x33: {  	p0 =	seq.s32 s10, $0x1;
	s10 =	sld [smem:$0x3FAF];
	_ =	sdelay $0x3  }
0x34: {  	[smem:$0x3FAF] =	sst s10  }
0x35: {  	s10 =	sld [smem:$0x3FAE];
	_ =	sdelay $0x3  }
0x36: {  	p1 =	seq.s32 s10, $0x1;
	s10 =	sld [smem:$0x3FAF];
	_ =	sdelay $0x3  }
0x37: {  	[smem:$0x3FAF] =	sst s10  }
0x38: {  	s10 =	sld [smem:$0x3FB0]  }
0x39: {  	_ = 	snop;
	(pc) =	sbr.ind lr, $3  }
0x3a: {  	_ = 	snop  }
0x3b: {  	_ = 	snop  }
0x3c: {  	p2 =	seq.s32 s10, $0x1;
	s10 =	sld [smem:$0x3FAF]  }
0x3d: {  	_ =	shalt  }
0x3e: {  	_ =	shalt  }
0x3f: {  	_ =	shalt  }
0x40: {  	_ =	shalt  }
0x41: {  	_ =	shalt  }
0x42: {  	_ =	shalt  }
0x43: {  	_ =	shalt  }
0x44: {  	_ =	shalt  }
0x45: {  	_ =	shalt  }
0x46: {  	_ =	shalt  }
0x47: {  	_ =	shalt  }
0x48: {  	_ =	shalt  }
0x49: {  	_ =	shalt  }
0x4a: {  	_ =	shalt  }
0x4b: {  	_ =	shalt  }
0x4c: {  	_ =	shalt  }
0x4d: {  	_ =	shalt  }
0x4e: {  	_ =	shalt  }
0x4f: {  	_ =	shalt  }
0x50: {  	_ =	shalt  }
0x51: {  	_ =	shalt  }
0x52: {  	_ =	shalt  }
0x53: {  	_ =	shalt  }
0x54: {  	_ =	shalt  }
0x55: {  	_ =	shalt  }
0x56: {  	_ =	shalt  }
0x57: {  	_ =	shalt  }
0x58: {  	_ =	shalt  }
0x59: {  	_ =	shalt  }
0x5a: {  	_ =	shalt  }
0x5b: {  	_ =	shalt  }
0x5c: {  	_ =	shalt  }
0x5d: {  	_ =	shalt  }
0x5e: {  	_ =	shalt  }
0x5f: {  	_ =	shalt  }
0x60: {  	_ =	shalt  }
0x61: {  	_ =	shalt  }
0x62: {  	_ =	shalt  }
0x63: {  	_ =	shalt  }
0x64: {  	_ =	shalt  }
0x65: {  	_ =	shalt  }
0x66: {  	_ =	shalt  }
0x67: {  	_ =	shalt  }
0x68: {  	_ =	shalt  }
0x69: {  	_ =	shalt  }
0x6a: {  	_ =	shalt  }
0x6b: {  	_ =	shalt  }
0x6c: {  	_ =	shalt  }
0x6d: {  	_ =	shalt  }
0x6e: {  	_ =	shalt  }
0x6f: {  	_ =	shalt  }
0x70: {  	_ =	shalt  }
0x71: {  	_ =	shalt  }
0x72: {  	_ =	shalt  }
0x73: {  	_ =	shalt  }
0x74: {  	_ =	shalt  }
0x75: {  	_ =	shalt  }
0x76: {  	_ =	shalt  }
0x77: {  	_ =	shalt  }
0x78: {  	_ =	shalt  }
0x79: {  	_ =	shalt  }
0x7a: {  	_ =	shalt  }
0x7b: {  	_ =	shalt  }
0x7c: {  	_ =	shalt  }
0x7d: {  	_ =	shalt  }
0x7e: {  	_ =	shalt  }
0x7f: {  	_ =	shalt  }
0x80: {  	_ =	shalt  }
0x81: {  	_ =	shalt  }
0x82: {  	_ =	shalt  }
0x83: {  	_ =	shalt  }
0x84: {  	_ =	shalt  }
0x85: {  	_ =	shalt  }
0x86: {  	_ =	shalt  }
0x87: {  	_ =	shalt  }
.Lfunc_end0:
.L_simem_size_0:
called_computation.3_lowered:
.L_overlay_start_0:
0x88: {  	s2 =	sld [smem:$0x3FD9]  }
0x89: {  	s3 =	sld [smem:$0x3FFE];
	_ =	sdelay $0x1  }
0x8a: {  	s1 =	srdreg.scid  }
0x8b: {  	s0 =	sand.u32 $0x1, s1  }
0x8c: {  	s17 =	sshll.u32 s0, $0xA;
	s2 =	sadd.s32 s3, s2  }
0x8d: {  	s2 =	sadd.s32 s2, s17  }
0x8e: {  	[smem:$0x3FBB] =	sst s2  }
0x8f: {  	_ = 	snop  }
0x90: {  	s2 =	sld [smem:$0x3FD0];
	(tm) =	ssettm $0x1  }
0x91: {  	s18 =	sld [smem:$0x3FFB];
	_ =	sdelay $0x3  }
0x92: {  	_ =	strace s18  }
0x93: {  	s3 =	sld [smem:$0x3FFC];
	_ =	sdelay $0x3  }
0x94: {  	_ =	strace s3  }
0x95: {  	s3 =	sld [smem:$0x3FFD];
	_ =	sdelay $0x3  }
0x96: {  	_ =	strace s3  }
0x97: {  	_ =	strace $0x8FFFFFFF  }
0x98: {  	s19 =	sld [smem:$0x3FDB];
	_ =	sdelay $0x1  }
0x99: {  	s4 =	simm.s32 $_scs_section_size  }
0x9a: {  	s5 =	simm.s32 $_size__tile_overlayer_lowered;
	s6 =	simm.s32 $_tile_overlayer_lowered  }
0x9b: {  	s22 =	simm.s32 $0x1BFF;
	s21 =	sshll.u32 s6, $0x1;
	s3 =	sadd.s32 s4, s19  }
0x9c: {  	s7 =	simm.s32 $0x0;
	s20 =	sshll.u32 s5, $0x1;
	s5 =	sadd.s32 s21, s3  }
0x9d: {  	[timem:s7], [sflag:s22] =	dma.local [hbm:s5], s20  }
0x9e: {  	_ =	swait.ge [sflag:s22], s20  }
0x9f: {  	s4 =	ssub.s32 $0x0, s20;
	[sflag:s22] =	ssyncset.done $0x0  }
0xa0: {  	[sflag:s22] =	ssyncadd.s32 s4;
	_ =	sdelay $0x1  }
0xa1: {  	s23 =	simm.s32 $0x1B8B  }
0xa2: {  	_ =	swait.ge [sflag:s23], $0x1  }
0xa3: {  	[sflag:s23] =	ssyncset.done $0x0  }
0xa4: {  	s25 =	simm.s32 $0x1B8E;
	s24 =	sld [smem:$0x3FFE];
	[sflag:s23] =	ssyncadd.s32 $0xFFFFFFFF  }
0xa5: {  	s26 =	simm.s32 $execute0_lowered;
	[smem:$0x3FD2] =	sst s25  }
0xa6: {  	s5 =	sshll.u32 s26, $0x1;
	_ =	strace $0x8000004F;
	[dreg:$0x1] =	wrdreg $0xFFFFFFFF  }
0xa7: {  	s28 =	simm.s32 $_size_execute0_lowered;
	s3 =	sadd.s32 s3, s5;
	[dreg:$0x0] =	wrdreg $0x0  }
0xa8: {  	s5 =	sshll.u32 s28, $0x1;
	[dreg:$0x2] =	wrdreg s3  }
0xa9: {  	[dreg:$0x3] =	wrdreg s5  }
0xaa: {  	[dreg:$0x4] =	wrdreg $0xC0  }
0xab: {  	_ =	task [dreg:s7], $0x5FFFF  }
0xac: {  	[dreg:$0x1] =	wrdreg $0xFFFFFFFF  }
0xad: {  	[dreg:$0x0] =	wrdreg $0x60  }
0xae: {  	[dreg:$0x2] =	wrdreg s2  }
0xaf: {  	[dreg:$0x3] =	wrdreg s24  }
0xb0: {  	[dreg:$0x4] =	wrdreg $0x41000  }
0xb1: {  	[dreg:$0x5] =	wrdreg $0x9  }
0xb2: {  	_ =	task.clear_ibuf [dreg:s7], $0x6FFFF;
	_ =	strace $0x9000004F  }
0xb3: {  	s29 =	simm.s32 $0x9;
	_ =	strace $0x80000051  }
0xb4: {  	_ =	swait.ge [sflag:s29], $0x1  }
0xb5: {  	[sflag:s29] =	ssyncadd.s32 $0xFFFFFFFF  }
0xb6: {  	_ =	strace $0x90000051  }
0xb7: {  	_ =	sfence  }
0xb8: {  	s30 =	sld [smem:$0x0];
	_ =	sdelay $0x2  }
0xb9: {  	s31 =	sshll.u32 s1, $0xD;
	s1 =	sshrl.u32 s1, $0x2  }
0xba: {  	s3 =	sand.u32 $0x4000, s31;
	s1 =	sadd.s32 s1, s30  }
0xbb: {  	s0 =	sor.u32 s3, s0;
	s1 =	sshll.u32 s1, $0x11  }
0xbc: {  	s0 =	sor.u32 s1, s0  }
0xbd: {  	s0 =	sadd.s32 $0x8F2B, s0  }
0xbe: {  	[sflag:s0] =	ssyncadd.remote.s32 $0x1  }
0xbf: {  	_ =	sfence.sel $0xFFFF  }
0xc0: {  	[dreg:$0x0] =	wrdreg $0xFFFFFFFF;
	(pc) =	sbr.abs _section_cstart, $3  }
0xc1: {  	[dreg:$0x1] =	wrdreg $0xFFFFFFFF  }
0xc2: {  	_ =	task.clear_ibuf [dreg:s7], $0x2FFFF;
	_ =	strace $0x9FFFFFFF  }
0xc3: {  	(tm) =	ssettm $0x7FFFFFFF  }
tec
execute0_lowered:
.L_overlay_start_1:
0x0: {  	(tag) =	ssettag $0x1  }
0x1: {  	s1 =	rddreg [dreg:$0x0]  }
0x2: {  	s0 =	rddreg [dreg:$0x1];
	s8 =	stileid.u32  }
0x3: {  	s4 =	srdreg.scid;
	s2 =	smul.u32 $0xA00, s8  }
0x4: {  	s3 =	rddreg [dreg:$0x2];
	s5 =	smul.u32 $0x2780, s8  }
0x5: {  	s30 =	simm.s32 $0x17D00;
	s6 =	sand.u32 $0x1, s4;
	s8 =	smul.u32 $0x4F000, s8  }
0x6: {  	s31 =	simm.s32 $0x2;
	s4 =	simm.s32 $0x0;
	s7 =	smul.u32 $0x27800, s6  }
0x7: {  	[smem:$0x7FF] =	sst s4;
	s19 =	ssub.s32 $0x2, s6;
	s26 =	smul.u32 $0x500, s6  }
0x8: {  	s6 =	simm.s32 $0x100;
	_ =	strace $0x80000050;
	s2 =	sadd.s32 s2, s0  }
0x9: {  	s8 =	sshrl.u32 s8, $0x2;
	s9 =	sshrl.u32 s19, $0x1;
	s5 =	sadd.s32 s5, s7  }
0xa: {  	s7 =	ssub.s32 s19, s9;
	s0 =	sadd.s32 s5, s0;
	s5 =	sadd.s32 s8, s3  }
0xb: {  	s20 =	smax.u32 s7, $0x1;
	s7 =	simm.s32 $0x1;
	s8 =	sadd.s32 $0x13000, s5  }
0xc: {  	s0 =	sadd.s32 $0x8EC00, s0;
	[dreg:$0x6] =	wrdreg s20;
	s21 =	sadd.s32 $0x1000, s5  }
0xd: {  	s22 =	sadd.s32 $0x2000, s5;
	s23 =	sadd.s32 $0x3000, s5;
	[dreg:$0x4] =	wrdreg s8  }
0xe: {  	s24 =	sadd.s32 $0x4000, s5;
	s25 =	sadd.s32 $0x5000, s5;
	[dreg:$0x5] =	wrdreg s0  }
0xf: {  	s14 =	sadd.s32 $0x6000, s5;
	s15 =	sadd.s32 $0x7000, s5;
	[dreg:$0x7] =	wrdreg s21  }
0x10: {  	s16 =	sadd.s32 $0x8000, s5;
	s17 =	sadd.s32 $0x9000, s5;
	[dreg:$0x8] =	wrdreg s22  }
0x11: {  	s18 =	sadd.s32 $0xA000, s5;
	s19 =	sadd.s32 $0xB000, s5;
	[dreg:$0x9] =	wrdreg s23  }
0x12: {  	s20 =	sadd.s32 $0xC000, s5;
	s28 =	sadd.s32 $0x11000, s5;
	[dreg:$0xa] =	wrdreg s24  }
0x13: {  	s29 =	sadd.s32 $0x12000, s5;
	[dreg:$0xb] =	wrdreg s25;
	s21 =	sadd.s32 $0xD000, s5  }
0x14: {  	s22 =	sadd.s32 $0xE000, s5;
	s23 =	sadd.s32 $0xF000, s5;
	s0 =	sadd.s32 s26, s2  }
0x15: {  	s26 =	sadd.s32 $0x10000, s5;
	s2 =	simm.s32 $0x3;
	s8 =	simm.s32 $0x0  }
0x16: {  	v0 =	vimm.f32 $0.0e+00;
	s24 =	sadd.s32 $0x5DA00, s0;
	s25 =	sadd.s32 $0x53A00, s0;
	s0 =	simm.s32 $0x80  }
.LBB2_1:
0x17: {  	s9 =	simm.s32 $0x0;
	s10 =	simm.s32 $0x200  }
.LBB2_2:
0x18: {  	p0 =	sne.s32 s10, $0x3E00;
	[tilespmem:s9+$0x17D70] =	vst v0  }
0x19: {  	[tilespmem:s9+$0x17D00] =	vst v0  }
0x1a: {  	[tilespmem:s9+$0x17D10] =	vst v0  }
.Ltmp0:
0x1b: {  	[tilespmem:s9+$0x17D20] =	vst v0;
	(pc) =	sbr.rel @p0 .LBB2_2-.Ltmp0, $4  }
0x1c: {  	[tilespmem:s9+$0x17D30] =	vst v0  }
0x1d: {  	[tilespmem:s9+$0x17D40] =	vst v0  }
0x1e: {  	[tilespmem:s9+$0x17D50] =	vst v0  }
0x1f: {  	[tilespmem:s9+$0x17D60] =	vst v0;
	s9 =	sshra.s32 s10, $0x2;
	s10 =	sadd.s32 $0x200, s10  }
0x20: {  	[tilespmem:s9+$0x17D70] =	vst v0  }
0x21: {  	[tilespmem:s9+$0x17D00] =	vst v0  }
0x22: {  	[tilespmem:s9+$0x17D10] =	vst v0  }
0x23: {  	[tilespmem:s9+$0x17D20] =	vst v0  }
0x24: {  	[tilespmem:s9+$0x17D30] =	vst v0  }
0x25: {  	[tilespmem:s9+$0x17D40] =	vst v0  }
0x26: {  	[tilespmem:s9+$0x17D50] =	vst v0  }
0x27: {  	[tilespmem:s9+$0x17D60] =	vst v0  }
0x28: {  	[spmem:s5] =	stream.linear.scatter [tilespmem:s30], [sflag:$0x2], $0x1000, $0x38;
	[tilespmem:$0x18D00] =	vst v63  }
0x29: {  	s10 =	rddreg [dreg:$0x7]  }
0x2a: {  	[spmem:s10] =	stream.linear.scatter [tilespmem:s30], [sflag:$0x2], $0x1000, $0x38;
	[tilespmem:$0x18D00] =	vst v63  }
0x2b: {  	s11 =	rddreg [dreg:$0x8]  }
0x2c: {  	[spmem:s11] =	stream.linear.scatter [tilespmem:s30], [sflag:$0x2], $0x1000, $0x38;
	[tilespmem:$0x18D00] =	vst v63  }
0x2d: {  	s12 =	rddreg [dreg:$0x9]  }
0x2e: {  	[spmem:s12] =	stream.linear.scatter [tilespmem:s30], [sflag:$0x2], $0x1000, $0x38;
	[tilespmem:$0x18D00] =	vst v63  }
0x2f: {  	s13 =	rddreg [dreg:$0xa]  }
0x30: {  	[spmem:s13] =	stream.linear.scatter [tilespmem:s30], [sflag:$0x2], $0x1000, $0x38;
	[tilespmem:$0x18D00] =	vst v63  }
0x31: {  	s10 =	rddreg [dreg:$0xb]  }
0x32: {  	[spmem:s10] =	stream.linear.scatter [tilespmem:s30], [sflag:$0x2], $0x1000, $0x38;
	[tilespmem:$0x18D00] =	vst v63  }
0x33: {  	_ = 	snop  }
0x34: {  	[spmem:s14] =	stream.linear.scatter [tilespmem:s30], [sflag:$0x2], $0x1000, $0x38;
	[tilespmem:$0x18D00] =	vst v63  }
0x35: {  	_ = 	snop  }
0x36: {  	[spmem:s15] =	stream.linear.scatter [tilespmem:s30], [sflag:$0x2], $0x1000, $0x38;
	[tilespmem:$0x18D00] =	vst v63  }
0x37: {  	_ = 	snop  }
0x38: {  	[spmem:s16] =	stream.linear.scatter [tilespmem:s30], [sflag:$0x2], $0x1000, $0x38;
	[tilespmem:$0x18D00] =	vst v63  }
0x39: {  	_ = 	snop  }
0x3a: {  	[spmem:s17] =	stream.linear.scatter [tilespmem:s30], [sflag:$0x2], $0x1000, $0x38;
	[tilespmem:$0x18D00] =	vst v63  }
0x3b: {  	_ = 	snop  }
0x3c: {  	[spmem:s18] =	stream.linear.scatter [tilespmem:s30], [sflag:$0x2], $0x1000, $0x38;
	[tilespmem:$0x18D00] =	vst v63  }
0x3d: {  	_ = 	snop  }
0x3e: {  	[spmem:s19] =	stream.linear.scatter [tilespmem:s30], [sflag:$0x2], $0x1000, $0x38;
	[tilespmem:$0x18D00] =	vst v63  }
0x3f: {  	_ = 	snop  }
0x40: {  	[spmem:s20] =	stream.linear.scatter [tilespmem:s30], [sflag:$0x2], $0x1000, $0x38;
	[tilespmem:$0x18D00] =	vst v63  }
0x41: {  	_ = 	snop  }
0x42: {  	[spmem:s21] =	stream.linear.scatter [tilespmem:s30], [sflag:$0x2], $0x1000, $0x38;
	[tilespmem:$0x18D00] =	vst v63  }
0x43: {  	_ = 	snop  }
0x44: {  	[spmem:s22] =	stream.linear.scatter [tilespmem:s30], [sflag:$0x2], $0x1000, $0x38;
	[tilespmem:$0x18D00] =	vst v63  }
0x45: {  	_ = 	snop  }
0x46: {  	[spmem:s23] =	stream.linear.scatter [tilespmem:s30], [sflag:$0x2], $0x1000, $0x38;
	[tilespmem:$0x18D00] =	vst v63  }
0x47: {  	_ = 	snop  }
0x48: {  	[spmem:s26] =	stream.linear.scatter [tilespmem:s30], [sflag:$0x2], $0x1000, $0x38;
	[tilespmem:$0x18D00] =	vst v63  }
0x49: {  	_ = 	snop  }
0x4a: {  	[spmem:s28] =	stream.linear.scatter [tilespmem:s30], [sflag:$0x2], $0x1000, $0x38;
	[tilespmem:$0x18D00] =	vst v63  }
0x4b: {  	_ = 	snop  }
0x4c: {  	[spmem:s29] =	stream.linear.scatter [tilespmem:s30], [sflag:$0x2], $0x1000, $0x38;
	[tilespmem:$0x18D00] =	vst v63  }
0x4d: {  	s11 =	rddreg [dreg:$0x4]  }
0x4e: {  	[spmem:s11] =	stream.linear.scatter [tilespmem:s30], [sflag:$0x2], $0xC00, $0x38;
	[tilespmem:$0x18D00] =	vst v63  }
0x4f: {  	_ =	swait.ge [sflag:s31], $0x1000  }
0x50: {  	[sflag:s31] =	ssyncset.done $0x0  }
0x51: {  	[sflag:s31] =	ssyncadd.s32 $0xFFFFF000  }
0x52: {  	_ =	swait.ge [sflag:s31], $0x1000  }
0x53: {  	[sflag:s31] =	ssyncset.done $0x0  }
0x54: {  	[sflag:s31] =	ssyncadd.s32 $0xFFFFF000  }
0x55: {  	_ =	swait.ge [sflag:s31], $0x1000  }
0x56: {  	[sflag:s31] =	ssyncset.done $0x0  }
0x57: {  	[sflag:s31] =	ssyncadd.s32 $0xFFFFF000  }
0x58: {  	_ =	swait.ge [sflag:s31], $0x1000  }
0x59: {  	[sflag:s31] =	ssyncset.done $0x0  }
0x5a: {  	[sflag:s31] =	ssyncadd.s32 $0xFFFFF000  }
0x5b: {  	_ =	swait.ge [sflag:s31], $0x1000  }
0x5c: {  	[sflag:s31] =	ssyncset.done $0x0  }
0x5d: {  	[sflag:s31] =	ssyncadd.s32 $0xFFFFF000  }
0x5e: {  	_ =	swait.ge [sflag:s31], $0x1000  }
0x5f: {  	[sflag:s31] =	ssyncset.done $0x0  }
0x60: {  	[sflag:s31] =	ssyncadd.s32 $0xFFFFF000  }
0x61: {  	_ =	swait.ge [sflag:s31], $0x1000  }
0x62: {  	[sflag:s31] =	ssyncset.done $0x0  }
0x63: {  	[sflag:s31] =	ssyncadd.s32 $0xFFFFF000  }
0x64: {  	_ =	swait.ge [sflag:s31], $0x1000  }
0x65: {  	[sflag:s31] =	ssyncset.done $0x0  }
0x66: {  	[sflag:s31] =	ssyncadd.s32 $0xFFFFF000  }
0x67: {  	_ =	swait.ge [sflag:s31], $0x1000  }
0x68: {  	[sflag:s31] =	ssyncset.done $0x0  }
0x69: {  	[sflag:s31] =	ssyncadd.s32 $0xFFFFF000  }
0x6a: {  	_ =	swait.ge [sflag:s31], $0x1000  }
0x6b: {  	[sflag:s31] =	ssyncset.done $0x0  }
0x6c: {  	[sflag:s31] =	ssyncadd.s32 $0xFFFFF000  }
0x6d: {  	_ =	swait.ge [sflag:s31], $0x1000  }
0x6e: {  	[sflag:s31] =	ssyncset.done $0x0  }
0x6f: {  	[sflag:s31] =	ssyncadd.s32 $0xFFFFF000  }
0x70: {  	_ =	swait.ge [sflag:s31], $0x1000  }
0x71: {  	[sflag:s31] =	ssyncset.done $0x0  }
0x72: {  	[sflag:s31] =	ssyncadd.s32 $0xFFFFF000  }
0x73: {  	_ =	swait.ge [sflag:s31], $0x1000  }
0x74: {  	[sflag:s31] =	ssyncset.done $0x0  }
0x75: {  	[sflag:s31] =	ssyncadd.s32 $0xFFFFF000  }
0x76: {  	_ =	swait.ge [sflag:s31], $0x1000  }
0x77: {  	[sflag:s31] =	ssyncset.done $0x0  }
0x78: {  	[sflag:s31] =	ssyncadd.s32 $0xFFFFF000  }
0x79: {  	_ =	swait.ge [sflag:s31], $0x1000  }
0x7a: {  	[sflag:s31] =	ssyncset.done $0x0  }
0x7b: {  	[sflag:s31] =	ssyncadd.s32 $0xFFFFF000  }
0x7c: {  	_ =	swait.ge [sflag:s31], $0x1000  }
0x7d: {  	[sflag:s31] =	ssyncset.done $0x0  }
0x7e: {  	[sflag:s31] =	ssyncadd.s32 $0xFFFFF000  }
0x7f: {  	_ =	swait.ge [sflag:s31], $0x1000  }
0x80: {  	[sflag:s31] =	ssyncset.done $0x0  }
0x81: {  	[sflag:s31] =	ssyncadd.s32 $0xFFFFF000  }
0x82: {  	_ =	swait.ge [sflag:s31], $0x1000  }
0x83: {  	[sflag:s31] =	ssyncset.done $0x0  }
0x84: {  	[sflag:s31] =	ssyncadd.s32 $0xFFFFF000  }
0x85: {  	_ =	swait.ge [sflag:s31], $0x1000  }
0x86: {  	[sflag:s31] =	ssyncset.done $0x0  }
0x87: {  	[sflag:s31] =	ssyncadd.s32 $0xFFFFF000  }
0x88: {  	_ =	swait.ge [sflag:s31], $0xC00  }
0x89: {  	[sflag:s31] =	ssyncset.done $0x0  }
0x8a: {  	[sflag:s31] =	ssyncadd.s32 $0xFFFFF400  }
0x8b: {  	s12 =	sadd.s32 $0x0, s25;
	[bflag:$0x0] =	sbarrier.arrive $0xFFFF  }
0x8c: {  	[tilespmem:s4], [sflag:$0x3] =	stream.linear.gather [hbm4b:s12+s4], $0x80, $0x38;
	[tilespmem:$0x18D00] =	vst v63  }
0x8d: {  	_ =	swait.ge [sflag:s2], $0x80  }
0x8e: {  	[sflag:s2] =	ssyncset.done $0x0  }
0x8f: {  	s13 =	sadd.s32 $0x0, s24;
	[sflag:s2] =	ssyncadd.s32 $0xFFFFFF80  }
0x90: {  	[tilespmem:s0], [sflag:$0x3] =	stream.linear.gather [hbm4b:s13+s4], $0x80, $0x38;
	[tilespmem:$0x18D00] =	vst v63  }
0x91: {  	_ =	swait.ge [sflag:s2], $0x80  }
0x92: {  	[sflag:s2] =	ssyncset.done $0x0  }
0x93: {  	[sflag:s2] =	ssyncadd.s32 $0xFFFFFF80  }
0x94: {  	[tilespmem:s6], [sflag:$0x1] =	stream.indirect.gather [hbm4b:s1+s0], $0x80, s4, s0, $0xb8;
	[tilespmem:$0x18D00] =	vst v63  }
0x95: {  	_ =	swait.ge [sflag:s7], $0x4000  }
0x96: {  	[sflag:s7] =	ssyncset.done $0x0  }
0x97: {  	[sflag:s7] =	ssyncadd.s32 $0xFFFFC000  }
0x98: {  	[spmem:s3] =	stream.indirect.scatter.add.f32 [tilespmem:s6], [sflag:$0x3], $0x80, s0, s0, $0xb8;
	[tilespmem:$0x18D00] =	vst v63  }
0x99: {  	_ =	swait.ge [sflag:s2], $0x4000  }
0x9a: {  	s9 =	simm.s32 $0x10;
	s10 =	simm.s32 $0x20;
	[sflag:s2] =	ssyncset.done $0x0  }
.LBB2_4:
0x9b: {  	s11 =	sadd.s32 s9, s25  }
0x9c: {  	[sflag:s2] =	ssyncadd.s32 $0xFFFFC000;
	s12 =	smov.u32 s10;
	s13 =	sadd.s32 $0x10, s10  }
0x9d: {  	[tilespmem:s4], [sflag:$0x3] =	stream.linear.gather [hbm4b:s11+s4], $0x80, $0x38;
	[tilespmem:$0x18D00] =	vst v63  }
0x9e: {  	p0 =	sne.s32 s10, $0x4F0;
	_ =	swait.ge [sflag:s2], $0x80  }
0x9f: {  	[sflag:s2] =	ssyncset.done $0x0  }
0xa0: {  	s10 =	sadd.s32 s9, s24;
	s9 =	smov.u32 s12;
	[sflag:s2] =	ssyncadd.s32 $0xFFFFFF80  }
0xa1: {  	[tilespmem:s0], [sflag:$0x3] =	stream.linear.gather [hbm4b:s10+s4], $0x80, $0x38;
	[tilespmem:$0x18D00] =	vst v63  }
0xa2: {  	_ =	swait.ge [sflag:s2], $0x80  }
0xa3: {  	[sflag:s2] =	ssyncset.done $0x0  }
0xa4: {  	[sflag:s2] =	ssyncadd.s32 $0xFFFFFF80  }
0xa5: {  	[tilespmem:s6], [sflag:$0x1] =	stream.indirect.gather [hbm4b:s1+s0], $0x80, s4, s0, $0xb8;
	[tilespmem:$0x18D00] =	vst v63  }
0xa6: {  	_ =	swait.ge [sflag:s7], $0x4000  }
.Ltmp1:
0xa7: {  	[sflag:s7] =	ssyncset.done $0x0;
	(pc) =	sbr.rel @p0 .LBB2_4-.Ltmp1, $4  }
0xa8: {  	[sflag:s7] =	ssyncadd.s32 $0xFFFFC000  }
0xa9: {  	[spmem:s3] =	stream.indirect.scatter.add.f32 [tilespmem:s6], [sflag:$0x3], $0x80, s0, s0, $0xb8;
	[tilespmem:$0x18D00] =	vst v63  }
0xaa: {  	_ =	swait.ge [sflag:s2], $0x4000  }
0xab: {  	s10 =	smov.u32 s13;
	[sflag:s2] =	ssyncset.done $0x0  }
0xac: {  	s10 =	sadd.s32 s9, s25;
	[sflag:s2] =	ssyncadd.s32 $0xFFFFC000  }
0xad: {  	[tilespmem:s4], [sflag:$0x3] =	stream.linear.gather [hbm4b:s10+s4], $0x80, $0x38;
	[tilespmem:$0x18D00] =	vst v63  }
0xae: {  	_ =	swait.ge [sflag:s2], $0x80  }
0xaf: {  	[sflag:s2] =	ssyncset.done $0x0  }
0xb0: {  	s10 =	sadd.s32 s9, s24;
	[sflag:s2] =	ssyncadd.s32 $0xFFFFFF80  }
0xb1: {  	[tilespmem:s0], [sflag:$0x3] =	stream.linear.gather [hbm4b:s10+s4], $0x80, $0x38;
	[tilespmem:$0x18D00] =	vst v63  }
0xb2: {  	_ =	swait.ge [sflag:s2], $0x80  }
0xb3: {  	[sflag:s2] =	ssyncset.done $0x0  }
0xb4: {  	[sflag:s2] =	ssyncadd.s32 $0xFFFFFF80  }
0xb5: {  	[tilespmem:s6], [sflag:$0x1] =	stream.indirect.gather [hbm4b:s1+s0], $0x80, s4, s0, $0xb8;
	[tilespmem:$0x18D00] =	vst v63  }
0xb6: {  	_ =	swait.ge [sflag:s7], $0x4000  }
0xb7: {  	[sflag:s7] =	ssyncset.done $0x0  }
0xb8: {  	[sflag:s7] =	ssyncadd.s32 $0xFFFFC000  }
0xb9: {  	[spmem:s3] =	stream.indirect.scatter.add.f32 [tilespmem:s6], [sflag:$0x3], $0x80, s0, s0, $0xb8;
	[tilespmem:$0x18D00] =	vst v63  }
0xba: {  	_ =	swait.ge [sflag:s2], $0x4000  }
0xbb: {  	[sflag:s2] =	ssyncset.done $0x0  }
0xbc: {  	s11 =	stileid.u32;
	[sflag:s2] =	ssyncadd.s32 $0xFFFFC000  }
0xbd: {  	s9 =	sshll.u32 s11, $0x6;
	[bflag:$0x0] =	sbarrier.arrive $0xFFFF  }
0xbe: {  	s12 =	sshrl.u32 s5, $0x3;
	s9 =	sor.u32 $0x1C03, s9;
	s11 =	rddreg [dreg:$0x5]  }
0xbf: {  	[hbm:s11], [sflag:s9] =	dma.local [spmem:s12], $0x2780  }
0xc0: {  	_ =	swait.ge [sflag:s2], $0x2780  }
0xc1: {  	s8 =	sadd.s32 $0x1, s8;
	s13 =	rddreg [dreg:$0x6]  }
0xc2: {  	p0 =	sne.s32 s8, s13  }
.Ltmp2:
0xc3: {  	_ = 	snop;
	(pc) =	sbr.rel @p0 .LBB2_1-.Ltmp2, $3  }
0xc4: {  	_ =	sdelay $0x1  }
0xc5: {  	[sflag:s2] =	ssyncset.done $0x0  }
0xc6: {  	[sflag:s2] =	ssyncadd.s32 $0xFFFFD880  }
0xc7: {  	_ =	sfence.sel $0x180000  }
0xc8: {  	[bflag:$0x0] =	sbarrier.arrive $0xFFFF  }
0xc9: {  	_ =	strace $0x90000050  }
0xca: {  	s0 =	stileid.u32;
	[bflag:$0x2] =	sbarrier.arrive $0xFFFF  }
0xcb: {  	p0 =	sne.s32 s0, $0x0;
	s0 =	rddreg [dreg:$0x3]  }
0xcc: {  	s0 =	sadd.s32 @!p0 $0x100000, s0  }
0xcd: {  	[sflag:s0] =	ssyncadd.tile.s32 @!p0 $0x1;
	_ =	shalt  }
.Lfunc_end2:
_tile_overlayer_lowered:
.L_overlay_start_2:
0xce: {  	(tag) =	ssettag $0x2  }
0xcf: {  	s0 =	rddreg [dreg:$0x0];
	s2 =	stileid.u32  }
0xd0: {  	s1 =	rddreg [dreg:$0x1];
	p0 =	sne.s32 s2, $0x0  }
0xd1: {  	s3 =	rddreg [dreg:$0x2];
	[bflag:$0x3] =	sbarrier.arrive $0xFFFF;
	s2 =	simm.s32 @!p0 $0x1C03  }
0xd2: {  	[timem:s3], [sflag:s2] =	dma.local @!p0 [hbm:s0], s1  }
0xd3: {  	s0 =	simm.s32 @!p0 $0x3  }
0xd4: {  	_ =	swait.ge @!p0 [sflag:s0], s1  }
0xd5: {  	s1 =	ssub.s32 @!p0 $0x0, s1;
	[sflag:s0] =	ssyncset.done @!p0 $0x0  }
0xd6: {  	[sflag:s0] =	ssyncadd.s32 @!p0 s1  }
0xd7: {  	[bflag:$0x3] =	sbarrier.arrive $0xFFFF  }
0xd8: {  	_ =	shalt  }

// kernel: kernel.24.cloned.1.call-start
scs
__scs_entry_jumppad:
0x0: {  	(pc) =	sbr.rel $0x88, $3  }
0x1: {  	(tag) =	ssettag $0x0;
	lr =	simm.s32 $0x1  }
0x2: {  	[smem:$0x3F94] =	sst lr;
	_ =	strace $0xD0000000  }
0x3: {  	_ = 	snop  }
0x4: {  	_ = 	snop  }
0x5: {  	_ = 	snop  }
0x6: {  	_ = 	snop  }
0x7: {  	_ = 	snop  }
__scs_overlays_trampoline_lowered:
0x8: {  	[smem:$0x3FA3] =	sst s0  }
0x9: {  	[smem:$0x3FA4] =	sst s1  }
0xa: {  	[smem:$0x3FA5] =	sst s2  }
0xb: {  	[smem:$0x3FA6] =	sst s3  }
0xc: {  	[smem:$0x3FA7] =	sst s4  }
0xd: {  	[smem:$0x3FA8] =	sst s5  }
0xe: {  	[smem:$0x3FA9] =	sst s6  }
0xf: {  	[smem:$0x3FAA] =	sst s7  }
0x10: {  	[smem:$0x3FAB] =	sst s8  }
0x11: {  	[smem:$0x3FAC] =	sst s9;
	s0 =	simm.s32 @!p0 $0x0  }
0x12: {  	s1 =	sld [smem:$0x3F92];
	s0 =	simm.s32 @p0 $0x1  }
0x13: {  	[smem:$0x3FAD] =	sst s0;
	s0 =	simm.s32 @!p1 $0x0  }
0x14: {  	s2 =	sld [smem:$0x3F91];
	s0 =	simm.s32 @p1 $0x1  }
0x15: {  	[smem:$0x3FAE] =	sst s0;
	s0 =	simm.s32 @!p2 $0x0  }
0x16: {  	s3 =	sld [smem:$0x3FDB];
	s0 =	simm.s32 @p2 $0x1  }
0x17: {  	s4 =	simm.s32 $0x1BF5;
	[smem:$0x3FB0] =	sst s0  }
0x18: {  	s0 =	sld [smem:$0x3F93];
	_ =	swait.ge [sflag:s4], $0x0  }
0x19: {  	s7 =	sld [smem:$0x3F94]  }
0x1a: {  	s8 =	sadd.s32 $0xFFFFE003, lr  }
0x1b: {  	s9 =	sadd.s32 $0xFFFFFEF7, lr;
	s5 =	simm.s32 $0xFFFFFFFF;
	p2 =	slt.u32 s8, $0xFFFFF086  }
0x1c: {  	p1 =	slt.u32 s9, $0xF7A;
	s5 =	simm.s32 @!p2 $0x0  }
0x1d: {  	s5 =	simm.s32 @p1 $0x1;
	p0 =	seq.s32 s7, s2  }
0x1e: {  	s7 =	smul.u32 @!p0 $0xF7A, s2;
	p2 =	seq.s32 @!p0 s5, $0x0  }
0x1f: {  	s9 =	smul.u32 $0xF7A, s1;
	s8 =	simm.s32 @!p0 $0x1BF5;
	p2 =	por !p2, p0  }
0x20: {  	[sflag:s8] =	ssyncset.s32 @!p0 $0xFFFFF086;
	s6 =	sadd.s32 @!p0 s3, s7;
	s7 =	simm.s32 @!p0 $0x108  }
0x21: {  	s3 =	sadd.s32 s3, s9;
	s6 =	sadd.s32 @!p0 $0x88, s6;
	s7 =	simm.s32 @p2 $0x1082  }
0x22: {  	[simem:s7], [sflag:s8] =	dma.local @!p0 [hbm:s6], $0xF7A  }
0x23: {  	s9 =	sor.u32 $0xD0000000, s2;
	s6 =	simm.s32 $0x108;
	_ =	swait.ge @!p0 [sflag:s8], $0x0  }
0x24: {  	s3 =	sadd.s32 $0x88, s3;
	s6 =	simm.s32 @!p1 $0x1082;
	[sflag:s4] =	ssyncset.s32 $0xFFFFF086  }
0x25: {  	[simem:s6], [sflag:s4] =	dma.local [hbm:s3], $0xF7A  }
0x26: {  	[smem:$0x3F94] =	sst s1;
	(tag) =	ssettag s2;
	_ =	strace s9  }
0x27: {  	s1 =	sld [smem:$0x3FA4]  }
0x28: {  	s2 =	sld [smem:$0x3FA5]  }
0x29: {  	s4 =	sld [smem:$0x3FA7]  }
0x2a: {  	p0 =	seq.s32 s5, $0x0;
	s5 =	sld [smem:$0x3FA8]  }
0x2b: {  	s6 =	sld [smem:$0x3FA9]  }
0x2c: {  	s7 =	sld [smem:$0x3FAA]  }
0x2d: {  	s3 =	simm.s32 $0x108;
	s8 =	sld [smem:$0x3FAB]  }
0x2e: {  	s3 =	simm.s32 @!p0 $0x1082;
	s9 =	sld [smem:$0x3FAC]  }
0x2f: {  	lr =	sadd.s32 s0, s3;
	s0 =	sld [smem:$0x3FA3]  }
0x30: {  	s3 =	sld [smem:$0x3FA6]  }
0x31: {  	[smem:$0x3FAF] =	sst s10  }
0x32: {  	s10 =	sld [smem:$0x3FAD];
	_ =	sdelay $0x3  }
0x33: {  	p0 =	seq.s32 s10, $0x1;
	s10 =	sld [smem:$0x3FAF];
	_ =	sdelay $0x3  }
0x34: {  	[smem:$0x3FAF] =	sst s10  }
0x35: {  	s10 =	sld [smem:$0x3FAE];
	_ =	sdelay $0x3  }
0x36: {  	p1 =	seq.s32 s10, $0x1;
	s10 =	sld [smem:$0x3FAF];
	_ =	sdelay $0x3  }
0x37: {  	[smem:$0x3FAF] =	sst s10  }
0x38: {  	s10 =	sld [smem:$0x3FB0]  }
0x39: {  	_ = 	snop;
	(pc) =	sbr.ind lr, $3  }
0x3a: {  	_ = 	snop  }
0x3b: {  	_ = 	snop  }
0x3c: {  	p2 =	seq.s32 s10, $0x1;
	s10 =	sld [smem:$0x3FAF]  }
0x3d: {  	_ =	shalt  }
0x3e: {  	_ =	shalt  }
0x3f: {  	_ =	shalt  }
0x40: {  	_ =	shalt  }
0x41: {  	_ =	shalt  }
0x42: {  	_ =	shalt  }
0x43: {  	_ =	shalt  }
0x44: {  	_ =	shalt  }
0x45: {  	_ =	shalt  }
0x46: {  	_ =	shalt  }
0x47: {  	_ =	shalt  }
0x48: {  	_ =	shalt  }
0x49: {  	_ =	shalt  }
0x4a: {  	_ =	shalt  }
0x4b: {  	_ =	shalt  }
0x4c: {  	_ =	shalt  }
0x4d: {  	_ =	shalt  }
0x4e: {  	_ =	shalt  }
0x4f: {  	_ =	shalt  }
0x50: {  	_ =	shalt  }
0x51: {  	_ =	shalt  }
0x52: {  	_ =	shalt  }
0x53: {  	_ =	shalt  }
0x54: {  	_ =	shalt  }
0x55: {  	_ =	shalt  }
0x56: {  	_ =	shalt  }
0x57: {  	_ =	shalt  }
0x58: {  	_ =	shalt  }
0x59: {  	_ =	shalt  }
0x5a: {  	_ =	shalt  }
0x5b: {  	_ =	shalt  }
0x5c: {  	_ =	shalt  }
0x5d: {  	_ =	shalt  }
0x5e: {  	_ =	shalt  }
0x5f: {  	_ =	shalt  }
0x60: {  	_ =	shalt  }
0x61: {  	_ =	shalt  }
0x62: {  	_ =	shalt  }
0x63: {  	_ =	shalt  }
0x64: {  	_ =	shalt  }
0x65: {  	_ =	shalt  }
0x66: {  	_ =	shalt  }
0x67: {  	_ =	shalt  }
0x68: {  	_ =	shalt  }
0x69: {  	_ =	shalt  }
0x6a: {  	_ =	shalt  }
0x6b: {  	_ =	shalt  }
0x6c: {  	_ =	shalt  }
0x6d: {  	_ =	shalt  }
0x6e: {  	_ =	shalt  }
0x6f: {  	_ =	shalt  }
0x70: {  	_ =	shalt  }
0x71: {  	_ =	shalt  }
0x72: {  	_ =	shalt  }
0x73: {  	_ =	shalt  }
0x74: {  	_ =	shalt  }
0x75: {  	_ =	shalt  }
0x76: {  	_ =	shalt  }
0x77: {  	_ =	shalt  }
0x78: {  	_ =	shalt  }
0x79: {  	_ =	shalt  }
0x7a: {  	_ =	shalt  }
0x7b: {  	_ =	shalt  }
0x7c: {  	_ =	shalt  }
0x7d: {  	_ =	shalt  }
0x7e: {  	_ =	shalt  }
0x7f: {  	_ =	shalt  }
0x80: {  	_ =	shalt  }
0x81: {  	_ =	shalt  }
0x82: {  	_ =	shalt  }
0x83: {  	_ =	shalt  }
0x84: {  	_ =	shalt  }
0x85: {  	_ =	shalt  }
0x86: {  	_ =	shalt  }
0x87: {  	_ =	shalt  }
.Lfunc_end0:
.L_simem_size_0:
called_computation.4_lowered:
.L_overlay_start_0:
0x88: {  	s2 =	sld [smem:$0x3FD9]  }
0x89: {  	s3 =	sld [smem:$0x3FFE];
	_ =	sdelay $0x1  }
0x8a: {  	s1 =	srdreg.scid  }
0x8b: {  	s0 =	sand.u32 $0x1, s1  }
0x8c: {  	s17 =	sshll.u32 s0, $0xA;
	s2 =	sadd.s32 s3, s2  }
0x8d: {  	s2 =	sadd.s32 s2, s17  }
0x8e: {  	[smem:$0x3FBB] =	sst s2  }
0x8f: {  	_ = 	snop  }
0x90: {  	s2 =	sld [smem:$0x3FD0];
	(tm) =	ssettm $0x1  }
0x91: {  	s18 =	sld [smem:$0x3FFB];
	_ =	sdelay $0x3  }
0x92: {  	_ =	strace s18  }
0x93: {  	s3 =	sld [smem:$0x3FFC];
	_ =	sdelay $0x3  }
0x94: {  	_ =	strace s3  }
0x95: {  	s3 =	sld [smem:$0x3FFD];
	_ =	sdelay $0x3  }
0x96: {  	_ =	strace s3  }
0x97: {  	_ =	strace $0x8FFFFFFF  }
0x98: {  	s19 =	sld [smem:$0x3FDB];
	_ =	sdelay $0x1  }
0x99: {  	s4 =	simm.s32 $_scs_section_size  }
0x9a: {  	s5 =	simm.s32 $_size__tile_overlayer_lowered;
	s6 =	simm.s32 $_tile_overlayer_lowered  }
0x9b: {  	s22 =	simm.s32 $0x1BFF;
	s21 =	sshll.u32 s6, $0x1;
	s3 =	sadd.s32 s4, s19  }
0x9c: {  	s7 =	simm.s32 $0x0;
	s20 =	sshll.u32 s5, $0x1;
	s5 =	sadd.s32 s21, s3  }
0x9d: {  	[timem:s7], [sflag:s22] =	dma.local [hbm:s5], s20  }
0x9e: {  	_ =	swait.ge [sflag:s22], s20  }
0x9f: {  	s4 =	ssub.s32 $0x0, s20;
	[sflag:s22] =	ssyncset.done $0x0  }
0xa0: {  	[sflag:s22] =	ssyncadd.s32 s4;
	_ =	sdelay $0x1  }
0xa1: {  	s23 =	simm.s32 $0x1B8B  }
0xa2: {  	_ =	swait.ge [sflag:s23], $0x1  }
0xa3: {  	[sflag:s23] =	ssyncset.done $0x0  }
0xa4: {  	s25 =	simm.s32 $0x1B8E;
	s24 =	sld [smem:$0x3FFE];
	[sflag:s23] =	ssyncadd.s32 $0xFFFFFFFF  }
0xa5: {  	s26 =	simm.s32 $execute0_lowered;
	[smem:$0x3FD2] =	sst s25  }
0xa6: {  	s5 =	sshll.u32 s26, $0x1;
	_ =	strace $0x80000052;
	[dreg:$0x1] =	wrdreg $0xFFFFFFFF  }
0xa7: {  	s28 =	simm.s32 $_size_execute0_lowered;
	s3 =	sadd.s32 s3, s5;
	[dreg:$0x0] =	wrdreg $0x0  }
0xa8: {  	s5 =	sshll.u32 s28, $0x1;
	[dreg:$0x2] =	wrdreg s3  }
0xa9: {  	[dreg:$0x3] =	wrdreg s5  }
0xaa: {  	[dreg:$0x4] =	wrdreg $0xC0  }
0xab: {  	_ =	task [dreg:s7], $0x5FFFF  }
0xac: {  	[dreg:$0x1] =	wrdreg $0xFFFFFFFF  }
0xad: {  	[dreg:$0x0] =	wrdreg $0x60  }
0xae: {  	[dreg:$0x2] =	wrdreg s2  }
0xaf: {  	[dreg:$0x3] =	wrdreg s24  }
0xb0: {  	[dreg:$0x4] =	wrdreg $0x41000  }
0xb1: {  	[dreg:$0x5] =	wrdreg $0x9  }
0xb2: {  	_ =	task.clear_ibuf [dreg:s7], $0x6FFFF;
	_ =	strace $0x90000052  }
0xb3: {  	s29 =	simm.s32 $0x9;
	_ =	strace $0x80000054  }
0xb4: {  	_ =	swait.ge [sflag:s29], $0x1  }
0xb5: {  	[sflag:s29] =	ssyncadd.s32 $0xFFFFFFFF  }
0xb6: {  	_ =	strace $0x90000054  }
0xb7: {  	_ =	sfence  }
0xb8: {  	s30 =	sld [smem:$0x0];
	_ =	sdelay $0x2  }
0xb9: {  	s31 =	sshll.u32 s1, $0xD;
	s1 =	sshrl.u32 s1, $0x2  }
0xba: {  	s3 =	sand.u32 $0x4000, s31;
	s1 =	sadd.s32 s1, s30  }
0xbb: {  	s0 =	sor.u32 s3, s0;
	s1 =	sshll.u32 s1, $0x11  }
0xbc: {  	s0 =	sor.u32 s1, s0  }
0xbd: {  	s0 =	sadd.s32 $0x8F2B, s0  }
0xbe: {  	[sflag:s0] =	ssyncadd.remote.s32 $0x1  }
0xbf: {  	_ =	sfence.sel $0xFFFF  }
0xc0: {  	[dreg:$0x0] =	wrdreg $0xFFFFFFFF;
	(pc) =	sbr.abs _section_cstart, $3  }
0xc1: {  	[dreg:$0x1] =	wrdreg $0xFFFFFFFF  }
0xc2: {  	_ =	task.clear_ibuf [dreg:s7], $0x2FFFF;
	_ =	strace $0x9FFFFFFF  }
0xc3: {  	(tm) =	ssettm $0x7FFFFFFF  }
tec
execute0_lowered:
.L_overlay_start_1:
0x0: {  	(tag) =	ssettag $0x1  }
0x1: {  	s1 =	rddreg [dreg:$0x0]  }
0x2: {  	s0 =	rddreg [dreg:$0x1];
	s8 =	stileid.u32  }
0x3: {  	s4 =	srdreg.scid;
	s2 =	smul.u32 $0xA00, s8  }
0x4: {  	s3 =	rddreg [dreg:$0x2];
	s5 =	smul.u32 $0x2780, s8  }
0x5: {  	s30 =	simm.s32 $0x17D00;
	s6 =	sand.u32 $0x1, s4;
	s8 =	smul.u32 $0x4F000, s8  }
0x6: {  	s31 =	simm.s32 $0x2;
	s4 =	simm.s32 $0x0;
	s7 =	smul.u32 $0x27800, s6  }
0x7: {  	[smem:$0x7FF] =	sst s4;
	s19 =	ssub.s32 $0x2, s6;
	s26 =	smul.u32 $0x500, s6  }
0x8: {  	s6 =	simm.s32 $0x100;
	_ =	strace $0x80000053;
	s2 =	sadd.s32 s2, s0  }
0x9: {  	s8 =	sshrl.u32 s8, $0x2;
	s9 =	sshrl.u32 s19, $0x1;
	s5 =	sadd.s32 s5, s7  }
0xa: {  	s7 =	ssub.s32 s19, s9;
	s0 =	sadd.s32 s5, s0;
	s5 =	sadd.s32 s8, s3  }
0xb: {  	s20 =	smax.u32 s7, $0x1;
	s7 =	simm.s32 $0x1;
	s8 =	sadd.s32 $0x13000, s5  }
0xc: {  	s0 =	sadd.s32 $0x67A00, s0;
	[dreg:$0x6] =	wrdreg s20;
	s21 =	sadd.s32 $0x1000, s5  }
0xd: {  	s22 =	sadd.s32 $0x2000, s5;
	s23 =	sadd.s32 $0x3000, s5;
	[dreg:$0x4] =	wrdreg s8  }
0xe: {  	s24 =	sadd.s32 $0x4000, s5;
	s25 =	sadd.s32 $0x5000, s5;
	[dreg:$0x5] =	wrdreg s0  }
0xf: {  	s14 =	sadd.s32 $0x6000, s5;
	s15 =	sadd.s32 $0x7000, s5;
	[dreg:$0x7] =	wrdreg s21  }
0x10: {  	s16 =	sadd.s32 $0x8000, s5;
	s17 =	sadd.s32 $0x9000, s5;
	[dreg:$0x8] =	wrdreg s22  }
0x11: {  	s18 =	sadd.s32 $0xA000, s5;
	s19 =	sadd.s32 $0xB000, s5;
	[dreg:$0x9] =	wrdreg s23  }
0x12: {  	s20 =	sadd.s32 $0xC000, s5;
	s28 =	sadd.s32 $0x11000, s5;
	[dreg:$0xa] =	wrdreg s24  }
0x13: {  	s29 =	sadd.s32 $0x12000, s5;
	[dreg:$0xb] =	wrdreg s25;
	s21 =	sadd.s32 $0xD000, s5  }
0x14: {  	s22 =	sadd.s32 $0xE000, s5;
	s23 =	sadd.s32 $0xF000, s5;
	s0 =	sadd.s32 s26, s2  }
0x15: {  	s26 =	sadd.s32 $0x10000, s5;
	s2 =	simm.s32 $0x3;
	s8 =	simm.s32 $0x0  }
0x16: {  	v0 =	vimm.f32 $0.0e+00;
	s24 =	sadd.s32 $0x5DA00, s0;
	s25 =	sadd.s32 $0x53A00, s0;
	s0 =	simm.s32 $0x80  }
.LBB2_1:
0x17: {  	s9 =	simm.s32 $0x0;
	s10 =	simm.s32 $0x200  }
.LBB2_2:
0x18: {  	p0 =	sne.s32 s10, $0x3E00;
	[tilespmem:s9+$0x17D70] =	vst v0  }
0x19: {  	[tilespmem:s9+$0x17D00] =	vst v0  }
0x1a: {  	[tilespmem:s9+$0x17D10] =	vst v0  }
.Ltmp0:
0x1b: {  	[tilespmem:s9+$0x17D20] =	vst v0;
	(pc) =	sbr.rel @p0 .LBB2_2-.Ltmp0, $4  }
0x1c: {  	[tilespmem:s9+$0x17D30] =	vst v0  }
0x1d: {  	[tilespmem:s9+$0x17D40] =	vst v0  }
0x1e: {  	[tilespmem:s9+$0x17D50] =	vst v0  }
0x1f: {  	[tilespmem:s9+$0x17D60] =	vst v0;
	s9 =	sshra.s32 s10, $0x2;
	s10 =	sadd.s32 $0x200, s10  }
0x20: {  	[tilespmem:s9+$0x17D70] =	vst v0  }
0x21: {  	[tilespmem:s9+$0x17D00] =	vst v0  }
0x22: {  	[tilespmem:s9+$0x17D10] =	vst v0  }
0x23: {  	[tilespmem:s9+$0x17D20] =	vst v0  }
0x24: {  	[tilespmem:s9+$0x17D30] =	vst v0  }
0x25: {  	[tilespmem:s9+$0x17D40] =	vst v0  }
0x26: {  	[tilespmem:s9+$0x17D50] =	vst v0  }
0x27: {  	[tilespmem:s9+$0x17D60] =	vst v0  }
0x28: {  	[spmem:s5] =	stream.linear.scatter [tilespmem:s30], [sflag:$0x2], $0x1000, $0x38;
	[tilespmem:$0x18D00] =	vst v63  }
0x29: {  	s10 =	rddreg [dreg:$0x7]  }
0x2a: {  	[spmem:s10] =	stream.linear.scatter [tilespmem:s30], [sflag:$0x2], $0x1000, $0x38;
	[tilespmem:$0x18D00] =	vst v63  }
0x2b: {  	s11 =	rddreg [dreg:$0x8]  }
0x2c: {  	[spmem:s11] =	stream.linear.scatter [tilespmem:s30], [sflag:$0x2], $0x1000, $0x38;
	[tilespmem:$0x18D00] =	vst v63  }
0x2d: {  	s12 =	rddreg [dreg:$0x9]  }
0x2e: {  	[spmem:s12] =	stream.linear.scatter [tilespmem:s30], [sflag:$0x2], $0x1000, $0x38;
	[tilespmem:$0x18D00] =	vst v63  }
0x2f: {  	s13 =	rddreg [dreg:$0xa]  }
0x30: {  	[spmem:s13] =	stream.linear.scatter [tilespmem:s30], [sflag:$0x2], $0x1000, $0x38;
	[tilespmem:$0x18D00] =	vst v63  }
0x31: {  	s10 =	rddreg [dreg:$0xb]  }
0x32: {  	[spmem:s10] =	stream.linear.scatter [tilespmem:s30], [sflag:$0x2], $0x1000, $0x38;
	[tilespmem:$0x18D00] =	vst v63  }
0x33: {  	_ = 	snop  }
0x34: {  	[spmem:s14] =	stream.linear.scatter [tilespmem:s30], [sflag:$0x2], $0x1000, $0x38;
	[tilespmem:$0x18D00] =	vst v63  }
0x35: {  	_ = 	snop  }
0x36: {  	[spmem:s15] =	stream.linear.scatter [tilespmem:s30], [sflag:$0x2], $0x1000, $0x38;
	[tilespmem:$0x18D00] =	vst v63  }
0x37: {  	_ = 	snop  }
0x38: {  	[spmem:s16] =	stream.linear.scatter [tilespmem:s30], [sflag:$0x2], $0x1000, $0x38;
	[tilespmem:$0x18D00] =	vst v63  }
0x39: {  	_ = 	snop  }
0x3a: {  	[spmem:s17] =	stream.linear.scatter [tilespmem:s30], [sflag:$0x2], $0x1000, $0x38;
	[tilespmem:$0x18D00] =	vst v63  }
0x3b: {  	_ = 	snop  }
0x3c: {  	[spmem:s18] =	stream.linear.scatter [tilespmem:s30], [sflag:$0x2], $0x1000, $0x38;
	[tilespmem:$0x18D00] =	vst v63  }
0x3d: {  	_ = 	snop  }
0x3e: {  	[spmem:s19] =	stream.linear.scatter [tilespmem:s30], [sflag:$0x2], $0x1000, $0x38;
	[tilespmem:$0x18D00] =	vst v63  }
0x3f: {  	_ = 	snop  }
0x40: {  	[spmem:s20] =	stream.linear.scatter [tilespmem:s30], [sflag:$0x2], $0x1000, $0x38;
	[tilespmem:$0x18D00] =	vst v63  }
0x41: {  	_ = 	snop  }
0x42: {  	[spmem:s21] =	stream.linear.scatter [tilespmem:s30], [sflag:$0x2], $0x1000, $0x38;
	[tilespmem:$0x18D00] =	vst v63  }
0x43: {  	_ = 	snop  }
0x44: {  	[spmem:s22] =	stream.linear.scatter [tilespmem:s30], [sflag:$0x2], $0x1000, $0x38;
	[tilespmem:$0x18D00] =	vst v63  }
0x45: {  	_ = 	snop  }
0x46: {  	[spmem:s23] =	stream.linear.scatter [tilespmem:s30], [sflag:$0x2], $0x1000, $0x38;
	[tilespmem:$0x18D00] =	vst v63  }
0x47: {  	_ = 	snop  }
0x48: {  	[spmem:s26] =	stream.linear.scatter [tilespmem:s30], [sflag:$0x2], $0x1000, $0x38;
	[tilespmem:$0x18D00] =	vst v63  }
0x49: {  	_ = 	snop  }
0x4a: {  	[spmem:s28] =	stream.linear.scatter [tilespmem:s30], [sflag:$0x2], $0x1000, $0x38;
	[tilespmem:$0x18D00] =	vst v63  }
0x4b: {  	_ = 	snop  }
0x4c: {  	[spmem:s29] =	stream.linear.scatter [tilespmem:s30], [sflag:$0x2], $0x1000, $0x38;
	[tilespmem:$0x18D00] =	vst v63  }
0x4d: {  	s11 =	rddreg [dreg:$0x4]  }
0x4e: {  	[spmem:s11] =	stream.linear.scatter [tilespmem:s30], [sflag:$0x2], $0xC00, $0x38;
	[tilespmem:$0x18D00] =	vst v63  }
0x4f: {  	_ =	swait.ge [sflag:s31], $0x1000  }
0x50: {  	[sflag:s31] =	ssyncset.done $0x0  }
0x51: {  	[sflag:s31] =	ssyncadd.s32 $0xFFFFF000  }
0x52: {  	_ =	swait.ge [sflag:s31], $0x1000  }
0x53: {  	[sflag:s31] =	ssyncset.done $0x0  }
0x54: {  	[sflag:s31] =	ssyncadd.s32 $0xFFFFF000  }
0x55: {  	_ =	swait.ge [sflag:s31], $0x1000  }
0x56: {  	[sflag:s31] =	ssyncset.done $0x0  }
0x57: {  	[sflag:s31] =	ssyncadd.s32 $0xFFFFF000  }
0x58: {  	_ =	swait.ge [sflag:s31], $0x1000  }
0x59: {  	[sflag:s31] =	ssyncset.done $0x0  }
0x5a: {  	[sflag:s31] =	ssyncadd.s32 $0xFFFFF000  }
0x5b: {  	_ =	swait.ge [sflag:s31], $0x1000  }
0x5c: {  	[sflag:s31] =	ssyncset.done $0x0  }
0x5d: {  	[sflag:s31] =	ssyncadd.s32 $0xFFFFF000  }
0x5e: {  	_ =	swait.ge [sflag:s31], $0x1000  }
0x5f: {  	[sflag:s31] =	ssyncset.done $0x0  }
0x60: {  	[sflag:s31] =	ssyncadd.s32 $0xFFFFF000  }
0x61: {  	_ =	swait.ge [sflag:s31], $0x1000  }
0x62: {  	[sflag:s31] =	ssyncset.done $0x0  }
0x63: {  	[sflag:s31] =	ssyncadd.s32 $0xFFFFF000  }
0x64: {  	_ =	swait.ge [sflag:s31], $0x1000  }
0x65: {  	[sflag:s31] =	ssyncset.done $0x0  }
0x66: {  	[sflag:s31] =	ssyncadd.s32 $0xFFFFF000  }
0x67: {  	_ =	swait.ge [sflag:s31], $0x1000  }
0x68: {  	[sflag:s31] =	ssyncset.done $0x0  }
0x69: {  	[sflag:s31] =	ssyncadd.s32 $0xFFFFF000  }
0x6a: {  	_ =	swait.ge [sflag:s31], $0x1000  }
0x6b: {  	[sflag:s31] =	ssyncset.done $0x0  }
0x6c: {  	[sflag:s31] =	ssyncadd.s32 $0xFFFFF000  }
0x6d: {  	_ =	swait.ge [sflag:s31], $0x1000  }
0x6e: {  	[sflag:s31] =	ssyncset.done $0x0  }
0x6f: {  	[sflag:s31] =	ssyncadd.s32 $0xFFFFF000  }
0x70: {  	_ =	swait.ge [sflag:s31], $0x1000  }
0x71: {  	[sflag:s31] =	ssyncset.done $0x0  }
0x72: {  	[sflag:s31] =	ssyncadd.s32 $0xFFFFF000  }
0x73: {  	_ =	swait.ge [sflag:s31], $0x1000  }
0x74: {  	[sflag:s31] =	ssyncset.done $0x0  }
0x75: {  	[sflag:s31] =	ssyncadd.s32 $0xFFFFF000  }
0x76: {  	_ =	swait.ge [sflag:s31], $0x1000  }
0x77: {  	[sflag:s31] =	ssyncset.done $0x0  }
0x78: {  	[sflag:s31] =	ssyncadd.s32 $0xFFFFF000  }
0x79: {  	_ =	swait.ge [sflag:s31], $0x1000  }
0x7a: {  	[sflag:s31] =	ssyncset.done $0x0  }
0x7b: {  	[sflag:s31] =	ssyncadd.s32 $0xFFFFF000  }
0x7c: {  	_ =	swait.ge [sflag:s31], $0x1000  }
0x7d: {  	[sflag:s31] =	ssyncset.done $0x0  }
0x7e: {  	[sflag:s31] =	ssyncadd.s32 $0xFFFFF000  }
0x7f: {  	_ =	swait.ge [sflag:s31], $0x1000  }
0x80: {  	[sflag:s31] =	ssyncset.done $0x0  }
0x81: {  	[sflag:s31] =	ssyncadd.s32 $0xFFFFF000  }
0x82: {  	_ =	swait.ge [sflag:s31], $0x1000  }
0x83: {  	[sflag:s31] =	ssyncset.done $0x0  }
0x84: {  	[sflag:s31] =	ssyncadd.s32 $0xFFFFF000  }
0x85: {  	_ =	swait.ge [sflag:s31], $0x1000  }
0x86: {  	[sflag:s31] =	ssyncset.done $0x0  }
0x87: {  	[sflag:s31] =	ssyncadd.s32 $0xFFFFF000  }
0x88: {  	_ =	swait.ge [sflag:s31], $0xC00  }
0x89: {  	[sflag:s31] =	ssyncset.done $0x0  }
0x8a: {  	[sflag:s31] =	ssyncadd.s32 $0xFFFFF400  }
0x8b: {  	s12 =	sadd.s32 $0x0, s25;
	[bflag:$0x0] =	sbarrier.arrive $0xFFFF  }
0x8c: {  	[tilespmem:s4], [sflag:$0x3] =	stream.linear.gather [hbm4b:s12+s4], $0x80, $0x38;
	[tilespmem:$0x18D00] =	vst v63  }
0x8d: {  	_ =	swait.ge [sflag:s2], $0x80  }
0x8e: {  	[sflag:s2] =	ssyncset.done $0x0  }
0x8f: {  	s13 =	sadd.s32 $0x0, s24;
	[sflag:s2] =	ssyncadd.s32 $0xFFFFFF80  }
0x90: {  	[tilespmem:s0], [sflag:$0x3] =	stream.linear.gather [hbm4b:s13+s4], $0x80, $0x38;
	[tilespmem:$0x18D00] =	vst v63  }
0x91: {  	_ =	swait.ge [sflag:s2], $0x80  }
0x92: {  	[sflag:s2] =	ssyncset.done $0x0  }
0x93: {  	[sflag:s2] =	ssyncadd.s32 $0xFFFFFF80  }
0x94: {  	[tilespmem:s6], [sflag:$0x1] =	stream.indirect.gather [hbm4b:s1+s0], $0x80, s4, s0, $0xb8;
	[tilespmem:$0x18D00] =	vst v63  }
0x95: {  	_ =	swait.ge [sflag:s7], $0x4000  }
0x96: {  	[sflag:s7] =	ssyncset.done $0x0  }
0x97: {  	[sflag:s7] =	ssyncadd.s32 $0xFFFFC000  }
0x98: {  	[spmem:s3] =	stream.indirect.scatter.add.f32 [tilespmem:s6], [sflag:$0x3], $0x80, s0, s0, $0xb8;
	[tilespmem:$0x18D00] =	vst v63  }
0x99: {  	_ =	swait.ge [sflag:s2], $0x4000  }
0x9a: {  	s9 =	simm.s32 $0x10;
	s10 =	simm.s32 $0x20;
	[sflag:s2] =	ssyncset.done $0x0  }
.LBB2_4:
0x9b: {  	s11 =	sadd.s32 s9, s25  }
0x9c: {  	[sflag:s2] =	ssyncadd.s32 $0xFFFFC000;
	s12 =	smov.u32 s10;
	s13 =	sadd.s32 $0x10, s10  }
0x9d: {  	[tilespmem:s4], [sflag:$0x3] =	stream.linear.gather [hbm4b:s11+s4], $0x80, $0x38;
	[tilespmem:$0x18D00] =	vst v63  }
0x9e: {  	p0 =	sne.s32 s10, $0x4F0;
	_ =	swait.ge [sflag:s2], $0x80  }
0x9f: {  	[sflag:s2] =	ssyncset.done $0x0  }
0xa0: {  	s10 =	sadd.s32 s9, s24;
	s9 =	smov.u32 s12;
	[sflag:s2] =	ssyncadd.s32 $0xFFFFFF80  }
0xa1: {  	[tilespmem:s0], [sflag:$0x3] =	stream.linear.gather [hbm4b:s10+s4], $0x80, $0x38;
	[tilespmem:$0x18D00] =	vst v63  }
0xa2: {  	_ =	swait.ge [sflag:s2], $0x80  }
0xa3: {  	[sflag:s2] =	ssyncset.done $0x0  }
0xa4: {  	[sflag:s2] =	ssyncadd.s32 $0xFFFFFF80  }
0xa5: {  	[tilespmem:s6], [sflag:$0x1] =	stream.indirect.gather [hbm4b:s1+s0], $0x80, s4, s0, $0xb8;
	[tilespmem:$0x18D00] =	vst v63  }
0xa6: {  	_ =	swait.ge [sflag:s7], $0x4000  }
.Ltmp1:
0xa7: {  	[sflag:s7] =	ssyncset.done $0x0;
	(pc) =	sbr.rel @p0 .LBB2_4-.Ltmp1, $4  }
0xa8: {  	[sflag:s7] =	ssyncadd.s32 $0xFFFFC000  }
0xa9: {  	[spmem:s3] =	stream.indirect.scatter.add.f32 [tilespmem:s6], [sflag:$0x3], $0x80, s0, s0, $0xb8;
	[tilespmem:$0x18D00] =	vst v63  }
0xaa: {  	_ =	swait.ge [sflag:s2], $0x4000  }
0xab: {  	s10 =	smov.u32 s13;
	[sflag:s2] =	ssyncset.done $0x0  }
0xac: {  	s10 =	sadd.s32 s9, s25;
	[sflag:s2] =	ssyncadd.s32 $0xFFFFC000  }
0xad: {  	[tilespmem:s4], [sflag:$0x3] =	stream.linear.gather [hbm4b:s10+s4], $0x80, $0x38;
	[tilespmem:$0x18D00] =	vst v63  }
0xae: {  	_ =	swait.ge [sflag:s2], $0x80  }
0xaf: {  	[sflag:s2] =	ssyncset.done $0x0  }
0xb0: {  	s10 =	sadd.s32 s9, s24;
	[sflag:s2] =	ssyncadd.s32 $0xFFFFFF80  }
0xb1: {  	[tilespmem:s0], [sflag:$0x3] =	stream.linear.gather [hbm4b:s10+s4], $0x80, $0x38;
	[tilespmem:$0x18D00] =	vst v63  }
0xb2: {  	_ =	swait.ge [sflag:s2], $0x80  }
0xb3: {  	[sflag:s2] =	ssyncset.done $0x0  }
0xb4: {  	[sflag:s2] =	ssyncadd.s32 $0xFFFFFF80  }
0xb5: {  	[tilespmem:s6], [sflag:$0x1] =	stream.indirect.gather [hbm4b:s1+s0], $0x80, s4, s0, $0xb8;
	[tilespmem:$0x18D00] =	vst v63  }
0xb6: {  	_ =	swait.ge [sflag:s7], $0x4000  }
0xb7: {  	[sflag:s7] =	ssyncset.done $0x0  }
0xb8: {  	[sflag:s7] =	ssyncadd.s32 $0xFFFFC000  }
0xb9: {  	[spmem:s3] =	stream.indirect.scatter.add.f32 [tilespmem:s6], [sflag:$0x3], $0x80, s0, s0, $0xb8;
	[tilespmem:$0x18D00] =	vst v63  }
0xba: {  	_ =	swait.ge [sflag:s2], $0x4000  }
0xbb: {  	[sflag:s2] =	ssyncset.done $0x0  }
0xbc: {  	s11 =	stileid.u32;
	[sflag:s2] =	ssyncadd.s32 $0xFFFFC000  }
0xbd: {  	s9 =	sshll.u32 s11, $0x6;
	[bflag:$0x0] =	sbarrier.arrive $0xFFFF  }
0xbe: {  	s12 =	sshrl.u32 s5, $0x3;
	s9 =	sor.u32 $0x1C03, s9;
	s11 =	rddreg [dreg:$0x5]  }
0xbf: {  	[hbm:s11], [sflag:s9] =	dma.local [spmem:s12], $0x2780  }
0xc0: {  	_ =	swait.ge [sflag:s2], $0x2780  }
0xc1: {  	s8 =	sadd.s32 $0x1, s8;
	s13 =	rddreg [dreg:$0x6]  }
0xc2: {  	p0 =	sne.s32 s8, s13  }
.Ltmp2:
0xc3: {  	_ = 	snop;
	(pc) =	sbr.rel @p0 .LBB2_1-.Ltmp2, $3  }
0xc4: {  	_ =	sdelay $0x1  }
0xc5: {  	[sflag:s2] =	ssyncset.done $0x0  }
0xc6: {  	[sflag:s2] =	ssyncadd.s32 $0xFFFFD880  }
0xc7: {  	_ =	sfence.sel $0x180000  }
0xc8: {  	[bflag:$0x0] =	sbarrier.arrive $0xFFFF  }
0xc9: {  	_ =	strace $0x90000053  }
0xca: {  	s0 =	stileid.u32;
	[bflag:$0x2] =	sbarrier.arrive $0xFFFF  }
0xcb: {  	p0 =	sne.s32 s0, $0x0;
	s0 =	rddreg [dreg:$0x3]  }
0xcc: {  	s0 =	sadd.s32 @!p0 $0x100000, s0  }
0xcd: {  	[sflag:s0] =	ssyncadd.tile.s32 @!p0 $0x1;
	_ =	shalt  }
.Lfunc_end2:
_tile_overlayer_lowered:
.L_overlay_start_2:
0xce: {  	(tag) =	ssettag $0x2  }
0xcf: {  	s0 =	rddreg [dreg:$0x0];
	s2 =	stileid.u32  }
0xd0: {  	s1 =	rddreg [dreg:$0x1];
	p0 =	sne.s32 s2, $0x0  }
0xd1: {  	s3 =	rddreg [dreg:$0x2];
	[bflag:$0x3] =	sbarrier.arrive $0xFFFF;
	s2 =	simm.s32 @!p0 $0x1C03  }
0xd2: {  	[timem:s3], [sflag:s2] =	dma.local @!p0 [hbm:s0], s1  }
0xd3: {  	s0 =	simm.s32 @!p0 $0x3  }
0xd4: {  	_ =	swait.ge @!p0 [sflag:s0], s1  }
0xd5: {  	s1 =	ssub.s32 @!p0 $0x0, s1;
	[sflag:s0] =	ssyncset.done @!p0 $0x0  }
0xd6: {  	[sflag:s0] =	ssyncadd.s32 @!p0 s1  }
0xd7: {  	[bflag:$0x3] =	sbarrier.arrive $0xFFFF  }
0xd8: {  	_ =	shalt  }

</sc_bundles>
